<compile_context>
chip_gen: v7x
topology: tpu7x:2x2x1
jax: 0.10.2.dev20260603
libtpu: 0.0.44.dev20260713+nightly
codegen_flags: <defaults>
</compile_context>

<pallas_src>
import functools
import jax
import jax.numpy as jnp
from jax import lax
from jax.experimental import pallas as pl
from jax.experimental.pallas import tpu as pltpu
from jax.experimental.pallas import tpu_sc as plsc

_B, _S, _D = 16, 2048, 512
_NV, _H = 32, 512
_T = _S + _NV
_HALF = _T // 2
_CH = 80
_PCH = 80
_ZCH = 40
_LANES = 16


def _mlp_body(emb_ref, w1_ref, b1_ref, w2_ref, b2_ref, out_ref):
    h = jnp.tanh(
        jnp.dot(emb_ref[...], w1_ref[...],
                preferred_element_type=jnp.float32) + b1_ref[...])
    out_ref[...] = jnp.dot(
        h, w2_ref[...], preferred_element_type=jnp.float32) + b2_ref[...]


def _virtual_rows(embed_table, W1, b1, W2, b2):
    return pl.pallas_call(
        _mlp_body,
        out_shape=jax.ShapeDtypeStruct((_NV, _D), jnp.float32),
    )(embed_table, W1, b1.reshape(1, _H), W2, b2.reshape(1, _D))


def _sc_body(inp_hbm, seq_hbm, virt_hbm, zeros_hbm, out_hbm,
             buf2, vbuf, zbuf, seqv, semA, semB, semZ, semOutA, semOutB):
    c = lax.axis_index("c")
    s = lax.axis_index("s")
    wid = s * 2 + c
    b = wid % _B
    half = wid // _B
    row0 = half * _HALF
    r1 = row0 + _HALF

    @pl.when(s == 0)
    def _init_zshared():
        pltpu.sync_copy(zeros_hbm, zbuf)

    pltpu.sync_copy(seq_hbm, seqv.at[pl.ds(0, 16)])
    plsc.subcore_barrier()

    ln = seqv[pl.ds(b, 16)][0]

    copy_rows = jnp.clip(ln - row0, 0, _HALF)
    n_full = copy_rows // _CH

    z0 = jnp.clip(ln + _NV, row0, r1)
    zsu = row0 + ((z0 - row0 + _ZCH - 1) // _ZCH) * _ZCH

    zrows = r1 - zsu
    zbig = (zrows // 640) * 640
    zrem = zrows - zbig

    zq = zrem // _ZCH

    def _zpiece_args():
        args = []
        o = zsu
        args.append((zbig > 0, o, 640))
        o = o + zbig
        for m in (8, 4, 2, 1):
            take = (zq & m) * _ZCH
            args.append((take > 0, o, m * _ZCH))
            o = o + take
        return args

    def _zdo(start):
        for cond, o, z in _zpiece_args():
            @pl.when(cond)
            def _f(o=o, z=z):
                cpy = pltpu.make_async_copy(
                    zbuf.at[pl.ds(0, z)],
                    out_hbm.at[b, pl.ds(pl.multiple_of(o, 8), z), :], semZ)
                if start:
                    cpy.start()
                else:
                    cpy.wait()
    _zdo(True)

    def _src(k):
        ro = pl.multiple_of(row0 + k * _CH, 8)
        return inp_hbm.at[b, pl.ds(ro, _CH), :]

    def _dst(k):
        ro = pl.multiple_of(row0 + k * _CH, 8)
        return out_hbm.at[b, pl.ds(ro, _CH), :]

    @pl.when(n_full > 0)
    def _prologue0():
        pltpu.make_async_copy(_src(0), buf2.at[0], semA).start()

    @pl.when(n_full > 1)
    def _prologue1():
        pltpu.make_async_copy(_src(1), buf2.at[1], semB).start()

    def _cpair(p_, carry):
        k0 = 2 * p_
        k1 = k0 + 1

        @pl.when(k0 > 0)
        def _wout0():
            pltpu.make_async_copy(buf2.at[0], _dst(k0 - 2), semOutA).wait()

        @pl.when(k0 > 0)
        def _start_in0():
            pltpu.make_async_copy(_src(k0), buf2.at[0], semA).start()

        pltpu.make_async_copy(_src(k0), buf2.at[0], semA).wait()
        pltpu.make_async_copy(buf2.at[0], _dst(k0), semOutA).start()

        @pl.when(k1 < n_full)
        def _slot1():
            @pl.when(k1 > 1)
            def _wout1():
                pltpu.make_async_copy(buf2.at[1], _dst(k1 - 2),
                                      semOutB).wait()

            @pl.when(k1 > 1)
            def _start_in1():
                pltpu.make_async_copy(_src(k1), buf2.at[1], semB).start()

            pltpu.make_async_copy(_src(k1), buf2.at[1], semB).wait()
            pltpu.make_async_copy(buf2.at[1], _dst(k1), semOutB).start()
        return carry
    lax.fori_loop(0, (n_full + 1) // 2, _cpair, 0)

    @pl.when(n_full > 0)
    def _drain_out0():
        klast0 = ((n_full - 1) // 2) * 2
        pltpu.make_async_copy(buf2.at[0], _dst(klast0), semOutA).wait()

    @pl.when(n_full > 1)
    def _drain_out1():
        klast1 = ((n_full - 2) // 2) * 2 + 1
        pltpu.make_async_copy(buf2.at[1], _dst(klast1), semOutB).wait()

    owner = jnp.logical_and(ln >= row0, ln < r1)

    @pl.when(owner)
    def _owner_work():
        pltpu.sync_copy(virt_hbm, vbuf)
        len8 = (ln // 8) * 8
        pstart = pl.multiple_of(jnp.minimum(len8, _T - _PCH), 8)
        p = ln - pstart
        off = row0 + n_full * _CH
        rem8 = pstart - off

        @pl.when(rem8 > 0)
        def _remainder():
            src0 = pl.multiple_of(jnp.minimum(off, _S - _CH), 8)
            delta = off - src0
            pltpu.sync_copy(inp_hbm.at[b, pl.ds(src0, _CH), :], buf2.at[0])
            o = off
            d = delta
            for z in (64, 32, 16, 8):
                take = rem8 & z

                @pl.when(take > 0)
                def _piece(o=o, d=d, z=z):
                    pltpu.sync_copy(
                        buf2.at[0, pl.ds(pl.multiple_of(d, 8), z)],
                        out_hbm.at[b, pl.ds(pl.multiple_of(o, 8), z), :])
                o = o + take
                d = d + take

        pltpu.sync_copy(inp_hbm.at[b, pl.ds(pstart, 48), :],
                        buf2.at[1, pl.ds(0, 48)])

        def _vrow(j, carry):
            for l in range(_D // _LANES):
                buf2[1, p + j, pl.ds(l * _LANES, _LANES)] = (
                    vbuf[j, pl.ds(l * _LANES, _LANES)])
            return carry
        lax.fori_loop(0, _NV, _vrow, 0)

        zero16 = jnp.zeros((_LANES,), jnp.float32)

        def _zrow(j, carry):
            for l in range(_D // _LANES):
                buf2[1, p + _NV + j, pl.ds(l * _LANES, _LANES)] = zero16
            return carry
        lax.fori_loop(0, _PCH - _NV - p, _zrow, 0)

        pltpu.sync_copy(buf2.at[1, pl.ds(0, _PCH)],
                        out_hbm.at[b, pl.ds(pstart, _PCH), :])

    _zdo(False)


@functools.partial(
    pl.kernel,
    out_type=jax.ShapeDtypeStruct((_B, _T, _D), jnp.float32),
    mesh=plsc.VectorSubcoreMesh(core_axis_name="c", subcore_axis_name="s"),
    scratch_types=[
        pltpu.VMEM((2, _CH, _D), jnp.float32),
        pltpu.VMEM((_NV, _D), jnp.float32),
        pltpu.VMEM_SHARED((640, _D), jnp.float32),
        pltpu.VMEM((48,), jnp.int32),
        pltpu.SemaphoreType.DMA,
        pltpu.SemaphoreType.DMA,
        pltpu.SemaphoreType.DMA,
        pltpu.SemaphoreType.DMA,
        pltpu.SemaphoreType.DMA,
    ],
)
def _sc_assemble(inp_hbm, seq_hbm, virt_hbm, zeros_hbm, out_hbm,
                 buf2, vbuf, zbuf, seqv, semA, semB, semZ, semOutA, semOutB):
    _sc_body(inp_hbm, seq_hbm, virt_hbm, zeros_hbm, out_hbm,
             buf2, vbuf, zbuf, seqv, semA, semB, semZ, semOutA, semOutB)


def kernel(inputs, seq_len, embed_table, W1, b1, W2, b2):
    seq_len = seq_len.astype(jnp.int32)
    virtual = _virtual_rows(embed_table, W1, b1, W2, b2)
    zeros = jnp.zeros((640, _D), jnp.float32)
    out = _sc_assemble(inputs, seq_len, virtual, zeros)
    return out, seq_len + _NV

# --- scband reference (transcript-rebuilt; emitter-appended) ---
"""Pipeline reference for scband-point-union-17222818857431 (READ-ONLY COPY).

The authoritative reference and input builder live on the scoring server;
editing this copy changes nothing except your own understanding.
"""

import jax, jax.numpy as jnp
import numpy as np

B, S, D = 16, 2048, 512
NV, H = 32, 512

def setup_inputs(seed: int = 0) -> dict:
    key = jax.random.key(seed)
    ks = jax.random.split(key, 7)
    inputs = jax.random.normal(ks[0], (B, S, D), dtype=jnp.float32)
    seq_len = jax.random.randint(ks[1], (B,), 0, S, dtype=jnp.int64 if jax.config.jax_enable_x64 else jnp.int32).astype(jnp.int32)
    embed_table = jax.random.normal(ks[2], (NV, H), dtype=jnp.float32)
    W1 = jax.random.normal(ks[3], (H, H), dtype=jnp.float32) * (1.0 / np.sqrt(H))
    b1 = jnp.zeros((H,), dtype=jnp.float32)
    W2 = jax.random.normal(ks[4], (H, D), dtype=jnp.float32) * (1.0 / np.sqrt(H))
    b2 = jnp.zeros((D,), dtype=jnp.float32)
    return {"inputs": inputs, "seq_len": seq_len, "embed_table": embed_table, "W1": W1, "b1": b1, "W2": W2, "b2": b2}

def reference(inputs, seq_len, embed_table, W1, b1, W2, b2):
    # PointUnion.append_virtual_embedding (projection=True, task_type != TYPE_IDENTIFY)
    b, s, d = inputs.shape
    nv = embed_table.shape[0]
    # virtual tokens: same indices stacked per batch -> identical rows; compute once
    tok = embed_table  # [NV, H] == virtual_embeds(arange(NV))
    virtual = jnp.tanh(tok @ W1 + b1) @ W2 + b2  # [NV, D]
    T = s + nv
    t = jnp.arange(T)[None, :]                      # [1, T]
    lens = seq_len[:, None].astype(jnp.int32)        # [B, 1]
    in_mask = t < lens                               # copy original tokens
    v_mask = (t >= lens) & (t < lens + nv)           # virtual tokens at ragged end
    inputs_pad = jnp.pad(inputs, ((0, 0), (0, nv), (0, 0)))  # [B, T, D]
    v_idx = jnp.clip(t - lens, 0, nv - 1)            # [B, T]
    v_gather = jnp.take(virtual, v_idx, axis=0)      # [B, T, D]
    out = jnp.where(in_mask[..., None], inputs_pad, jnp.zeros((), dtype=inputs.dtype))
    out = jnp.where(v_mask[..., None], v_gather, out)
    augment_length = seq_len + nv
    return out, augment_length

if __name__ == "__main__":
    import jax
    _d = setup_inputs()
    print(jax.jit(kernel)(*tuple(_d.values())))

</pallas_src>

<mosaic_0001>
#map = affine_map<(d0, d1) -> (0, 0, 0)>
#map1 = affine_map<(d0, d1) -> (0)>
#map2 = affine_map<(d0, d1) -> (0, 0)>
module attributes {stable_mosaic.version = 14 : i64} {
  func.func @_sc_assemble(%arg0: i32, %arg1: i32, %arg2: memref<16x2048x512xf32, #tpu.memory_space<hbm>>, %arg3: memref<16xi32, #tpu.memory_space<hbm>>, %arg4: memref<32x512xf32, #tpu.memory_space<hbm>>, %arg5: memref<640x512xf32, #tpu.memory_space<hbm>>, %arg6: memref<16x2080x512xf32, #tpu.memory_space<hbm>>, %arg7: memref<2x80x512xf32, #tpu.memory_space<vmem>>, %arg8: memref<32x512xf32, #tpu.memory_space<vmem>>, %arg9: memref<640x512xf32, #tpu.memory_space<vmem_shared>>, %arg10: memref<48xi32, #tpu.memory_space<vmem>>, %arg11: memref<!tpu.dma_semaphore, #tpu.memory_space<semaphore_mem>>, %arg12: memref<!tpu.dma_semaphore, #tpu.memory_space<semaphore_mem>>, %arg13: memref<!tpu.dma_semaphore, #tpu.memory_space<semaphore_mem>>, %arg14: memref<!tpu.dma_semaphore, #tpu.memory_space<semaphore_mem>>, %arg15: memref<!tpu.dma_semaphore, #tpu.memory_space<semaphore_mem>>) attributes {dimension_semantics = [#tpu.dimension_semantics<core_parallel>, #tpu.dimension_semantics<subcore_parallel>], iteration_bounds = array<i64: 2, 16>, scalar_prefetch = 0 : i64, scratch_operands = 9 : i64, tpu.core_type = #tpu.core_type<sc_vector_subcore>, window_params = [{transform_indices = #map}, {transform_indices = #map1}, {transform_indices = #map2}, {transform_indices = #map2}, {transform_indices = #map}]} {
    %mul3A = arith.constant 2 : i32
    %mul3A_0 = arith.muli %arg1, %mul3A : i32
    %add3A = arith.addi %mul3A_0, %arg0 : i32
    %jit3A = arith.constant 16 : i32
    %eq3A = arith.constant 0 : i32
    %eq3A_1 = arith.cmpi eq, %jit3A, %eq3A : i32
    %jit3A_2 = arith.constant 1 : i32
    %select_n3A = arith.select %eq3A_1, %jit3A_2, %jit3A : i32
    %rem3A = arith.remsi %add3A, %select_n3A : i32
    %ne3A = arith.constant 0 : i32
    %ne3A_3 = arith.cmpi ne, %rem3A, %ne3A : i32
    %lt3A = arith.constant 0 : i32
    %lt3A_4 = arith.cmpi slt, %rem3A, %lt3A : i32
    %lt3A_5 = arith.constant 0 : i32
    %lt3A_6 = arith.cmpi slt, %select_n3A, %lt3A_5 : i32
    %ne3A_7 = arith.xori %lt3A_4, %lt3A_6 : i1
    %and3A = arith.andi %ne3A_7, %ne3A_3 : i1
    %add3A_8 = arith.addi %rem3A, %select_n3A : i32
    %select_n3A_9 = arith.select %and3A, %add3A_8, %rem3A : i32
    %jit3A_10 = arith.constant 16 : i32
    %div3A = arith.divsi %add3A, %jit3A_10 : i32
    %sign3A = arith.constant 0 : i32
    %sign3A_11 = arith.cmpi sgt, %add3A, %sign3A : i32
    %sign3A_12 = arith.extui %sign3A_11 : i1 to i32
    %sign3A_13 = arith.constant 0 : i32
    %sign3A_14 = arith.cmpi slt, %add3A, %sign3A_13 : i32
    %sign3A_15 = arith.extui %sign3A_14 : i1 to i32
    %sign3A_16 = arith.subi %sign3A_12, %sign3A_15 : i32
    %sign3A_17 = arith.constant 0 : i32
    %sign3A_18 = arith.cmpi sgt, %jit3A_10, %sign3A_17 : i32
    %sign3A_19 = arith.extui %sign3A_18 : i1 to i32
    %sign3A_20 = arith.constant 0 : i32
    %sign3A_21 = arith.cmpi slt, %jit3A_10, %sign3A_20 : i32
    %sign3A_22 = arith.extui %sign3A_21 : i1 to i32
    %sign3A_23 = arith.subi %sign3A_19, %sign3A_22 : i32
    %ne3A_24 = arith.cmpi ne, %sign3A_16, %sign3A_23 : i32
    %rem3A_25 = arith.remsi %add3A, %jit3A_10 : i32
    %ne3A_26 = arith.constant 0 : i32
    %ne3A_27 = arith.cmpi ne, %rem3A_25, %ne3A_26 : i32
    %and3A_28 = arith.andi %ne3A_24, %ne3A_27 : i1
    %sub3A = arith.constant 1 : i32
    %sub3A_29 = arith.subi %div3A, %sub3A : i32
    %select_n3A_30 = arith.select %and3A_28, %sub3A_29, %div3A : i32
    %mul3A_31 = arith.constant 1040 : i32
    %mul3A_32 = arith.muli %select_n3A_30, %mul3A_31 : i32
    %add3A_33 = arith.constant 1040 : i32
    %add3A_34 = arith.addi %mul3A_32, %add3A_33 : i32
    %eq3A_35 = arith.constant 0 : i32
    %eq3A_36 = arith.cmpi eq, %arg1, %eq3A_35 : i32
    %convert_element_type3A = arith.extui %eq3A_36 : i1 to i32
    %cond3A = arith.constant 0 : i32
    %cond3A_37 = arith.cmpi ne, %convert_element_type3A, %cond3A : i32
    scf.if %cond3A_37 {
      "tpu.region"() ({
        %run_scoped3A = tpu.sem_alloc : memref<!tpu.dma_semaphore, #tpu.memory_space<semaphore_mem>>
        tpu.enqueue_dma source(%arg5 : memref<640x512xf32, #tpu.memory_space<hbm>>) target(%arg9 : memref<640x512xf32, #tpu.memory_space<vmem_shared>>) target_semaphore(%run_scoped3A : memref<!tpu.dma_semaphore, #tpu.memory_space<semaphore_mem>>)
        tpu.wait_dma2 semaphore(%run_scoped3A : memref<!tpu.dma_semaphore, #tpu.memory_space<semaphore_mem>>) src(%arg5 : memref<640x512xf32, #tpu.memory_space<hbm>>) dst(%arg9 : memref<640x512xf32, #tpu.memory_space<vmem_shared>>)
        tpu.yield
      }) : () -> ()
    } else {
    }
    "tpu.region"() ({
      %run_scoped3A = tpu.sem_alloc : memref<!tpu.dma_semaphore, #tpu.memory_space<semaphore_mem>>
      %dma_start3A = arith.constant 0 : i32
      %dma_start3A_306 = tpu.memref_slice %arg10[%dma_start3A] : memref<48xi32, #tpu.memory_space<vmem>> -> memref<16xi32, #tpu.memory_space<vmem>>
      %dma_start3A_307 = arith.constant 0 : i32
      %dma_start3A_308 = tpu.memref_slice %arg10[%dma_start3A_307] : memref<48xi32, #tpu.memory_space<vmem>> -> memref<16xi32, #tpu.memory_space<vmem>>
      tpu.enqueue_dma source(%arg3 : memref<16xi32, #tpu.memory_space<hbm>>) target(%dma_start3A_308 : memref<16xi32, #tpu.memory_space<vmem>>) target_semaphore(%run_scoped3A : memref<!tpu.dma_semaphore, #tpu.memory_space<semaphore_mem>>)
      %dma_wait3A = arith.constant 0 : i32
      %dma_wait3A_309 = tpu.memref_slice %arg10[%dma_wait3A] : memref<48xi32, #tpu.memory_space<vmem>> -> memref<16xi32, #tpu.memory_space<vmem>>
      %dma_wait3A_310 = arith.constant 0 : i32
      %dma_wait3A_311 = tpu.memref_slice %arg10[%dma_wait3A_310] : memref<48xi32, #tpu.memory_space<vmem>> -> memref<16xi32, #tpu.memory_space<vmem>>
      tpu.wait_dma2 semaphore(%run_scoped3A : memref<!tpu.dma_semaphore, #tpu.memory_space<semaphore_mem>>) src(%arg3 : memref<16xi32, #tpu.memory_space<hbm>>) dst(%dma_wait3A_311 : memref<16xi32, #tpu.memory_space<vmem>>)
      tpu.yield
    }) : () -> ()
    %barrier3A = arith.constant 0 : index
    tpu.barrier barrier_id(%barrier3A)
    %get3A = arith.index_cast %select_n3A_9 : i32 to index
    %get3A_38 = tpu.vector_load %arg10[%get3A] {strides = array<i32>} : memref<48xi32, #tpu.memory_space<vmem>>, vector<16xi32>,
    %get3A_39 = vector.shape_cast %get3A_38 : vector<16xi32> to vector<16xi32>
    %slice3A = vector.extract_strided_slice %get3A_39 {offsets = [0], sizes = [1], strides = [1]} : vector<16xi32> to vector<1xi32>
    %squeeze3A = vector.extract %slice3A[0] : i32 from vector<1xi32>
    %sub3A_40 = arith.subi %squeeze3A, %mul3A_32 : i32
    %jit3A_41 = arith.constant 0 : i32
    %jit3A_42 = arith.constant 1040 : i32
    %max3A = arith.maxsi %jit3A_41, %sub3A_40 : i32
    %min3A = arith.minsi %jit3A_42, %max3A : i32
    %jit3A_43 = arith.constant 80 : i32
    %div3A_44 = arith.divsi %min3A, %jit3A_43 : i32
    %sign3A_45 = arith.constant 0 : i32
    %sign3A_46 = arith.cmpi sgt, %min3A, %sign3A_45 : i32
    %sign3A_47 = arith.extui %sign3A_46 : i1 to i32
    %sign3A_48 = arith.constant 0 : i32
    %sign3A_49 = arith.cmpi slt, %min3A, %sign3A_48 : i32
    %sign3A_50 = arith.extui %sign3A_49 : i1 to i32
    %sign3A_51 = arith.subi %sign3A_47, %sign3A_50 : i32
    %sign3A_52 = arith.constant 0 : i32
    %sign3A_53 = arith.cmpi sgt, %jit3A_43, %sign3A_52 : i32
    %sign3A_54 = arith.extui %sign3A_53 : i1 to i32
    %sign3A_55 = arith.constant 0 : i32
    %sign3A_56 = arith.cmpi slt, %jit3A_43, %sign3A_55 : i32
    %sign3A_57 = arith.extui %sign3A_56 : i1 to i32
    %sign3A_58 = arith.subi %sign3A_54, %sign3A_57 : i32
    %ne3A_59 = arith.cmpi ne, %sign3A_51, %sign3A_58 : i32
    %rem3A_60 = arith.remsi %min3A, %jit3A_43 : i32
    %ne3A_61 = arith.constant 0 : i32
    %ne3A_62 = arith.cmpi ne, %rem3A_60, %ne3A_61 : i32
    %and3A_63 = arith.andi %ne3A_59, %ne3A_62 : i1
    %sub3A_64 = arith.constant 1 : i32
    %sub3A_65 = arith.subi %div3A_44, %sub3A_64 : i32
    %select_n3A_66 = arith.select %and3A_63, %sub3A_65, %div3A_44 : i32
    %add3A_67 = arith.constant 32 : i32
    %add3A_68 = arith.addi %squeeze3A, %add3A_67 : i32
    %max3A_69 = arith.maxsi %mul3A_32, %add3A_68 : i32
    %min3A_70 = arith.minsi %add3A_34, %max3A_69 : i32
    %sub3A_71 = arith.subi %min3A_70, %mul3A_32 : i32
    %add3A_72 = arith.constant 40 : i32
    %add3A_73 = arith.addi %sub3A_71, %add3A_72 : i32
    %sub3A_74 = arith.constant 1 : i32
    %sub3A_75 = arith.subi %add3A_73, %sub3A_74 : i32
    %jit3A_76 = arith.constant 40 : i32
    %div3A_77 = arith.divsi %sub3A_75, %jit3A_76 : i32
    %sign3A_78 = arith.constant 0 : i32
    %sign3A_79 = arith.cmpi sgt, %sub3A_75, %sign3A_78 : i32
    %sign3A_80 = arith.extui %sign3A_79 : i1 to i32
    %sign3A_81 = arith.constant 0 : i32
    %sign3A_82 = arith.cmpi slt, %sub3A_75, %sign3A_81 : i32
    %sign3A_83 = arith.extui %sign3A_82 : i1 to i32
    %sign3A_84 = arith.subi %sign3A_80, %sign3A_83 : i32
    %sign3A_85 = arith.constant 0 : i32
    %sign3A_86 = arith.cmpi sgt, %jit3A_76, %sign3A_85 : i32
    %sign3A_87 = arith.extui %sign3A_86 : i1 to i32
    %sign3A_88 = arith.constant 0 : i32
    %sign3A_89 = arith.cmpi slt, %jit3A_76, %sign3A_88 : i32
    %sign3A_90 = arith.extui %sign3A_89 : i1 to i32
    %sign3A_91 = arith.subi %sign3A_87, %sign3A_90 : i32
    %ne3A_92 = arith.cmpi ne, %sign3A_84, %sign3A_91 : i32
    %rem3A_93 = arith.remsi %sub3A_75, %jit3A_76 : i32
    %ne3A_94 = arith.constant 0 : i32
    %ne3A_95 = arith.cmpi ne, %rem3A_93, %ne3A_94 : i32
    %and3A_96 = arith.andi %ne3A_92, %ne3A_95 : i1
    %sub3A_97 = arith.constant 1 : i32
    %sub3A_98 = arith.subi %div3A_77, %sub3A_97 : i32
    %select_n3A_99 = arith.select %and3A_96, %sub3A_98, %div3A_77 : i32
    %mul3A_100 = arith.constant 40 : i32
    %mul3A_101 = arith.muli %select_n3A_99, %mul3A_100 : i32
    %add3A_102 = arith.addi %mul3A_32, %mul3A_101 : i32
    %sub3A_103 = arith.subi %add3A_34, %add3A_102 : i32
    %jit3A_104 = arith.constant 640 : i32
    %div3A_105 = arith.divsi %sub3A_103, %jit3A_104 : i32
    %sign3A_106 = arith.constant 0 : i32
    %sign3A_107 = arith.cmpi sgt, %sub3A_103, %sign3A_106 : i32
    %sign3A_108 = arith.extui %sign3A_107 : i1 to i32
    %sign3A_109 = arith.constant 0 : i32
    %sign3A_110 = arith.cmpi slt, %sub3A_103, %sign3A_109 : i32
    %sign3A_111 = arith.extui %sign3A_110 : i1 to i32
    %sign3A_112 = arith.subi %sign3A_108, %sign3A_111 : i32
    %sign3A_113 = arith.constant 0 : i32
    %sign3A_114 = arith.cmpi sgt, %jit3A_104, %sign3A_113 : i32
    %sign3A_115 = arith.extui %sign3A_114 : i1 to i32
    %sign3A_116 = arith.constant 0 : i32
    %sign3A_117 = arith.cmpi slt, %jit3A_104, %sign3A_116 : i32
    %sign3A_118 = arith.extui %sign3A_117 : i1 to i32
    %sign3A_119 = arith.subi %sign3A_115, %sign3A_118 : i32
    %ne3A_120 = arith.cmpi ne, %sign3A_112, %sign3A_119 : i32
    %rem3A_121 = arith.remsi %sub3A_103, %jit3A_104 : i32
    %ne3A_122 = arith.constant 0 : i32
    %ne3A_123 = arith.cmpi ne, %rem3A_121, %ne3A_122 : i32
    %and3A_124 = arith.andi %ne3A_120, %ne3A_123 : i1
    %sub3A_125 = arith.constant 1 : i32
    %sub3A_126 = arith.subi %div3A_105, %sub3A_125 : i32
    %select_n3A_127 = arith.select %and3A_124, %sub3A_126, %div3A_105 : i32
    %mul3A_128 = arith.constant 640 : i32
    %mul3A_129 = arith.muli %select_n3A_127, %mul3A_128 : i32
    %sub3A_130 = arith.subi %sub3A_103, %mul3A_129 : i32
    %jit3A_131 = arith.constant 40 : i32
    %div3A_132 = arith.divsi %sub3A_130, %jit3A_131 : i32
    %sign3A_133 = arith.constant 0 : i32
    %sign3A_134 = arith.cmpi sgt, %sub3A_130, %sign3A_133 : i32
    %sign3A_135 = arith.extui %sign3A_134 : i1 to i32
    %sign3A_136 = arith.constant 0 : i32
    %sign3A_137 = arith.cmpi slt, %sub3A_130, %sign3A_136 : i32
    %sign3A_138 = arith.extui %sign3A_137 : i1 to i32
    %sign3A_139 = arith.subi %sign3A_135, %sign3A_138 : i32
    %sign3A_140 = arith.constant 0 : i32
    %sign3A_141 = arith.cmpi sgt, %jit3A_131, %sign3A_140 : i32
    %sign3A_142 = arith.extui %sign3A_141 : i1 to i32
    %sign3A_143 = arith.constant 0 : i32
    %sign3A_144 = arith.cmpi slt, %jit3A_131, %sign3A_143 : i32
    %sign3A_145 = arith.extui %sign3A_144 : i1 to i32
    %sign3A_146 = arith.subi %sign3A_142, %sign3A_145 : i32
    %ne3A_147 = arith.cmpi ne, %sign3A_139, %sign3A_146 : i32
    %rem3A_148 = arith.remsi %sub3A_130, %jit3A_131 : i32
    %ne3A_149 = arith.constant 0 : i32
    %ne3A_150 = arith.cmpi ne, %rem3A_148, %ne3A_149 : i32
    %and3A_151 = arith.andi %ne3A_147, %ne3A_150 : i1
    %sub3A_152 = arith.constant 1 : i32
    %sub3A_153 = arith.subi %div3A_132, %sub3A_152 : i32
    %select_n3A_154 = arith.select %and3A_151, %sub3A_153, %div3A_132 : i32
    %gt3A = arith.constant 0 : i32
    %gt3A_155 = arith.cmpi sgt, %mul3A_129, %gt3A : i32
    %add3A_156 = arith.addi %add3A_102, %mul3A_129 : i32
    %and3A_157 = arith.constant 8 : i32
    %and3A_158 = arith.andi %select_n3A_154, %and3A_157 : i32
    %mul3A_159 = arith.constant 40 : i32
    %mul3A_160 = arith.muli %and3A_158, %mul3A_159 : i32
    %gt3A_161 = arith.constant 0 : i32
    %gt3A_162 = arith.cmpi sgt, %mul3A_160, %gt3A_161 : i32
    %add3A_163 = arith.addi %add3A_156, %mul3A_160 : i32
    %and3A_164 = arith.constant 4 : i32
    %and3A_165 = arith.andi %select_n3A_154, %and3A_164 : i32
    %mul3A_166 = arith.constant 40 : i32
    %mul3A_167 = arith.muli %and3A_165, %mul3A_166 : i32
    %gt3A_168 = arith.constant 0 : i32
    %gt3A_169 = arith.cmpi sgt, %mul3A_167, %gt3A_168 : i32
    %add3A_170 = arith.addi %add3A_163, %mul3A_167 : i32
    %and3A_171 = arith.constant 2 : i32
    %and3A_172 = arith.andi %select_n3A_154, %and3A_171 : i32
    %mul3A_173 = arith.constant 40 : i32
    %mul3A_174 = arith.muli %and3A_172, %mul3A_173 : i32
    %gt3A_175 = arith.constant 0 : i32
    %gt3A_176 = arith.cmpi sgt, %mul3A_174, %gt3A_175 : i32
    %add3A_177 = arith.addi %add3A_170, %mul3A_174 : i32
    %and3A_178 = arith.constant 1 : i32
    %and3A_179 = arith.andi %select_n3A_154, %and3A_178 : i32
    %mul3A_180 = arith.constant 40 : i32
    %mul3A_181 = arith.muli %and3A_179, %mul3A_180 : i32
    %gt3A_182 = arith.constant 0 : i32
    %gt3A_183 = arith.cmpi sgt, %mul3A_181, %gt3A_182 : i32
    %add3A_184 = arith.addi %add3A_177, %mul3A_181 : i32
    %convert_element_type3A_185 = arith.extui %gt3A_155 : i1 to i32
    %cond3A_186 = arith.constant 0 : i32
    %cond3A_187 = arith.cmpi ne, %convert_element_type3A_185, %cond3A_186 : i32
    scf.if %cond3A_187 {
      %multiple_of3A = tpu.assume_multiple %add3A_102, 8 : i32
      %dma_start3A = arith.constant 0 : i32
      %dma_start3A_306 = tpu.memref_slice %arg6[%select_n3A_9, %multiple_of3A, %dma_start3A] : memref<16x2080x512xf32, #tpu.memory_space<hbm>> -> memref<1x640x512xf32, #tpu.memory_space<hbm>>
      %dma_start3A_307 = tpu.memref_squeeze %dma_start3A_306 : memref<1x640x512xf32, #tpu.memory_space<hbm>> -> memref<640x512xf32, #tpu.memory_space<hbm>>
      %dma_start3A_308 = arith.constant 0 : i32
      %dma_start3A_309 = arith.constant 0 : i32
      %dma_start3A_310 = tpu.memref_slice %arg9[%dma_start3A_308, %dma_start3A_309] : memref<640x512xf32, #tpu.memory_space<vmem_shared>> -> memref<640x512xf32, #tpu.memory_space<vmem_shared>>
      tpu.enqueue_dma source(%dma_start3A_310 : memref<640x512xf32, #tpu.memory_space<vmem_shared>>) target(%dma_start3A_307 : memref<640x512xf32, #tpu.memory_space<hbm>>) target_semaphore(%arg13 : memref<!tpu.dma_semaphore, #tpu.memory_space<semaphore_mem>>)
    } else {
    }
    %convert_element_type3A_188 = arith.extui %gt3A_162 : i1 to i32
    %cond3A_189 = arith.constant 0 : i32
    %cond3A_190 = arith.cmpi ne, %convert_element_type3A_188, %cond3A_189 : i32
    scf.if %cond3A_190 {
      %multiple_of3A = tpu.assume_multiple %add3A_156, 8 : i32
      %dma_start3A = arith.constant 0 : i32
      %dma_start3A_306 = tpu.memref_slice %arg6[%select_n3A_9, %multiple_of3A, %dma_start3A] : memref<16x2080x512xf32, #tpu.memory_space<hbm>> -> memref<1x320x512xf32, #tpu.memory_space<hbm>>
      %dma_start3A_307 = tpu.memref_squeeze %dma_start3A_306 : memref<1x320x512xf32, #tpu.memory_space<hbm>> -> memref<320x512xf32, #tpu.memory_space<hbm>>
      %dma_start3A_308 = arith.constant 0 : i32
      %dma_start3A_309 = arith.constant 0 : i32
      %dma_start3A_310 = tpu.memref_slice %arg9[%dma_start3A_308, %dma_start3A_309] : memref<640x512xf32, #tpu.memory_space<vmem_shared>> -> memref<320x512xf32, #tpu.memory_space<vmem_shared>>
      tpu.enqueue_dma source(%dma_start3A_310 : memref<320x512xf32, #tpu.memory_space<vmem_shared>>) target(%dma_start3A_307 : memref<320x512xf32, #tpu.memory_space<hbm>>) target_semaphore(%arg13 : memref<!tpu.dma_semaphore, #tpu.memory_space<semaphore_mem>>)
    } else {
    }
    %convert_element_type3A_191 = arith.extui %gt3A_169 : i1 to i32
    %cond3A_192 = arith.constant 0 : i32
    %cond3A_193 = arith.cmpi ne, %convert_element_type3A_191, %cond3A_192 : i32
    scf.if %cond3A_193 {
      %multiple_of3A = tpu.assume_multiple %add3A_163, 8 : i32
      %dma_start3A = arith.constant 0 : i32
      %dma_start3A_306 = tpu.memref_slice %arg6[%select_n3A_9, %multiple_of3A, %dma_start3A] : memref<16x2080x512xf32, #tpu.memory_space<hbm>> -> memref<1x160x512xf32, #tpu.memory_space<hbm>>
      %dma_start3A_307 = tpu.memref_squeeze %dma_start3A_306 : memref<1x160x512xf32, #tpu.memory_space<hbm>> -> memref<160x512xf32, #tpu.memory_space<hbm>>
      %dma_start3A_308 = arith.constant 0 : i32
      %dma_start3A_309 = arith.constant 0 : i32
      %dma_start3A_310 = tpu.memref_slice %arg9[%dma_start3A_308, %dma_start3A_309] : memref<640x512xf32, #tpu.memory_space<vmem_shared>> -> memref<160x512xf32, #tpu.memory_space<vmem_shared>>
      tpu.enqueue_dma source(%dma_start3A_310 : memref<160x512xf32, #tpu.memory_space<vmem_shared>>) target(%dma_start3A_307 : memref<160x512xf32, #tpu.memory_space<hbm>>) target_semaphore(%arg13 : memref<!tpu.dma_semaphore, #tpu.memory_space<semaphore_mem>>)
    } else {
    }
    %convert_element_type3A_194 = arith.extui %gt3A_176 : i1 to i32
    %cond3A_195 = arith.constant 0 : i32
    %cond3A_196 = arith.cmpi ne, %convert_element_type3A_194, %cond3A_195 : i32
    scf.if %cond3A_196 {
      %multiple_of3A = tpu.assume_multiple %add3A_170, 8 : i32
      %dma_start3A = arith.constant 0 : i32
      %dma_start3A_306 = tpu.memref_slice %arg6[%select_n3A_9, %multiple_of3A, %dma_start3A] : memref<16x2080x512xf32, #tpu.memory_space<hbm>> -> memref<1x80x512xf32, #tpu.memory_space<hbm>>
      %dma_start3A_307 = tpu.memref_squeeze %dma_start3A_306 : memref<1x80x512xf32, #tpu.memory_space<hbm>> -> memref<80x512xf32, #tpu.memory_space<hbm>>
      %dma_start3A_308 = arith.constant 0 : i32
      %dma_start3A_309 = arith.constant 0 : i32
      %dma_start3A_310 = tpu.memref_slice %arg9[%dma_start3A_308, %dma_start3A_309] : memref<640x512xf32, #tpu.memory_space<vmem_shared>> -> memref<80x512xf32, #tpu.memory_space<vmem_shared>>
      tpu.enqueue_dma source(%dma_start3A_310 : memref<80x512xf32, #tpu.memory_space<vmem_shared>>) target(%dma_start3A_307 : memref<80x512xf32, #tpu.memory_space<hbm>>) target_semaphore(%arg13 : memref<!tpu.dma_semaphore, #tpu.memory_space<semaphore_mem>>)
    } else {
    }
    %convert_element_type3A_197 = arith.extui %gt3A_183 : i1 to i32
    %cond3A_198 = arith.constant 0 : i32
    %cond3A_199 = arith.cmpi ne, %convert_element_type3A_197, %cond3A_198 : i32
    scf.if %cond3A_199 {
      %multiple_of3A = tpu.assume_multiple %add3A_177, 8 : i32
      %dma_start3A = arith.constant 0 : i32
      %dma_start3A_306 = tpu.memref_slice %arg6[%select_n3A_9, %multiple_of3A, %dma_start3A] : memref<16x2080x512xf32, #tpu.memory_space<hbm>> -> memref<1x40x512xf32, #tpu.memory_space<hbm>>
      %dma_start3A_307 = tpu.memref_squeeze %dma_start3A_306 : memref<1x40x512xf32, #tpu.memory_space<hbm>> -> memref<40x512xf32, #tpu.memory_space<hbm>>
      %dma_start3A_308 = arith.constant 0 : i32
      %dma_start3A_309 = arith.constant 0 : i32
      %dma_start3A_310 = tpu.memref_slice %arg9[%dma_start3A_308, %dma_start3A_309] : memref<640x512xf32, #tpu.memory_space<vmem_shared>> -> memref<40x512xf32, #tpu.memory_space<vmem_shared>>
      tpu.enqueue_dma source(%dma_start3A_310 : memref<40x512xf32, #tpu.memory_space<vmem_shared>>) target(%dma_start3A_307 : memref<40x512xf32, #tpu.memory_space<hbm>>) target_semaphore(%arg13 : memref<!tpu.dma_semaphore, #tpu.memory_space<semaphore_mem>>)
    } else {
    }
    %gt3A_200 = arith.constant 0 : i32
    %gt3A_201 = arith.cmpi sgt, %select_n3A_66, %gt3A_200 : i32
    %convert_element_type3A_202 = arith.extui %gt3A_201 : i1 to i32
    %cond3A_203 = arith.constant 0 : i32
    %cond3A_204 = arith.cmpi ne, %convert_element_type3A_202, %cond3A_203 : i32
    scf.if %cond3A_204 {
      %add3A_306 = arith.constant 0 : i32
      %add3A_307 = arith.addi %mul3A_32, %add3A_306 : i32
      %multiple_of3A = tpu.assume_multiple %add3A_307, 8 : i32
      %dma_start3A = arith.constant 0 : i32
      %dma_start3A_308 = arith.constant 0 : i32
      %dma_start3A_309 = arith.constant 0 : i32
      %dma_start3A_310 = tpu.memref_slice %arg7[%dma_start3A, %dma_start3A_308, %dma_start3A_309] : memref<2x80x512xf32, #tpu.memory_space<vmem>> -> memref<1x80x512xf32, #tpu.memory_space<vmem>>
      %dma_start3A_311 = tpu.memref_squeeze %dma_start3A_310 : memref<1x80x512xf32, #tpu.memory_space<vmem>> -> memref<80x512xf32, #tpu.memory_space<vmem>>
      %dma_start3A_312 = arith.constant 0 : i32
      %dma_start3A_313 = tpu.memref_slice %arg2[%select_n3A_9, %multiple_of3A, %dma_start3A_312] : memref<16x2048x512xf32, #tpu.memory_space<hbm>> -> memref<1x80x512xf32, #tpu.memory_space<hbm>>
      %dma_start3A_314 = tpu.memref_squeeze %dma_start3A_313 : memref<1x80x512xf32, #tpu.memory_space<hbm>> -> memref<80x512xf32, #tpu.memory_space<hbm>>
      %dma_start3A_315 = arith.constant 0 : i32
      %dma_start3A_316 = arith.constant 0 : i32
      %dma_start3A_317 = tpu.memref_slice %arg7[%dma_start3A, %dma_start3A_315, %dma_start3A_316] : memref<2x80x512xf32, #tpu.memory_space<vmem>> -> memref<1x80x512xf32, #tpu.memory_space<vmem>>
      %dma_start3A_318 = tpu.memref_squeeze %dma_start3A_317 : memref<1x80x512xf32, #tpu.memory_space<vmem>> -> memref<80x512xf32, #tpu.memory_space<vmem>>
      %dma_start3A_319 = arith.constant 0 : i32
      %dma_start3A_320 = tpu.memref_slice %arg2[%select_n3A_9, %multiple_of3A, %dma_start3A_319] : memref<16x2048x512xf32, #tpu.memory_space<hbm>> -> memref<1x80x512xf32, #tpu.memory_space<hbm>>
      %dma_start3A_321 = tpu.memref_squeeze %dma_start3A_320 : memref<1x80x512xf32, #tpu.memory_space<hbm>> -> memref<80x512xf32, #tpu.memory_space<hbm>>
      tpu.enqueue_dma source(%dma_start3A_321 : memref<80x512xf32, #tpu.memory_space<hbm>>) target(%dma_start3A_318 : memref<80x512xf32, #tpu.memory_space<vmem>>) target_semaphore(%arg11 : memref<!tpu.dma_semaphore, #tpu.memory_space<semaphore_mem>>)
    } else {
    }
    %gt3A_205 = arith.constant 1 : i32
    %gt3A_206 = arith.cmpi sgt, %select_n3A_66, %gt3A_205 : i32
    %convert_element_type3A_207 = arith.extui %gt3A_206 : i1 to i32
    %cond3A_208 = arith.constant 0 : i32
    %cond3A_209 = arith.cmpi ne, %convert_element_type3A_207, %cond3A_208 : i32
    scf.if %cond3A_209 {
      %add3A_306 = arith.constant 80 : i32
      %add3A_307 = arith.addi %mul3A_32, %add3A_306 : i32
      %multiple_of3A = tpu.assume_multiple %add3A_307, 8 : i32
      %dma_start3A = arith.constant 1 : i32
      %dma_start3A_308 = arith.constant 0 : i32
      %dma_start3A_309 = arith.constant 0 : i32
      %dma_start3A_310 = tpu.memref_slice %arg7[%dma_start3A, %dma_start3A_308, %dma_start3A_309] : memref<2x80x512xf32, #tpu.memory_space<vmem>> -> memref<1x80x512xf32, #tpu.memory_space<vmem>>
      %dma_start3A_311 = tpu.memref_squeeze %dma_start3A_310 : memref<1x80x512xf32, #tpu.memory_space<vmem>> -> memref<80x512xf32, #tpu.memory_space<vmem>>
      %dma_start3A_312 = arith.constant 0 : i32
      %dma_start3A_313 = tpu.memref_slice %arg2[%select_n3A_9, %multiple_of3A, %dma_start3A_312] : memref<16x2048x512xf32, #tpu.memory_space<hbm>> -> memref<1x80x512xf32, #tpu.memory_space<hbm>>
      %dma_start3A_314 = tpu.memref_squeeze %dma_start3A_313 : memref<1x80x512xf32, #tpu.memory_space<hbm>> -> memref<80x512xf32, #tpu.memory_space<hbm>>
      %dma_start3A_315 = arith.constant 0 : i32
      %dma_start3A_316 = arith.constant 0 : i32
      %dma_start3A_317 = tpu.memref_slice %arg7[%dma_start3A, %dma_start3A_315, %dma_start3A_316] : memref<2x80x512xf32, #tpu.memory_space<vmem>> -> memref<1x80x512xf32, #tpu.memory_space<vmem>>
      %dma_start3A_318 = tpu.memref_squeeze %dma_start3A_317 : memref<1x80x512xf32, #tpu.memory_space<vmem>> -> memref<80x512xf32, #tpu.memory_space<vmem>>
      %dma_start3A_319 = arith.constant 0 : i32
      %dma_start3A_320 = tpu.memref_slice %arg2[%select_n3A_9, %multiple_of3A, %dma_start3A_319] : memref<16x2048x512xf32, #tpu.memory_space<hbm>> -> memref<1x80x512xf32, #tpu.memory_space<hbm>>
      %dma_start3A_321 = tpu.memref_squeeze %dma_start3A_320 : memref<1x80x512xf32, #tpu.memory_space<hbm>> -> memref<80x512xf32, #tpu.memory_space<hbm>>
      tpu.enqueue_dma source(%dma_start3A_321 : memref<80x512xf32, #tpu.memory_space<hbm>>) target(%dma_start3A_318 : memref<80x512xf32, #tpu.memory_space<vmem>>) target_semaphore(%arg12 : memref<!tpu.dma_semaphore, #tpu.memory_space<semaphore_mem>>)
    } else {
    }
    %add3A_210 = arith.constant 1 : i32
    %add3A_211 = arith.addi %select_n3A_66, %add3A_210 : i32
    %jit3A_212 = arith.constant 2 : i32
    %div3A_213 = arith.divsi %add3A_211, %jit3A_212 : i32
    %sign3A_214 = arith.constant 0 : i32
    %sign3A_215 = arith.cmpi sgt, %add3A_211, %sign3A_214 : i32
    %sign3A_216 = arith.extui %sign3A_215 : i1 to i32
    %sign3A_217 = arith.constant 0 : i32
    %sign3A_218 = arith.cmpi slt, %add3A_211, %sign3A_217 : i32
    %sign3A_219 = arith.extui %sign3A_218 : i1 to i32
    %sign3A_220 = arith.subi %sign3A_216, %sign3A_219 : i32
    %sign3A_221 = arith.constant 0 : i32
    %sign3A_222 = arith.cmpi sgt, %jit3A_212, %sign3A_221 : i32
    %sign3A_223 = arith.extui %sign3A_222 : i1 to i32
    %sign3A_224 = arith.constant 0 : i32
    %sign3A_225 = arith.cmpi slt, %jit3A_212, %sign3A_224 : i32
    %sign3A_226 = arith.extui %sign3A_225 : i1 to i32
    %sign3A_227 = arith.subi %sign3A_223, %sign3A_226 : i32
    %ne3A_228 = arith.cmpi ne, %sign3A_220, %sign3A_227 : i32
    %rem3A_229 = arith.remsi %add3A_211, %jit3A_212 : i32
    %ne3A_230 = arith.constant 0 : i32
    %ne3A_231 = arith.cmpi ne, %rem3A_229, %ne3A_230 : i32
    %and3A_232 = arith.andi %ne3A_228, %ne3A_231 : i1
    %sub3A_233 = arith.constant 1 : i32
    %sub3A_234 = arith.subi %div3A_213, %sub3A_233 : i32
    %select_n3A_235 = arith.select %and3A_232, %sub3A_234, %div3A_213 : i32
    %while3A = arith.constant 0 : i32
    %while3A_236 = arith.constant 0 : i32
    %while3A_237 = arith.subi %select_n3A_235, %while3A_236 : i32
    %while3A_238 = arith.addi %while3A_236, %while3A_237 : i32
    %while3A_239 = arith.constant 1 : i32
    %while3A_240 = arith.divsi %while3A_237, %while3A_239 : i32
    %while3A_241 = arith.muli %while3A_240, %while3A_239 : i32
    %while3A_242 = arith.addi %while3A_236, %while3A_241 : i32
    %while3A_243 = arith.constant 1 : i32
    scf.for %while3A_306 = %while3A_236 to %while3A_242 step %while3A_243  : i32 {
      %mul3A_307 = arith.constant 2 : i32
      %mul3A_308 = arith.muli %mul3A_307, %while3A_306 : i32
      %add3A_309 = arith.constant 1 : i32
      %add3A_310 = arith.addi %mul3A_308, %add3A_309 : i32
      %gt3A_311 = arith.constant 0 : i32
      %gt3A_312 = arith.cmpi sgt, %mul3A_308, %gt3A_311 : i32
      %convert_element_type3A_313 = arith.extui %gt3A_312 : i1 to i32
      %cond3A_314 = arith.constant 0 : i32
      %cond3A_315 = arith.cmpi ne, %convert_element_type3A_313, %cond3A_314 : i32
      scf.if %cond3A_315 {
        %sub3A_360 = arith.constant 2 : i32
        %sub3A_361 = arith.subi %mul3A_308, %sub3A_360 : i32
        %mul3A_362 = arith.constant 80 : i32
        %mul3A_363 = arith.muli %sub3A_361, %mul3A_362 : i32
        %add3A_364 = arith.addi %mul3A_32, %mul3A_363 : i32
        %multiple_of3A_365 = tpu.assume_multiple %add3A_364, 8 : i32
        %dma_wait3A_366 = arith.constant 0 : i32
        %dma_wait3A_367 = arith.constant 0 : i32
        %dma_wait3A_368 = arith.constant 0 : i32
        %dma_wait3A_369 = tpu.memref_slice %arg7[%dma_wait3A_366, %dma_wait3A_367, %dma_wait3A_368] : memref<2x80x512xf32, #tpu.memory_space<vmem>> -> memref<1x80x512xf32, #tpu.memory_space<vmem>>
        %dma_wait3A_370 = tpu.memref_squeeze %dma_wait3A_369 : memref<1x80x512xf32, #tpu.memory_space<vmem>> -> memref<80x512xf32, #tpu.memory_space<vmem>>
        %dma_wait3A_371 = arith.constant 0 : i32
        %dma_wait3A_372 = tpu.memref_slice %arg6[%select_n3A_9, %multiple_of3A_365, %dma_wait3A_371] : memref<16x2080x512xf32, #tpu.memory_space<hbm>> -> memref<1x80x512xf32, #tpu.memory_space<hbm>>
        %dma_wait3A_373 = tpu.memref_squeeze %dma_wait3A_372 : memref<1x80x512xf32, #tpu.memory_space<hbm>> -> memref<80x512xf32, #tpu.memory_space<hbm>>
        %dma_wait3A_374 = arith.constant 0 : i32
        %dma_wait3A_375 = tpu.memref_slice %arg6[%select_n3A_9, %multiple_of3A_365, %dma_wait3A_374] : memref<16x2080x512xf32, #tpu.memory_space<hbm>> -> memref<1x80x512xf32, #tpu.memory_space<hbm>>
        %dma_wait3A_376 = tpu.memref_squeeze %dma_wait3A_375 : memref<1x80x512xf32, #tpu.memory_space<hbm>> -> memref<80x512xf32, #tpu.memory_space<hbm>>
        %dma_wait3A_377 = arith.constant 0 : i32
        %dma_wait3A_378 = arith.constant 0 : i32
        %dma_wait3A_379 = tpu.memref_slice %arg7[%dma_wait3A_366, %dma_wait3A_377, %dma_wait3A_378] : memref<2x80x512xf32, #tpu.memory_space<vmem>> -> memref<1x80x512xf32, #tpu.memory_space<vmem>>
        %dma_wait3A_380 = tpu.memref_squeeze %dma_wait3A_379 : memref<1x80x512xf32, #tpu.memory_space<vmem>> -> memref<80x512xf32, #tpu.memory_space<vmem>>
        tpu.wait_dma2 semaphore(%arg14 : memref<!tpu.dma_semaphore, #tpu.memory_space<semaphore_mem>>) src(%dma_wait3A_380 : memref<80x512xf32, #tpu.memory_space<vmem>>) dst(%dma_wait3A_376 : memref<80x512xf32, #tpu.memory_space<hbm>>)
      } else {
      }
      %gt3A_316 = arith.constant 0 : i32
      %gt3A_317 = arith.cmpi sgt, %mul3A_308, %gt3A_316 : i32
      %convert_element_type3A_318 = arith.extui %gt3A_317 : i1 to i32
      %cond3A_319 = arith.constant 0 : i32
      %cond3A_320 = arith.cmpi ne, %convert_element_type3A_318, %cond3A_319 : i32
      scf.if %cond3A_320 {
        %mul3A_360 = arith.constant 80 : i32
        %mul3A_361 = arith.muli %mul3A_308, %mul3A_360 : i32
        %add3A_362 = arith.addi %mul3A_32, %mul3A_361 : i32
        %multiple_of3A_363 = tpu.assume_multiple %add3A_362, 8 : i32
        %dma_start3A_364 = arith.constant 0 : i32
        %dma_start3A_365 = arith.constant 0 : i32
        %dma_start3A_366 = arith.constant 0 : i32
        %dma_start3A_367 = tpu.memref_slice %arg7[%dma_start3A_364, %dma_start3A_365, %dma_start3A_366] : memref<2x80x512xf32, #tpu.memory_space<vmem>> -> memref<1x80x512xf32, #tpu.memory_space<vmem>>
        %dma_start3A_368 = tpu.memref_squeeze %dma_start3A_367 : memref<1x80x512xf32, #tpu.memory_space<vmem>> -> memref<80x512xf32, #tpu.memory_space<vmem>>
        %dma_start3A_369 = arith.constant 0 : i32
        %dma_start3A_370 = tpu.memref_slice %arg2[%select_n3A_9, %multiple_of3A_363, %dma_start3A_369] : memref<16x2048x512xf32, #tpu.memory_space<hbm>> -> memref<1x80x512xf32, #tpu.memory_space<hbm>>
        %dma_start3A_371 = tpu.memref_squeeze %dma_start3A_370 : memref<1x80x512xf32, #tpu.memory_space<hbm>> -> memref<80x512xf32, #tpu.memory_space<hbm>>
        %dma_start3A_372 = arith.constant 0 : i32
        %dma_start3A_373 = arith.constant 0 : i32
        %dma_start3A_374 = tpu.memref_slice %arg7[%dma_start3A_364, %dma_start3A_372, %dma_start3A_373] : memref<2x80x512xf32, #tpu.memory_space<vmem>> -> memref<1x80x512xf32, #tpu.memory_space<vmem>>
        %dma_start3A_375 = tpu.memref_squeeze %dma_start3A_374 : memref<1x80x512xf32, #tpu.memory_space<vmem>> -> memref<80x512xf32, #tpu.memory_space<vmem>>
        %dma_start3A_376 = arith.constant 0 : i32
        %dma_start3A_377 = tpu.memref_slice %arg2[%select_n3A_9, %multiple_of3A_363, %dma_start3A_376] : memref<16x2048x512xf32, #tpu.memory_space<hbm>> -> memref<1x80x512xf32, #tpu.memory_space<hbm>>
        %dma_start3A_378 = tpu.memref_squeeze %dma_start3A_377 : memref<1x80x512xf32, #tpu.memory_space<hbm>> -> memref<80x512xf32, #tpu.memory_space<hbm>>
        tpu.enqueue_dma source(%dma_start3A_378 : memref<80x512xf32, #tpu.memory_space<hbm>>) target(%dma_start3A_375 : memref<80x512xf32, #tpu.memory_space<vmem>>) target_semaphore(%arg11 : memref<!tpu.dma_semaphore, #tpu.memory_space<semaphore_mem>>)
      } else {
      }
      %mul3A_321 = arith.constant 80 : i32
      %mul3A_322 = arith.muli %mul3A_308, %mul3A_321 : i32
      %add3A_323 = arith.addi %mul3A_32, %mul3A_322 : i32
      %multiple_of3A = tpu.assume_multiple %add3A_323, 8 : i32
      %dma_wait3A = arith.constant 0 : i32
      %dma_wait3A_324 = arith.constant 0 : i32
      %dma_wait3A_325 = arith.constant 0 : i32
      %dma_wait3A_326 = tpu.memref_slice %arg7[%dma_wait3A, %dma_wait3A_324, %dma_wait3A_325] : memref<2x80x512xf32, #tpu.memory_space<vmem>> -> memref<1x80x512xf32, #tpu.memory_space<vmem>>
      %dma_wait3A_327 = tpu.memref_squeeze %dma_wait3A_326 : memref<1x80x512xf32, #tpu.memory_space<vmem>> -> memref<80x512xf32, #tpu.memory_space<vmem>>
      %dma_wait3A_328 = arith.constant 0 : i32
      %dma_wait3A_329 = tpu.memref_slice %arg2[%select_n3A_9, %multiple_of3A, %dma_wait3A_328] : memref<16x2048x512xf32, #tpu.memory_space<hbm>> -> memref<1x80x512xf32, #tpu.memory_space<hbm>>
      %dma_wait3A_330 = tpu.memref_squeeze %dma_wait3A_329 : memref<1x80x512xf32, #tpu.memory_space<hbm>> -> memref<80x512xf32, #tpu.memory_space<hbm>>
      %dma_wait3A_331 = arith.constant 0 : i32
      %dma_wait3A_332 = arith.constant 0 : i32
      %dma_wait3A_333 = tpu.memref_slice %arg7[%dma_wait3A, %dma_wait3A_331, %dma_wait3A_332] : memref<2x80x512xf32, #tpu.memory_space<vmem>> -> memref<1x80x512xf32, #tpu.memory_space<vmem>>
      %dma_wait3A_334 = tpu.memref_squeeze %dma_wait3A_333 : memref<1x80x512xf32, #tpu.memory_space<vmem>> -> memref<80x512xf32, #tpu.memory_space<vmem>>
      %dma_wait3A_335 = arith.constant 0 : i32
      %dma_wait3A_336 = tpu.memref_slice %arg2[%select_n3A_9, %multiple_of3A, %dma_wait3A_335] : memref<16x2048x512xf32, #tpu.memory_space<hbm>> -> memref<1x80x512xf32, #tpu.memory_space<hbm>>
      %dma_wait3A_337 = tpu.memref_squeeze %dma_wait3A_336 : memref<1x80x512xf32, #tpu.memory_space<hbm>> -> memref<80x512xf32, #tpu.memory_space<hbm>>
      tpu.wait_dma2 semaphore(%arg11 : memref<!tpu.dma_semaphore, #tpu.memory_space<semaphore_mem>>) src(%dma_wait3A_337 : memref<80x512xf32, #tpu.memory_space<hbm>>) dst(%dma_wait3A_334 : memref<80x512xf32, #tpu.memory_space<vmem>>)
      %mul3A_338 = arith.constant 80 : i32
      %mul3A_339 = arith.muli %mul3A_308, %mul3A_338 : i32
      %add3A_340 = arith.addi %mul3A_32, %mul3A_339 : i32
      %multiple_of3A_341 = tpu.assume_multiple %add3A_340, 8 : i32
      %dma_start3A = arith.constant 0 : i32
      %dma_start3A_342 = arith.constant 0 : i32
      %dma_start3A_343 = arith.constant 0 : i32
      %dma_start3A_344 = tpu.memref_slice %arg7[%dma_start3A, %dma_start3A_342, %dma_start3A_343] : memref<2x80x512xf32, #tpu.memory_space<vmem>> -> memref<1x80x512xf32, #tpu.memory_space<vmem>>
      %dma_start3A_345 = tpu.memref_squeeze %dma_start3A_344 : memref<1x80x512xf32, #tpu.memory_space<vmem>> -> memref<80x512xf32, #tpu.memory_space<vmem>>
      %dma_start3A_346 = arith.constant 0 : i32
      %dma_start3A_347 = tpu.memref_slice %arg6[%select_n3A_9, %multiple_of3A_341, %dma_start3A_346] : memref<16x2080x512xf32, #tpu.memory_space<hbm>> -> memref<1x80x512xf32, #tpu.memory_space<hbm>>
      %dma_start3A_348 = tpu.memref_squeeze %dma_start3A_347 : memref<1x80x512xf32, #tpu.memory_space<hbm>> -> memref<80x512xf32, #tpu.memory_space<hbm>>
      %dma_start3A_349 = arith.constant 0 : i32
      %dma_start3A_350 = tpu.memref_slice %arg6[%select_n3A_9, %multiple_of3A_341, %dma_start3A_349] : memref<16x2080x512xf32, #tpu.memory_space<hbm>> -> memref<1x80x512xf32, #tpu.memory_space<hbm>>
      %dma_start3A_351 = tpu.memref_squeeze %dma_start3A_350 : memref<1x80x512xf32, #tpu.memory_space<hbm>> -> memref<80x512xf32, #tpu.memory_space<hbm>>
      %dma_start3A_352 = arith.constant 0 : i32
      %dma_start3A_353 = arith.constant 0 : i32
      %dma_start3A_354 = tpu.memref_slice %arg7[%dma_start3A, %dma_start3A_352, %dma_start3A_353] : memref<2x80x512xf32, #tpu.memory_space<vmem>> -> memref<1x80x512xf32, #tpu.memory_space<vmem>>
      %dma_start3A_355 = tpu.memref_squeeze %dma_start3A_354 : memref<1x80x512xf32, #tpu.memory_space<vmem>> -> memref<80x512xf32, #tpu.memory_space<vmem>>
      tpu.enqueue_dma source(%dma_start3A_355 : memref<80x512xf32, #tpu.memory_space<vmem>>) target(%dma_start3A_351 : memref<80x512xf32, #tpu.memory_space<hbm>>) target_semaphore(%arg14 : memref<!tpu.dma_semaphore, #tpu.memory_space<semaphore_mem>>)
      %lt3A_356 = arith.cmpi slt, %add3A_310, %select_n3A_66 : i32
      %convert_element_type3A_357 = arith.extui %lt3A_356 : i1 to i32
      %cond3A_358 = arith.constant 0 : i32
      %cond3A_359 = arith.cmpi ne, %convert_element_type3A_357, %cond3A_358 : i32
      scf.if %cond3A_359 {
        %gt3A_360 = arith.constant 1 : i32
        %gt3A_361 = arith.cmpi sgt, %add3A_310, %gt3A_360 : i32
        %convert_element_type3A_362 = arith.extui %gt3A_361 : i1 to i32
        %cond3A_363 = arith.constant 0 : i32
        %cond3A_364 = arith.cmpi ne, %convert_element_type3A_362, %cond3A_363 : i32
        scf.if %cond3A_364 {
          %sub3A_408 = arith.constant 2 : i32
          %sub3A_409 = arith.subi %add3A_310, %sub3A_408 : i32
          %mul3A_410 = arith.constant 80 : i32
          %mul3A_411 = arith.muli %sub3A_409, %mul3A_410 : i32
          %add3A_412 = arith.addi %mul3A_32, %mul3A_411 : i32
          %multiple_of3A_413 = tpu.assume_multiple %add3A_412, 8 : i32
          %dma_wait3A_414 = arith.constant 1 : i32
          %dma_wait3A_415 = arith.constant 0 : i32
          %dma_wait3A_416 = arith.constant 0 : i32
          %dma_wait3A_417 = tpu.memref_slice %arg7[%dma_wait3A_414, %dma_wait3A_415, %dma_wait3A_416] : memref<2x80x512xf32, #tpu.memory_space<vmem>> -> memref<1x80x512xf32, #tpu.memory_space<vmem>>
          %dma_wait3A_418 = tpu.memref_squeeze %dma_wait3A_417 : memref<1x80x512xf32, #tpu.memory_space<vmem>> -> memref<80x512xf32, #tpu.memory_space<vmem>>
          %dma_wait3A_419 = arith.constant 0 : i32
          %dma_wait3A_420 = tpu.memref_slice %arg6[%select_n3A_9, %multiple_of3A_413, %dma_wait3A_419] : memref<16x2080x512xf32, #tpu.memory_space<hbm>> -> memref<1x80x512xf32, #tpu.memory_space<hbm>>
          %dma_wait3A_421 = tpu.memref_squeeze %dma_wait3A_420 : memref<1x80x512xf32, #tpu.memory_space<hbm>> -> memref<80x512xf32, #tpu.memory_space<hbm>>
          %dma_wait3A_422 = arith.constant 0 : i32
          %dma_wait3A_423 = tpu.memref_slice %arg6[%select_n3A_9, %multiple_of3A_413, %dma_wait3A_422] : memref<16x2080x512xf32, #tpu.memory_space<hbm>> -> memref<1x80x512xf32, #tpu.memory_space<hbm>>
          %dma_wait3A_424 = tpu.memref_squeeze %dma_wait3A_423 : memref<1x80x512xf32, #tpu.memory_space<hbm>> -> memref<80x512xf32, #tpu.memory_space<hbm>>
          %dma_wait3A_425 = arith.constant 0 : i32
          %dma_wait3A_426 = arith.constant 0 : i32
          %dma_wait3A_427 = tpu.memref_slice %arg7[%dma_wait3A_414, %dma_wait3A_425, %dma_wait3A_426] : memref<2x80x512xf32, #tpu.memory_space<vmem>> -> memref<1x80x512xf32, #tpu.memory_space<vmem>>
          %dma_wait3A_428 = tpu.memref_squeeze %dma_wait3A_427 : memref<1x80x512xf32, #tpu.memory_space<vmem>> -> memref<80x512xf32, #tpu.memory_space<vmem>>
          tpu.wait_dma2 semaphore(%arg15 : memref<!tpu.dma_semaphore, #tpu.memory_space<semaphore_mem>>) src(%dma_wait3A_428 : memref<80x512xf32, #tpu.memory_space<vmem>>) dst(%dma_wait3A_424 : memref<80x512xf32, #tpu.memory_space<hbm>>)
        } else {
        }
        %gt3A_365 = arith.constant 1 : i32
        %gt3A_366 = arith.cmpi sgt, %add3A_310, %gt3A_365 : i32
        %convert_element_type3A_367 = arith.extui %gt3A_366 : i1 to i32
        %cond3A_368 = arith.constant 0 : i32
        %cond3A_369 = arith.cmpi ne, %convert_element_type3A_367, %cond3A_368 : i32
        scf.if %cond3A_369 {
          %mul3A_408 = arith.constant 80 : i32
          %mul3A_409 = arith.muli %add3A_310, %mul3A_408 : i32
          %add3A_410 = arith.addi %mul3A_32, %mul3A_409 : i32
          %multiple_of3A_411 = tpu.assume_multiple %add3A_410, 8 : i32
          %dma_start3A_412 = arith.constant 1 : i32
          %dma_start3A_413 = arith.constant 0 : i32
          %dma_start3A_414 = arith.constant 0 : i32
          %dma_start3A_415 = tpu.memref_slice %arg7[%dma_start3A_412, %dma_start3A_413, %dma_start3A_414] : memref<2x80x512xf32, #tpu.memory_space<vmem>> -> memref<1x80x512xf32, #tpu.memory_space<vmem>>
          %dma_start3A_416 = tpu.memref_squeeze %dma_start3A_415 : memref<1x80x512xf32, #tpu.memory_space<vmem>> -> memref<80x512xf32, #tpu.memory_space<vmem>>
          %dma_start3A_417 = arith.constant 0 : i32
          %dma_start3A_418 = tpu.memref_slice %arg2[%select_n3A_9, %multiple_of3A_411, %dma_start3A_417] : memref<16x2048x512xf32, #tpu.memory_space<hbm>> -> memref<1x80x512xf32, #tpu.memory_space<hbm>>
          %dma_start3A_419 = tpu.memref_squeeze %dma_start3A_418 : memref<1x80x512xf32, #tpu.memory_space<hbm>> -> memref<80x512xf32, #tpu.memory_space<hbm>>
          %dma_start3A_420 = arith.constant 0 : i32
          %dma_start3A_421 = arith.constant 0 : i32
          %dma_start3A_422 = tpu.memref_slice %arg7[%dma_start3A_412, %dma_start3A_420, %dma_start3A_421] : memref<2x80x512xf32, #tpu.memory_space<vmem>> -> memref<1x80x512xf32, #tpu.memory_space<vmem>>
          %dma_start3A_423 = tpu.memref_squeeze %dma_start3A_422 : memref<1x80x512xf32, #tpu.memory_space<vmem>> -> memref<80x512xf32, #tpu.memory_space<vmem>>
          %dma_start3A_424 = arith.constant 0 : i32
          %dma_start3A_425 = tpu.memref_slice %arg2[%select_n3A_9, %multiple_of3A_411, %dma_start3A_424] : memref<16x2048x512xf32, #tpu.memory_space<hbm>> -> memref<1x80x512xf32, #tpu.memory_space<hbm>>
          %dma_start3A_426 = tpu.memref_squeeze %dma_start3A_425 : memref<1x80x512xf32, #tpu.memory_space<hbm>> -> memref<80x512xf32, #tpu.memory_space<hbm>>
          tpu.enqueue_dma source(%dma_start3A_426 : memref<80x512xf32, #tpu.memory_space<hbm>>) target(%dma_start3A_423 : memref<80x512xf32, #tpu.memory_space<vmem>>) target_semaphore(%arg12 : memref<!tpu.dma_semaphore, #tpu.memory_space<semaphore_mem>>)
        } else {
        }
        %mul3A_370 = arith.constant 80 : i32
        %mul3A_371 = arith.muli %add3A_310, %mul3A_370 : i32
        %add3A_372 = arith.addi %mul3A_32, %mul3A_371 : i32
        %multiple_of3A_373 = tpu.assume_multiple %add3A_372, 8 : i32
        %dma_wait3A_374 = arith.constant 1 : i32
        %dma_wait3A_375 = arith.constant 0 : i32
        %dma_wait3A_376 = arith.constant 0 : i32
        %dma_wait3A_377 = tpu.memref_slice %arg7[%dma_wait3A_374, %dma_wait3A_375, %dma_wait3A_376] : memref<2x80x512xf32, #tpu.memory_space<vmem>> -> memref<1x80x512xf32, #tpu.memory_space<vmem>>
        %dma_wait3A_378 = tpu.memref_squeeze %dma_wait3A_377 : memref<1x80x512xf32, #tpu.memory_space<vmem>> -> memref<80x512xf32, #tpu.memory_space<vmem>>
        %dma_wait3A_379 = arith.constant 0 : i32
        %dma_wait3A_380 = tpu.memref_slice %arg2[%select_n3A_9, %multiple_of3A_373, %dma_wait3A_379] : memref<16x2048x512xf32, #tpu.memory_space<hbm>> -> memref<1x80x512xf32, #tpu.memory_space<hbm>>
        %dma_wait3A_381 = tpu.memref_squeeze %dma_wait3A_380 : memref<1x80x512xf32, #tpu.memory_space<hbm>> -> memref<80x512xf32, #tpu.memory_space<hbm>>
        %dma_wait3A_382 = arith.constant 0 : i32
        %dma_wait3A_383 = arith.constant 0 : i32
        %dma_wait3A_384 = tpu.memref_slice %arg7[%dma_wait3A_374, %dma_wait3A_382, %dma_wait3A_383] : memref<2x80x512xf32, #tpu.memory_space<vmem>> -> memref<1x80x512xf32, #tpu.memory_space<vmem>>
        %dma_wait3A_385 = tpu.memref_squeeze %dma_wait3A_384 : memref<1x80x512xf32, #tpu.memory_space<vmem>> -> memref<80x512xf32, #tpu.memory_space<vmem>>
        %dma_wait3A_386 = arith.constant 0 : i32
        %dma_wait3A_387 = tpu.memref_slice %arg2[%select_n3A_9, %multiple_of3A_373, %dma_wait3A_386] : memref<16x2048x512xf32, #tpu.memory_space<hbm>> -> memref<1x80x512xf32, #tpu.memory_space<hbm>>
        %dma_wait3A_388 = tpu.memref_squeeze %dma_wait3A_387 : memref<1x80x512xf32, #tpu.memory_space<hbm>> -> memref<80x512xf32, #tpu.memory_space<hbm>>
        tpu.wait_dma2 semaphore(%arg12 : memref<!tpu.dma_semaphore, #tpu.memory_space<semaphore_mem>>) src(%dma_wait3A_388 : memref<80x512xf32, #tpu.memory_space<hbm>>) dst(%dma_wait3A_385 : memref<80x512xf32, #tpu.memory_space<vmem>>)
        %mul3A_389 = arith.constant 80 : i32
        %mul3A_390 = arith.muli %add3A_310, %mul3A_389 : i32
        %add3A_391 = arith.addi %mul3A_32, %mul3A_390 : i32
        %multiple_of3A_392 = tpu.assume_multiple %add3A_391, 8 : i32
        %dma_start3A_393 = arith.constant 1 : i32
        %dma_start3A_394 = arith.constant 0 : i32
        %dma_start3A_395 = arith.constant 0 : i32
        %dma_start3A_396 = tpu.memref_slice %arg7[%dma_start3A_393, %dma_start3A_394, %dma_start3A_395] : memref<2x80x512xf32, #tpu.memory_space<vmem>> -> memref<1x80x512xf32, #tpu.memory_space<vmem>>
        %dma_start3A_397 = tpu.memref_squeeze %dma_start3A_396 : memref<1x80x512xf32, #tpu.memory_space<vmem>> -> memref<80x512xf32, #tpu.memory_space<vmem>>
        %dma_start3A_398 = arith.constant 0 : i32
        %dma_start3A_399 = tpu.memref_slice %arg6[%select_n3A_9, %multiple_of3A_392, %dma_start3A_398] : memref<16x2080x512xf32, #tpu.memory_space<hbm>> -> memref<1x80x512xf32, #tpu.memory_space<hbm>>
        %dma_start3A_400 = tpu.memref_squeeze %dma_start3A_399 : memref<1x80x512xf32, #tpu.memory_space<hbm>> -> memref<80x512xf32, #tpu.memory_space<hbm>>
        %dma_start3A_401 = arith.constant 0 : i32
        %dma_start3A_402 = tpu.memref_slice %arg6[%select_n3A_9, %multiple_of3A_392, %dma_start3A_401] : memref<16x2080x512xf32, #tpu.memory_space<hbm>> -> memref<1x80x512xf32, #tpu.memory_space<hbm>>
        %dma_start3A_403 = tpu.memref_squeeze %dma_start3A_402 : memref<1x80x512xf32, #tpu.memory_space<hbm>> -> memref<80x512xf32, #tpu.memory_space<hbm>>
        %dma_start3A_404 = arith.constant 0 : i32
        %dma_start3A_405 = arith.constant 0 : i32
        %dma_start3A_406 = tpu.memref_slice %arg7[%dma_start3A_393, %dma_start3A_404, %dma_start3A_405] : memref<2x80x512xf32, #tpu.memory_space<vmem>> -> memref<1x80x512xf32, #tpu.memory_space<vmem>>
        %dma_start3A_407 = tpu.memref_squeeze %dma_start3A_406 : memref<1x80x512xf32, #tpu.memory_space<vmem>> -> memref<80x512xf32, #tpu.memory_space<vmem>>
        tpu.enqueue_dma source(%dma_start3A_407 : memref<80x512xf32, #tpu.memory_space<vmem>>) target(%dma_start3A_403 : memref<80x512xf32, #tpu.memory_space<hbm>>) target_semaphore(%arg15 : memref<!tpu.dma_semaphore, #tpu.memory_space<semaphore_mem>>)
      } else {
      }
    }
    %while3A_244 = arith.constant 1 : i32
    scf.for %while3A_306 = %while3A_242 to %while3A_238 step %while3A_244  : i32 {
      %mul3A_307 = arith.constant 2 : i32
      %mul3A_308 = arith.muli %mul3A_307, %while3A_306 : i32
      %add3A_309 = arith.constant 1 : i32
      %add3A_310 = arith.addi %mul3A_308, %add3A_309 : i32
      %gt3A_311 = arith.constant 0 : i32
      %gt3A_312 = arith.cmpi sgt, %mul3A_308, %gt3A_311 : i32
      %convert_element_type3A_313 = arith.extui %gt3A_312 : i1 to i32
      %cond3A_314 = arith.constant 0 : i32
      %cond3A_315 = arith.cmpi ne, %convert_element_type3A_313, %cond3A_314 : i32
      scf.if %cond3A_315 {
        %sub3A_360 = arith.constant 2 : i32
        %sub3A_361 = arith.subi %mul3A_308, %sub3A_360 : i32
        %mul3A_362 = arith.constant 80 : i32
        %mul3A_363 = arith.muli %sub3A_361, %mul3A_362 : i32
        %add3A_364 = arith.addi %mul3A_32, %mul3A_363 : i32
        %multiple_of3A_365 = tpu.assume_multiple %add3A_364, 8 : i32
        %dma_wait3A_366 = arith.constant 0 : i32
        %dma_wait3A_367 = arith.constant 0 : i32
        %dma_wait3A_368 = arith.constant 0 : i32
        %dma_wait3A_369 = tpu.memref_slice %arg7[%dma_wait3A_366, %dma_wait3A_367, %dma_wait3A_368] : memref<2x80x512xf32, #tpu.memory_space<vmem>> -> memref<1x80x512xf32, #tpu.memory_space<vmem>>
        %dma_wait3A_370 = tpu.memref_squeeze %dma_wait3A_369 : memref<1x80x512xf32, #tpu.memory_space<vmem>> -> memref<80x512xf32, #tpu.memory_space<vmem>>
        %dma_wait3A_371 = arith.constant 0 : i32
        %dma_wait3A_372 = tpu.memref_slice %arg6[%select_n3A_9, %multiple_of3A_365, %dma_wait3A_371] : memref<16x2080x512xf32, #tpu.memory_space<hbm>> -> memref<1x80x512xf32, #tpu.memory_space<hbm>>
        %dma_wait3A_373 = tpu.memref_squeeze %dma_wait3A_372 : memref<1x80x512xf32, #tpu.memory_space<hbm>> -> memref<80x512xf32, #tpu.memory_space<hbm>>
        %dma_wait3A_374 = arith.constant 0 : i32
        %dma_wait3A_375 = tpu.memref_slice %arg6[%select_n3A_9, %multiple_of3A_365, %dma_wait3A_374] : memref<16x2080x512xf32, #tpu.memory_space<hbm>> -> memref<1x80x512xf32, #tpu.memory_space<hbm>>
        %dma_wait3A_376 = tpu.memref_squeeze %dma_wait3A_375 : memref<1x80x512xf32, #tpu.memory_space<hbm>> -> memref<80x512xf32, #tpu.memory_space<hbm>>
        %dma_wait3A_377 = arith.constant 0 : i32
        %dma_wait3A_378 = arith.constant 0 : i32
        %dma_wait3A_379 = tpu.memref_slice %arg7[%dma_wait3A_366, %dma_wait3A_377, %dma_wait3A_378] : memref<2x80x512xf32, #tpu.memory_space<vmem>> -> memref<1x80x512xf32, #tpu.memory_space<vmem>>
        %dma_wait3A_380 = tpu.memref_squeeze %dma_wait3A_379 : memref<1x80x512xf32, #tpu.memory_space<vmem>> -> memref<80x512xf32, #tpu.memory_space<vmem>>
        tpu.wait_dma2 semaphore(%arg14 : memref<!tpu.dma_semaphore, #tpu.memory_space<semaphore_mem>>) src(%dma_wait3A_380 : memref<80x512xf32, #tpu.memory_space<vmem>>) dst(%dma_wait3A_376 : memref<80x512xf32, #tpu.memory_space<hbm>>)
      } else {
      }
      %gt3A_316 = arith.constant 0 : i32
      %gt3A_317 = arith.cmpi sgt, %mul3A_308, %gt3A_316 : i32
      %convert_element_type3A_318 = arith.extui %gt3A_317 : i1 to i32
      %cond3A_319 = arith.constant 0 : i32
      %cond3A_320 = arith.cmpi ne, %convert_element_type3A_318, %cond3A_319 : i32
      scf.if %cond3A_320 {
        %mul3A_360 = arith.constant 80 : i32
        %mul3A_361 = arith.muli %mul3A_308, %mul3A_360 : i32
        %add3A_362 = arith.addi %mul3A_32, %mul3A_361 : i32
        %multiple_of3A_363 = tpu.assume_multiple %add3A_362, 8 : i32
        %dma_start3A_364 = arith.constant 0 : i32
        %dma_start3A_365 = arith.constant 0 : i32
        %dma_start3A_366 = arith.constant 0 : i32
        %dma_start3A_367 = tpu.memref_slice %arg7[%dma_start3A_364, %dma_start3A_365, %dma_start3A_366] : memref<2x80x512xf32, #tpu.memory_space<vmem>> -> memref<1x80x512xf32, #tpu.memory_space<vmem>>
        %dma_start3A_368 = tpu.memref_squeeze %dma_start3A_367 : memref<1x80x512xf32, #tpu.memory_space<vmem>> -> memref<80x512xf32, #tpu.memory_space<vmem>>
        %dma_start3A_369 = arith.constant 0 : i32
        %dma_start3A_370 = tpu.memref_slice %arg2[%select_n3A_9, %multiple_of3A_363, %dma_start3A_369] : memref<16x2048x512xf32, #tpu.memory_space<hbm>> -> memref<1x80x512xf32, #tpu.memory_space<hbm>>
        %dma_start3A_371 = tpu.memref_squeeze %dma_start3A_370 : memref<1x80x512xf32, #tpu.memory_space<hbm>> -> memref<80x512xf32, #tpu.memory_space<hbm>>
        %dma_start3A_372 = arith.constant 0 : i32
        %dma_start3A_373 = arith.constant 0 : i32
        %dma_start3A_374 = tpu.memref_slice %arg7[%dma_start3A_364, %dma_start3A_372, %dma_start3A_373] : memref<2x80x512xf32, #tpu.memory_space<vmem>> -> memref<1x80x512xf32, #tpu.memory_space<vmem>>
        %dma_start3A_375 = tpu.memref_squeeze %dma_start3A_374 : memref<1x80x512xf32, #tpu.memory_space<vmem>> -> memref<80x512xf32, #tpu.memory_space<vmem>>
        %dma_start3A_376 = arith.constant 0 : i32
        %dma_start3A_377 = tpu.memref_slice %arg2[%select_n3A_9, %multiple_of3A_363, %dma_start3A_376] : memref<16x2048x512xf32, #tpu.memory_space<hbm>> -> memref<1x80x512xf32, #tpu.memory_space<hbm>>
        %dma_start3A_378 = tpu.memref_squeeze %dma_start3A_377 : memref<1x80x512xf32, #tpu.memory_space<hbm>> -> memref<80x512xf32, #tpu.memory_space<hbm>>
        tpu.enqueue_dma source(%dma_start3A_378 : memref<80x512xf32, #tpu.memory_space<hbm>>) target(%dma_start3A_375 : memref<80x512xf32, #tpu.memory_space<vmem>>) target_semaphore(%arg11 : memref<!tpu.dma_semaphore, #tpu.memory_space<semaphore_mem>>)
      } else {
      }
      %mul3A_321 = arith.constant 80 : i32
      %mul3A_322 = arith.muli %mul3A_308, %mul3A_321 : i32
      %add3A_323 = arith.addi %mul3A_32, %mul3A_322 : i32
      %multiple_of3A = tpu.assume_multiple %add3A_323, 8 : i32
      %dma_wait3A = arith.constant 0 : i32
      %dma_wait3A_324 = arith.constant 0 : i32
      %dma_wait3A_325 = arith.constant 0 : i32
      %dma_wait3A_326 = tpu.memref_slice %arg7[%dma_wait3A, %dma_wait3A_324, %dma_wait3A_325] : memref<2x80x512xf32, #tpu.memory_space<vmem>> -> memref<1x80x512xf32, #tpu.memory_space<vmem>>
      %dma_wait3A_327 = tpu.memref_squeeze %dma_wait3A_326 : memref<1x80x512xf32, #tpu.memory_space<vmem>> -> memref<80x512xf32, #tpu.memory_space<vmem>>
      %dma_wait3A_328 = arith.constant 0 : i32
      %dma_wait3A_329 = tpu.memref_slice %arg2[%select_n3A_9, %multiple_of3A, %dma_wait3A_328] : memref<16x2048x512xf32, #tpu.memory_space<hbm>> -> memref<1x80x512xf32, #tpu.memory_space<hbm>>
      %dma_wait3A_330 = tpu.memref_squeeze %dma_wait3A_329 : memref<1x80x512xf32, #tpu.memory_space<hbm>> -> memref<80x512xf32, #tpu.memory_space<hbm>>
      %dma_wait3A_331 = arith.constant 0 : i32
      %dma_wait3A_332 = arith.constant 0 : i32
      %dma_wait3A_333 = tpu.memref_slice %arg7[%dma_wait3A, %dma_wait3A_331, %dma_wait3A_332] : memref<2x80x512xf32, #tpu.memory_space<vmem>> -> memref<1x80x512xf32, #tpu.memory_space<vmem>>
      %dma_wait3A_334 = tpu.memref_squeeze %dma_wait3A_333 : memref<1x80x512xf32, #tpu.memory_space<vmem>> -> memref<80x512xf32, #tpu.memory_space<vmem>>
      %dma_wait3A_335 = arith.constant 0 : i32
      %dma_wait3A_336 = tpu.memref_slice %arg2[%select_n3A_9, %multiple_of3A, %dma_wait3A_335] : memref<16x2048x512xf32, #tpu.memory_space<hbm>> -> memref<1x80x512xf32, #tpu.memory_space<hbm>>
      %dma_wait3A_337 = tpu.memref_squeeze %dma_wait3A_336 : memref<1x80x512xf32, #tpu.memory_space<hbm>> -> memref<80x512xf32, #tpu.memory_space<hbm>>
      tpu.wait_dma2 semaphore(%arg11 : memref<!tpu.dma_semaphore, #tpu.memory_space<semaphore_mem>>) src(%dma_wait3A_337 : memref<80x512xf32, #tpu.memory_space<hbm>>) dst(%dma_wait3A_334 : memref<80x512xf32, #tpu.memory_space<vmem>>)
      %mul3A_338 = arith.constant 80 : i32
      %mul3A_339 = arith.muli %mul3A_308, %mul3A_338 : i32
      %add3A_340 = arith.addi %mul3A_32, %mul3A_339 : i32
      %multiple_of3A_341 = tpu.assume_multiple %add3A_340, 8 : i32
      %dma_start3A = arith.constant 0 : i32
      %dma_start3A_342 = arith.constant 0 : i32
      %dma_start3A_343 = arith.constant 0 : i32
      %dma_start3A_344 = tpu.memref_slice %arg7[%dma_start3A, %dma_start3A_342, %dma_start3A_343] : memref<2x80x512xf32, #tpu.memory_space<vmem>> -> memref<1x80x512xf32, #tpu.memory_space<vmem>>
      %dma_start3A_345 = tpu.memref_squeeze %dma_start3A_344 : memref<1x80x512xf32, #tpu.memory_space<vmem>> -> memref<80x512xf32, #tpu.memory_space<vmem>>
      %dma_start3A_346 = arith.constant 0 : i32
      %dma_start3A_347 = tpu.memref_slice %arg6[%select_n3A_9, %multiple_of3A_341, %dma_start3A_346] : memref<16x2080x512xf32, #tpu.memory_space<hbm>> -> memref<1x80x512xf32, #tpu.memory_space<hbm>>
      %dma_start3A_348 = tpu.memref_squeeze %dma_start3A_347 : memref<1x80x512xf32, #tpu.memory_space<hbm>> -> memref<80x512xf32, #tpu.memory_space<hbm>>
      %dma_start3A_349 = arith.constant 0 : i32
      %dma_start3A_350 = tpu.memref_slice %arg6[%select_n3A_9, %multiple_of3A_341, %dma_start3A_349] : memref<16x2080x512xf32, #tpu.memory_space<hbm>> -> memref<1x80x512xf32, #tpu.memory_space<hbm>>
      %dma_start3A_351 = tpu.memref_squeeze %dma_start3A_350 : memref<1x80x512xf32, #tpu.memory_space<hbm>> -> memref<80x512xf32, #tpu.memory_space<hbm>>
      %dma_start3A_352 = arith.constant 0 : i32
      %dma_start3A_353 = arith.constant 0 : i32
      %dma_start3A_354 = tpu.memref_slice %arg7[%dma_start3A, %dma_start3A_352, %dma_start3A_353] : memref<2x80x512xf32, #tpu.memory_space<vmem>> -> memref<1x80x512xf32, #tpu.memory_space<vmem>>
      %dma_start3A_355 = tpu.memref_squeeze %dma_start3A_354 : memref<1x80x512xf32, #tpu.memory_space<vmem>> -> memref<80x512xf32, #tpu.memory_space<vmem>>
      tpu.enqueue_dma source(%dma_start3A_355 : memref<80x512xf32, #tpu.memory_space<vmem>>) target(%dma_start3A_351 : memref<80x512xf32, #tpu.memory_space<hbm>>) target_semaphore(%arg14 : memref<!tpu.dma_semaphore, #tpu.memory_space<semaphore_mem>>)
      %lt3A_356 = arith.cmpi slt, %add3A_310, %select_n3A_66 : i32
      %convert_element_type3A_357 = arith.extui %lt3A_356 : i1 to i32
      %cond3A_358 = arith.constant 0 : i32
      %cond3A_359 = arith.cmpi ne, %convert_element_type3A_357, %cond3A_358 : i32
      scf.if %cond3A_359 {
        %gt3A_360 = arith.constant 1 : i32
        %gt3A_361 = arith.cmpi sgt, %add3A_310, %gt3A_360 : i32
        %convert_element_type3A_362 = arith.extui %gt3A_361 : i1 to i32
        %cond3A_363 = arith.constant 0 : i32
        %cond3A_364 = arith.cmpi ne, %convert_element_type3A_362, %cond3A_363 : i32
        scf.if %cond3A_364 {
          %sub3A_408 = arith.constant 2 : i32
          %sub3A_409 = arith.subi %add3A_310, %sub3A_408 : i32
          %mul3A_410 = arith.constant 80 : i32
          %mul3A_411 = arith.muli %sub3A_409, %mul3A_410 : i32
          %add3A_412 = arith.addi %mul3A_32, %mul3A_411 : i32
          %multiple_of3A_413 = tpu.assume_multiple %add3A_412, 8 : i32
          %dma_wait3A_414 = arith.constant 1 : i32
          %dma_wait3A_415 = arith.constant 0 : i32
          %dma_wait3A_416 = arith.constant 0 : i32
          %dma_wait3A_417 = tpu.memref_slice %arg7[%dma_wait3A_414, %dma_wait3A_415, %dma_wait3A_416] : memref<2x80x512xf32, #tpu.memory_space<vmem>> -> memref<1x80x512xf32, #tpu.memory_space<vmem>>
          %dma_wait3A_418 = tpu.memref_squeeze %dma_wait3A_417 : memref<1x80x512xf32, #tpu.memory_space<vmem>> -> memref<80x512xf32, #tpu.memory_space<vmem>>
          %dma_wait3A_419 = arith.constant 0 : i32
          %dma_wait3A_420 = tpu.memref_slice %arg6[%select_n3A_9, %multiple_of3A_413, %dma_wait3A_419] : memref<16x2080x512xf32, #tpu.memory_space<hbm>> -> memref<1x80x512xf32, #tpu.memory_space<hbm>>
          %dma_wait3A_421 = tpu.memref_squeeze %dma_wait3A_420 : memref<1x80x512xf32, #tpu.memory_space<hbm>> -> memref<80x512xf32, #tpu.memory_space<hbm>>
          %dma_wait3A_422 = arith.constant 0 : i32
          %dma_wait3A_423 = tpu.memref_slice %arg6[%select_n3A_9, %multiple_of3A_413, %dma_wait3A_422] : memref<16x2080x512xf32, #tpu.memory_space<hbm>> -> memref<1x80x512xf32, #tpu.memory_space<hbm>>
          %dma_wait3A_424 = tpu.memref_squeeze %dma_wait3A_423 : memref<1x80x512xf32, #tpu.memory_space<hbm>> -> memref<80x512xf32, #tpu.memory_space<hbm>>
          %dma_wait3A_425 = arith.constant 0 : i32
          %dma_wait3A_426 = arith.constant 0 : i32
          %dma_wait3A_427 = tpu.memref_slice %arg7[%dma_wait3A_414, %dma_wait3A_425, %dma_wait3A_426] : memref<2x80x512xf32, #tpu.memory_space<vmem>> -> memref<1x80x512xf32, #tpu.memory_space<vmem>>
          %dma_wait3A_428 = tpu.memref_squeeze %dma_wait3A_427 : memref<1x80x512xf32, #tpu.memory_space<vmem>> -> memref<80x512xf32, #tpu.memory_space<vmem>>
          tpu.wait_dma2 semaphore(%arg15 : memref<!tpu.dma_semaphore, #tpu.memory_space<semaphore_mem>>) src(%dma_wait3A_428 : memref<80x512xf32, #tpu.memory_space<vmem>>) dst(%dma_wait3A_424 : memref<80x512xf32, #tpu.memory_space<hbm>>)
        } else {
        }
        %gt3A_365 = arith.constant 1 : i32
        %gt3A_366 = arith.cmpi sgt, %add3A_310, %gt3A_365 : i32
        %convert_element_type3A_367 = arith.extui %gt3A_366 : i1 to i32
        %cond3A_368 = arith.constant 0 : i32
        %cond3A_369 = arith.cmpi ne, %convert_element_type3A_367, %cond3A_368 : i32
        scf.if %cond3A_369 {
          %mul3A_408 = arith.constant 80 : i32
          %mul3A_409 = arith.muli %add3A_310, %mul3A_408 : i32
          %add3A_410 = arith.addi %mul3A_32, %mul3A_409 : i32
          %multiple_of3A_411 = tpu.assume_multiple %add3A_410, 8 : i32
          %dma_start3A_412 = arith.constant 1 : i32
          %dma_start3A_413 = arith.constant 0 : i32
          %dma_start3A_414 = arith.constant 0 : i32
          %dma_start3A_415 = tpu.memref_slice %arg7[%dma_start3A_412, %dma_start3A_413, %dma_start3A_414] : memref<2x80x512xf32, #tpu.memory_space<vmem>> -> memref<1x80x512xf32, #tpu.memory_space<vmem>>
          %dma_start3A_416 = tpu.memref_squeeze %dma_start3A_415 : memref<1x80x512xf32, #tpu.memory_space<vmem>> -> memref<80x512xf32, #tpu.memory_space<vmem>>
          %dma_start3A_417 = arith.constant 0 : i32
          %dma_start3A_418 = tpu.memref_slice %arg2[%select_n3A_9, %multiple_of3A_411, %dma_start3A_417] : memref<16x2048x512xf32, #tpu.memory_space<hbm>> -> memref<1x80x512xf32, #tpu.memory_space<hbm>>
          %dma_start3A_419 = tpu.memref_squeeze %dma_start3A_418 : memref<1x80x512xf32, #tpu.memory_space<hbm>> -> memref<80x512xf32, #tpu.memory_space<hbm>>
          %dma_start3A_420 = arith.constant 0 : i32
          %dma_start3A_421 = arith.constant 0 : i32
          %dma_start3A_422 = tpu.memref_slice %arg7[%dma_start3A_412, %dma_start3A_420, %dma_start3A_421] : memref<2x80x512xf32, #tpu.memory_space<vmem>> -> memref<1x80x512xf32, #tpu.memory_space<vmem>>
          %dma_start3A_423 = tpu.memref_squeeze %dma_start3A_422 : memref<1x80x512xf32, #tpu.memory_space<vmem>> -> memref<80x512xf32, #tpu.memory_space<vmem>>
          %dma_start3A_424 = arith.constant 0 : i32
          %dma_start3A_425 = tpu.memref_slice %arg2[%select_n3A_9, %multiple_of3A_411, %dma_start3A_424] : memref<16x2048x512xf32, #tpu.memory_space<hbm>> -> memref<1x80x512xf32, #tpu.memory_space<hbm>>
          %dma_start3A_426 = tpu.memref_squeeze %dma_start3A_425 : memref<1x80x512xf32, #tpu.memory_space<hbm>> -> memref<80x512xf32, #tpu.memory_space<hbm>>
          tpu.enqueue_dma source(%dma_start3A_426 : memref<80x512xf32, #tpu.memory_space<hbm>>) target(%dma_start3A_423 : memref<80x512xf32, #tpu.memory_space<vmem>>) target_semaphore(%arg12 : memref<!tpu.dma_semaphore, #tpu.memory_space<semaphore_mem>>)
        } else {
        }
        %mul3A_370 = arith.constant 80 : i32
        %mul3A_371 = arith.muli %add3A_310, %mul3A_370 : i32
        %add3A_372 = arith.addi %mul3A_32, %mul3A_371 : i32
        %multiple_of3A_373 = tpu.assume_multiple %add3A_372, 8 : i32
        %dma_wait3A_374 = arith.constant 1 : i32
        %dma_wait3A_375 = arith.constant 0 : i32
        %dma_wait3A_376 = arith.constant 0 : i32
        %dma_wait3A_377 = tpu.memref_slice %arg7[%dma_wait3A_374, %dma_wait3A_375, %dma_wait3A_376] : memref<2x80x512xf32, #tpu.memory_space<vmem>> -> memref<1x80x512xf32, #tpu.memory_space<vmem>>
        %dma_wait3A_378 = tpu.memref_squeeze %dma_wait3A_377 : memref<1x80x512xf32, #tpu.memory_space<vmem>> -> memref<80x512xf32, #tpu.memory_space<vmem>>
        %dma_wait3A_379 = arith.constant 0 : i32
        %dma_wait3A_380 = tpu.memref_slice %arg2[%select_n3A_9, %multiple_of3A_373, %dma_wait3A_379] : memref<16x2048x512xf32, #tpu.memory_space<hbm>> -> memref<1x80x512xf32, #tpu.memory_space<hbm>>
        %dma_wait3A_381 = tpu.memref_squeeze %dma_wait3A_380 : memref<1x80x512xf32, #tpu.memory_space<hbm>> -> memref<80x512xf32, #tpu.memory_space<hbm>>
        %dma_wait3A_382 = arith.constant 0 : i32
        %dma_wait3A_383 = arith.constant 0 : i32
        %dma_wait3A_384 = tpu.memref_slice %arg7[%dma_wait3A_374, %dma_wait3A_382, %dma_wait3A_383] : memref<2x80x512xf32, #tpu.memory_space<vmem>> -> memref<1x80x512xf32, #tpu.memory_space<vmem>>
        %dma_wait3A_385 = tpu.memref_squeeze %dma_wait3A_384 : memref<1x80x512xf32, #tpu.memory_space<vmem>> -> memref<80x512xf32, #tpu.memory_space<vmem>>
        %dma_wait3A_386 = arith.constant 0 : i32
        %dma_wait3A_387 = tpu.memref_slice %arg2[%select_n3A_9, %multiple_of3A_373, %dma_wait3A_386] : memref<16x2048x512xf32, #tpu.memory_space<hbm>> -> memref<1x80x512xf32, #tpu.memory_space<hbm>>
        %dma_wait3A_388 = tpu.memref_squeeze %dma_wait3A_387 : memref<1x80x512xf32, #tpu.memory_space<hbm>> -> memref<80x512xf32, #tpu.memory_space<hbm>>
        tpu.wait_dma2 semaphore(%arg12 : memref<!tpu.dma_semaphore, #tpu.memory_space<semaphore_mem>>) src(%dma_wait3A_388 : memref<80x512xf32, #tpu.memory_space<hbm>>) dst(%dma_wait3A_385 : memref<80x512xf32, #tpu.memory_space<vmem>>)
        %mul3A_389 = arith.constant 80 : i32
        %mul3A_390 = arith.muli %add3A_310, %mul3A_389 : i32
        %add3A_391 = arith.addi %mul3A_32, %mul3A_390 : i32
        %multiple_of3A_392 = tpu.assume_multiple %add3A_391, 8 : i32
        %dma_start3A_393 = arith.constant 1 : i32
        %dma_start3A_394 = arith.constant 0 : i32
        %dma_start3A_395 = arith.constant 0 : i32
        %dma_start3A_396 = tpu.memref_slice %arg7[%dma_start3A_393, %dma_start3A_394, %dma_start3A_395] : memref<2x80x512xf32, #tpu.memory_space<vmem>> -> memref<1x80x512xf32, #tpu.memory_space<vmem>>
        %dma_start3A_397 = tpu.memref_squeeze %dma_start3A_396 : memref<1x80x512xf32, #tpu.memory_space<vmem>> -> memref<80x512xf32, #tpu.memory_space<vmem>>
        %dma_start3A_398 = arith.constant 0 : i32
        %dma_start3A_399 = tpu.memref_slice %arg6[%select_n3A_9, %multiple_of3A_392, %dma_start3A_398] : memref<16x2080x512xf32, #tpu.memory_space<hbm>> -> memref<1x80x512xf32, #tpu.memory_space<hbm>>
        %dma_start3A_400 = tpu.memref_squeeze %dma_start3A_399 : memref<1x80x512xf32, #tpu.memory_space<hbm>> -> memref<80x512xf32, #tpu.memory_space<hbm>>
        %dma_start3A_401 = arith.constant 0 : i32
        %dma_start3A_402 = tpu.memref_slice %arg6[%select_n3A_9, %multiple_of3A_392, %dma_start3A_401] : memref<16x2080x512xf32, #tpu.memory_space<hbm>> -> memref<1x80x512xf32, #tpu.memory_space<hbm>>
        %dma_start3A_403 = tpu.memref_squeeze %dma_start3A_402 : memref<1x80x512xf32, #tpu.memory_space<hbm>> -> memref<80x512xf32, #tpu.memory_space<hbm>>
        %dma_start3A_404 = arith.constant 0 : i32
        %dma_start3A_405 = arith.constant 0 : i32
        %dma_start3A_406 = tpu.memref_slice %arg7[%dma_start3A_393, %dma_start3A_404, %dma_start3A_405] : memref<2x80x512xf32, #tpu.memory_space<vmem>> -> memref<1x80x512xf32, #tpu.memory_space<vmem>>
        %dma_start3A_407 = tpu.memref_squeeze %dma_start3A_406 : memref<1x80x512xf32, #tpu.memory_space<vmem>> -> memref<80x512xf32, #tpu.memory_space<vmem>>
        tpu.enqueue_dma source(%dma_start3A_407 : memref<80x512xf32, #tpu.memory_space<vmem>>) target(%dma_start3A_403 : memref<80x512xf32, #tpu.memory_space<hbm>>) target_semaphore(%arg15 : memref<!tpu.dma_semaphore, #tpu.memory_space<semaphore_mem>>)
      } else {
      }
    }
    %gt3A_245 = arith.constant 0 : i32
    %gt3A_246 = arith.cmpi sgt, %select_n3A_66, %gt3A_245 : i32
    %convert_element_type3A_247 = arith.extui %gt3A_246 : i1 to i32
    %cond3A_248 = arith.constant 0 : i32
    %cond3A_249 = arith.cmpi ne, %convert_element_type3A_247, %cond3A_248 : i32
    scf.if %cond3A_249 {
      %sub3A_306 = arith.constant 1 : i32
      %sub3A_307 = arith.subi %select_n3A_66, %sub3A_306 : i32
      %jit3A_308 = arith.constant 2 : i32
      %div3A_309 = arith.divsi %sub3A_307, %jit3A_308 : i32
      %sign3A_310 = arith.constant 0 : i32
      %sign3A_311 = arith.cmpi sgt, %sub3A_307, %sign3A_310 : i32
      %sign3A_312 = arith.extui %sign3A_311 : i1 to i32
      %sign3A_313 = arith.constant 0 : i32
      %sign3A_314 = arith.cmpi slt, %sub3A_307, %sign3A_313 : i32
      %sign3A_315 = arith.extui %sign3A_314 : i1 to i32
      %sign3A_316 = arith.subi %sign3A_312, %sign3A_315 : i32
      %sign3A_317 = arith.constant 0 : i32
      %sign3A_318 = arith.cmpi sgt, %jit3A_308, %sign3A_317 : i32
      %sign3A_319 = arith.extui %sign3A_318 : i1 to i32
      %sign3A_320 = arith.constant 0 : i32
      %sign3A_321 = arith.cmpi slt, %jit3A_308, %sign3A_320 : i32
      %sign3A_322 = arith.extui %sign3A_321 : i1 to i32
      %sign3A_323 = arith.subi %sign3A_319, %sign3A_322 : i32
      %ne3A_324 = arith.cmpi ne, %sign3A_316, %sign3A_323 : i32
      %rem3A_325 = arith.remsi %sub3A_307, %jit3A_308 : i32
      %ne3A_326 = arith.constant 0 : i32
      %ne3A_327 = arith.cmpi ne, %rem3A_325, %ne3A_326 : i32
      %and3A_328 = arith.andi %ne3A_324, %ne3A_327 : i1
      %sub3A_329 = arith.constant 1 : i32
      %sub3A_330 = arith.subi %div3A_309, %sub3A_329 : i32
      %select_n3A_331 = arith.select %and3A_328, %sub3A_330, %div3A_309 : i32
      %mul3A_332 = arith.constant 2 : i32
      %mul3A_333 = arith.muli %select_n3A_331, %mul3A_332 : i32
      %mul3A_334 = arith.constant 80 : i32
      %mul3A_335 = arith.muli %mul3A_333, %mul3A_334 : i32
      %add3A_336 = arith.addi %mul3A_32, %mul3A_335 : i32
      %multiple_of3A = tpu.assume_multiple %add3A_336, 8 : i32
      %dma_wait3A = arith.constant 0 : i32
      %dma_wait3A_337 = arith.constant 0 : i32
      %dma_wait3A_338 = arith.constant 0 : i32
      %dma_wait3A_339 = tpu.memref_slice %arg7[%dma_wait3A, %dma_wait3A_337, %dma_wait3A_338] : memref<2x80x512xf32, #tpu.memory_space<vmem>> -> memref<1x80x512xf32, #tpu.memory_space<vmem>>
      %dma_wait3A_340 = tpu.memref_squeeze %dma_wait3A_339 : memref<1x80x512xf32, #tpu.memory_space<vmem>> -> memref<80x512xf32, #tpu.memory_space<vmem>>
      %dma_wait3A_341 = arith.constant 0 : i32
      %dma_wait3A_342 = tpu.memref_slice %arg6[%select_n3A_9, %multiple_of3A, %dma_wait3A_341] : memref<16x2080x512xf32, #tpu.memory_space<hbm>> -> memref<1x80x512xf32, #tpu.memory_space<hbm>>
      %dma_wait3A_343 = tpu.memref_squeeze %dma_wait3A_342 : memref<1x80x512xf32, #tpu.memory_space<hbm>> -> memref<80x512xf32, #tpu.memory_space<hbm>>
      %dma_wait3A_344 = arith.constant 0 : i32
      %dma_wait3A_345 = tpu.memref_slice %arg6[%select_n3A_9, %multiple_of3A, %dma_wait3A_344] : memref<16x2080x512xf32, #tpu.memory_space<hbm>> -> memref<1x80x512xf32, #tpu.memory_space<hbm>>
      %dma_wait3A_346 = tpu.memref_squeeze %dma_wait3A_345 : memref<1x80x512xf32, #tpu.memory_space<hbm>> -> memref<80x512xf32, #tpu.memory_space<hbm>>
      %dma_wait3A_347 = arith.constant 0 : i32
      %dma_wait3A_348 = arith.constant 0 : i32
      %dma_wait3A_349 = tpu.memref_slice %arg7[%dma_wait3A, %dma_wait3A_347, %dma_wait3A_348] : memref<2x80x512xf32, #tpu.memory_space<vmem>> -> memref<1x80x512xf32, #tpu.memory_space<vmem>>
      %dma_wait3A_350 = tpu.memref_squeeze %dma_wait3A_349 : memref<1x80x512xf32, #tpu.memory_space<vmem>> -> memref<80x512xf32, #tpu.memory_space<vmem>>
      tpu.wait_dma2 semaphore(%arg14 : memref<!tpu.dma_semaphore, #tpu.memory_space<semaphore_mem>>) src(%dma_wait3A_350 : memref<80x512xf32, #tpu.memory_space<vmem>>) dst(%dma_wait3A_346 : memref<80x512xf32, #tpu.memory_space<hbm>>)
    } else {
    }
    %gt3A_250 = arith.constant 1 : i32
    %gt3A_251 = arith.cmpi sgt, %select_n3A_66, %gt3A_250 : i32
    %convert_element_type3A_252 = arith.extui %gt3A_251 : i1 to i32
    %cond3A_253 = arith.constant 0 : i32
    %cond3A_254 = arith.cmpi ne, %convert_element_type3A_252, %cond3A_253 : i32
    scf.if %cond3A_254 {
      %sub3A_306 = arith.constant 2 : i32
      %sub3A_307 = arith.subi %select_n3A_66, %sub3A_306 : i32
      %jit3A_308 = arith.constant 2 : i32
      %div3A_309 = arith.divsi %sub3A_307, %jit3A_308 : i32
      %sign3A_310 = arith.constant 0 : i32
      %sign3A_311 = arith.cmpi sgt, %sub3A_307, %sign3A_310 : i32
      %sign3A_312 = arith.extui %sign3A_311 : i1 to i32
      %sign3A_313 = arith.constant 0 : i32
      %sign3A_314 = arith.cmpi slt, %sub3A_307, %sign3A_313 : i32
      %sign3A_315 = arith.extui %sign3A_314 : i1 to i32
      %sign3A_316 = arith.subi %sign3A_312, %sign3A_315 : i32
      %sign3A_317 = arith.constant 0 : i32
      %sign3A_318 = arith.cmpi sgt, %jit3A_308, %sign3A_317 : i32
      %sign3A_319 = arith.extui %sign3A_318 : i1 to i32
      %sign3A_320 = arith.constant 0 : i32
      %sign3A_321 = arith.cmpi slt, %jit3A_308, %sign3A_320 : i32
      %sign3A_322 = arith.extui %sign3A_321 : i1 to i32
      %sign3A_323 = arith.subi %sign3A_319, %sign3A_322 : i32
      %ne3A_324 = arith.cmpi ne, %sign3A_316, %sign3A_323 : i32
      %rem3A_325 = arith.remsi %sub3A_307, %jit3A_308 : i32
      %ne3A_326 = arith.constant 0 : i32
      %ne3A_327 = arith.cmpi ne, %rem3A_325, %ne3A_326 : i32
      %and3A_328 = arith.andi %ne3A_324, %ne3A_327 : i1
      %sub3A_329 = arith.constant 1 : i32
      %sub3A_330 = arith.subi %div3A_309, %sub3A_329 : i32
      %select_n3A_331 = arith.select %and3A_328, %sub3A_330, %div3A_309 : i32
      %mul3A_332 = arith.constant 2 : i32
      %mul3A_333 = arith.muli %select_n3A_331, %mul3A_332 : i32
      %add3A_334 = arith.constant 1 : i32
      %add3A_335 = arith.addi %mul3A_333, %add3A_334 : i32
      %mul3A_336 = arith.constant 80 : i32
      %mul3A_337 = arith.muli %add3A_335, %mul3A_336 : i32
      %add3A_338 = arith.addi %mul3A_32, %mul3A_337 : i32
      %multiple_of3A = tpu.assume_multiple %add3A_338, 8 : i32
      %dma_wait3A = arith.constant 1 : i32
      %dma_wait3A_339 = arith.constant 0 : i32
      %dma_wait3A_340 = arith.constant 0 : i32
      %dma_wait3A_341 = tpu.memref_slice %arg7[%dma_wait3A, %dma_wait3A_339, %dma_wait3A_340] : memref<2x80x512xf32, #tpu.memory_space<vmem>> -> memref<1x80x512xf32, #tpu.memory_space<vmem>>
      %dma_wait3A_342 = tpu.memref_squeeze %dma_wait3A_341 : memref<1x80x512xf32, #tpu.memory_space<vmem>> -> memref<80x512xf32, #tpu.memory_space<vmem>>
      %dma_wait3A_343 = arith.constant 0 : i32
      %dma_wait3A_344 = tpu.memref_slice %arg6[%select_n3A_9, %multiple_of3A, %dma_wait3A_343] : memref<16x2080x512xf32, #tpu.memory_space<hbm>> -> memref<1x80x512xf32, #tpu.memory_space<hbm>>
      %dma_wait3A_345 = tpu.memref_squeeze %dma_wait3A_344 : memref<1x80x512xf32, #tpu.memory_space<hbm>> -> memref<80x512xf32, #tpu.memory_space<hbm>>
      %dma_wait3A_346 = arith.constant 0 : i32
      %dma_wait3A_347 = tpu.memref_slice %arg6[%select_n3A_9, %multiple_of3A, %dma_wait3A_346] : memref<16x2080x512xf32, #tpu.memory_space<hbm>> -> memref<1x80x512xf32, #tpu.memory_space<hbm>>
      %dma_wait3A_348 = tpu.memref_squeeze %dma_wait3A_347 : memref<1x80x512xf32, #tpu.memory_space<hbm>> -> memref<80x512xf32, #tpu.memory_space<hbm>>
      %dma_wait3A_349 = arith.constant 0 : i32
      %dma_wait3A_350 = arith.constant 0 : i32
      %dma_wait3A_351 = tpu.memref_slice %arg7[%dma_wait3A, %dma_wait3A_349, %dma_wait3A_350] : memref<2x80x512xf32, #tpu.memory_space<vmem>> -> memref<1x80x512xf32, #tpu.memory_space<vmem>>
      %dma_wait3A_352 = tpu.memref_squeeze %dma_wait3A_351 : memref<1x80x512xf32, #tpu.memory_space<vmem>> -> memref<80x512xf32, #tpu.memory_space<vmem>>
      tpu.wait_dma2 semaphore(%arg15 : memref<!tpu.dma_semaphore, #tpu.memory_space<semaphore_mem>>) src(%dma_wait3A_352 : memref<80x512xf32, #tpu.memory_space<vmem>>) dst(%dma_wait3A_348 : memref<80x512xf32, #tpu.memory_space<hbm>>)
    } else {
    }
    %ge3A = arith.cmpi sge, %squeeze3A, %mul3A_32 : i32
    %lt3A_255 = arith.cmpi slt, %squeeze3A, %add3A_34 : i32
    %and3A_256 = arith.andi %ge3A, %lt3A_255 : i1
    %convert_element_type3A_257 = arith.extui %and3A_256 : i1 to i32
    %cond3A_258 = arith.constant 0 : i32
    %cond3A_259 = arith.cmpi ne, %convert_element_type3A_257, %cond3A_258 : i32
    scf.if %cond3A_259 {
      "tpu.region"() ({
        %run_scoped3A_363 = tpu.sem_alloc : memref<!tpu.dma_semaphore, #tpu.memory_space<semaphore_mem>>
        tpu.enqueue_dma source(%arg4 : memref<32x512xf32, #tpu.memory_space<hbm>>) target(%arg8 : memref<32x512xf32, #tpu.memory_space<vmem>>) target_semaphore(%run_scoped3A_363 : memref<!tpu.dma_semaphore, #tpu.memory_space<semaphore_mem>>)
        tpu.wait_dma2 semaphore(%run_scoped3A_363 : memref<!tpu.dma_semaphore, #tpu.memory_space<semaphore_mem>>) src(%arg4 : memref<32x512xf32, #tpu.memory_space<hbm>>) dst(%arg8 : memref<32x512xf32, #tpu.memory_space<vmem>>)
        tpu.yield
      }) : () -> ()
      %jit3A_306 = arith.constant 8 : i32
      %div3A_307 = arith.divsi %squeeze3A, %jit3A_306 : i32
      %sign3A_308 = arith.constant 0 : i32
      %sign3A_309 = arith.cmpi sgt, %squeeze3A, %sign3A_308 : i32
      %sign3A_310 = arith.extui %sign3A_309 : i1 to i32
      %sign3A_311 = arith.constant 0 : i32
      %sign3A_312 = arith.cmpi slt, %squeeze3A, %sign3A_311 : i32
      %sign3A_313 = arith.extui %sign3A_312 : i1 to i32
      %sign3A_314 = arith.subi %sign3A_310, %sign3A_313 : i32
      %sign3A_315 = arith.constant 0 : i32
      %sign3A_316 = arith.cmpi sgt, %jit3A_306, %sign3A_315 : i32
      %sign3A_317 = arith.extui %sign3A_316 : i1 to i32
      %sign3A_318 = arith.constant 0 : i32
      %sign3A_319 = arith.cmpi slt, %jit3A_306, %sign3A_318 : i32
      %sign3A_320 = arith.extui %sign3A_319 : i1 to i32
      %sign3A_321 = arith.subi %sign3A_317, %sign3A_320 : i32
      %ne3A_322 = arith.cmpi ne, %sign3A_314, %sign3A_321 : i32
      %rem3A_323 = arith.remsi %squeeze3A, %jit3A_306 : i32
      %ne3A_324 = arith.constant 0 : i32
      %ne3A_325 = arith.cmpi ne, %rem3A_323, %ne3A_324 : i32
      %and3A_326 = arith.andi %ne3A_322, %ne3A_325 : i1
      %sub3A_327 = arith.constant 1 : i32
      %sub3A_328 = arith.subi %div3A_307, %sub3A_327 : i32
      %select_n3A_329 = arith.select %and3A_326, %sub3A_328, %div3A_307 : i32
      %mul3A_330 = arith.constant 8 : i32
      %mul3A_331 = arith.muli %select_n3A_329, %mul3A_330 : i32
      %min3A_332 = arith.constant 2000 : i32
      %min3A_333 = arith.minsi %mul3A_331, %min3A_332 : i32
      %multiple_of3A = tpu.assume_multiple %min3A_333, 8 : i32
      %sub3A_334 = arith.subi %squeeze3A, %multiple_of3A : i32
      %mul3A_335 = arith.constant 80 : i32
      %mul3A_336 = arith.muli %select_n3A_66, %mul3A_335 : i32
      %add3A_337 = arith.addi %mul3A_32, %mul3A_336 : i32
      %sub3A_338 = arith.subi %multiple_of3A, %add3A_337 : i32
      %gt3A_339 = arith.constant 0 : i32
      %gt3A_340 = arith.cmpi sgt, %sub3A_338, %gt3A_339 : i32
      %convert_element_type3A_341 = arith.extui %gt3A_340 : i1 to i32
      %cond3A_342 = arith.constant 0 : i32
      %cond3A_343 = arith.cmpi ne, %convert_element_type3A_341, %cond3A_342 : i32
      scf.if %cond3A_343 {
        %min3A_363 = arith.constant 1968 : i32
        %min3A_364 = arith.minsi %add3A_337, %min3A_363 : i32
        %multiple_of3A_365 = tpu.assume_multiple %min3A_364, 8 : i32
        %sub3A_366 = arith.subi %add3A_337, %multiple_of3A_365 : i32
        %run_scoped3A_367 = arith.constant 0 : i32
        "tpu.region"() ({
          %run_scoped3A_404 = tpu.sem_alloc : memref<!tpu.dma_semaphore, #tpu.memory_space<semaphore_mem>>
          %dma_start3A = arith.constant 0 : i32
          %dma_start3A_405 = arith.constant 0 : i32
          %dma_start3A_406 = tpu.memref_slice %arg7[%run_scoped3A_367, %dma_start3A, %dma_start3A_405] : memref<2x80x512xf32, #tpu.memory_space<vmem>> -> memref<1x80x512xf32, #tpu.memory_space<vmem>>
          %dma_start3A_407 = tpu.memref_squeeze %dma_start3A_406 : memref<1x80x512xf32, #tpu.memory_space<vmem>> -> memref<80x512xf32, #tpu.memory_space<vmem>>
          %dma_start3A_408 = arith.constant 0 : i32
          %dma_start3A_409 = tpu.memref_slice %arg2[%select_n3A_9, %multiple_of3A_365, %dma_start3A_408] : memref<16x2048x512xf32, #tpu.memory_space<hbm>> -> memref<1x80x512xf32, #tpu.memory_space<hbm>>
          %dma_start3A_410 = tpu.memref_squeeze %dma_start3A_409 : memref<1x80x512xf32, #tpu.memory_space<hbm>> -> memref<80x512xf32, #tpu.memory_space<hbm>>
          %dma_start3A_411 = arith.constant 0 : i32
          %dma_start3A_412 = arith.constant 0 : i32
          %dma_start3A_413 = tpu.memref_slice %arg7[%run_scoped3A_367, %dma_start3A_411, %dma_start3A_412] : memref<2x80x512xf32, #tpu.memory_space<vmem>> -> memref<1x80x512xf32, #tpu.memory_space<vmem>>
          %dma_start3A_414 = tpu.memref_squeeze %dma_start3A_413 : memref<1x80x512xf32, #tpu.memory_space<vmem>> -> memref<80x512xf32, #tpu.memory_space<vmem>>
          %dma_start3A_415 = arith.constant 0 : i32
          %dma_start3A_416 = tpu.memref_slice %arg2[%select_n3A_9, %multiple_of3A_365, %dma_start3A_415] : memref<16x2048x512xf32, #tpu.memory_space<hbm>> -> memref<1x80x512xf32, #tpu.memory_space<hbm>>
          %dma_start3A_417 = tpu.memref_squeeze %dma_start3A_416 : memref<1x80x512xf32, #tpu.memory_space<hbm>> -> memref<80x512xf32, #tpu.memory_space<hbm>>
          tpu.enqueue_dma source(%dma_start3A_417 : memref<80x512xf32, #tpu.memory_space<hbm>>) target(%dma_start3A_414 : memref<80x512xf32, #tpu.memory_space<vmem>>) target_semaphore(%run_scoped3A_404 : memref<!tpu.dma_semaphore, #tpu.memory_space<semaphore_mem>>)
          %dma_wait3A = arith.constant 0 : i32
          %dma_wait3A_418 = arith.constant 0 : i32
          %dma_wait3A_419 = tpu.memref_slice %arg7[%run_scoped3A_367, %dma_wait3A, %dma_wait3A_418] : memref<2x80x512xf32, #tpu.memory_space<vmem>> -> memref<1x80x512xf32, #tpu.memory_space<vmem>>
          %dma_wait3A_420 = tpu.memref_squeeze %dma_wait3A_419 : memref<1x80x512xf32, #tpu.memory_space<vmem>> -> memref<80x512xf32, #tpu.memory_space<vmem>>
          %dma_wait3A_421 = arith.constant 0 : i32
          %dma_wait3A_422 = tpu.memref_slice %arg2[%select_n3A_9, %multiple_of3A_365, %dma_wait3A_421] : memref<16x2048x512xf32, #tpu.memory_space<hbm>> -> memref<1x80x512xf32, #tpu.memory_space<hbm>>
          %dma_wait3A_423 = tpu.memref_squeeze %dma_wait3A_422 : memref<1x80x512xf32, #tpu.memory_space<hbm>> -> memref<80x512xf32, #tpu.memory_space<hbm>>
          %dma_wait3A_424 = arith.constant 0 : i32
          %dma_wait3A_425 = arith.constant 0 : i32
          %dma_wait3A_426 = tpu.memref_slice %arg7[%run_scoped3A_367, %dma_wait3A_424, %dma_wait3A_425] : memref<2x80x512xf32, #tpu.memory_space<vmem>> -> memref<1x80x512xf32, #tpu.memory_space<vmem>>
          %dma_wait3A_427 = tpu.memref_squeeze %dma_wait3A_426 : memref<1x80x512xf32, #tpu.memory_space<vmem>> -> memref<80x512xf32, #tpu.memory_space<vmem>>
          %dma_wait3A_428 = arith.constant 0 : i32
          %dma_wait3A_429 = tpu.memref_slice %arg2[%select_n3A_9, %multiple_of3A_365, %dma_wait3A_428] : memref<16x2048x512xf32, #tpu.memory_space<hbm>> -> memref<1x80x512xf32, #tpu.memory_space<hbm>>
          %dma_wait3A_430 = tpu.memref_squeeze %dma_wait3A_429 : memref<1x80x512xf32, #tpu.memory_space<hbm>> -> memref<80x512xf32, #tpu.memory_space<hbm>>
          tpu.wait_dma2 semaphore(%run_scoped3A_404 : memref<!tpu.dma_semaphore, #tpu.memory_space<semaphore_mem>>) src(%dma_wait3A_430 : memref<80x512xf32, #tpu.memory_space<hbm>>) dst(%dma_wait3A_427 : memref<80x512xf32, #tpu.memory_space<vmem>>)
          tpu.yield
        }) : () -> ()
        %and3A_368 = arith.constant 64 : i32
        %and3A_369 = arith.andi %sub3A_338, %and3A_368 : i32
        %gt3A_370 = arith.constant 0 : i32
        %gt3A_371 = arith.cmpi sgt, %and3A_369, %gt3A_370 : i32
        %convert_element_type3A_372 = arith.extui %gt3A_371 : i1 to i32
        %cond3A_373 = arith.constant 0 : i32
        %cond3A_374 = arith.cmpi ne, %convert_element_type3A_372, %cond3A_373 : i32
        scf.if %cond3A_374 {
          %multiple_of3A_404 = tpu.assume_multiple %sub3A_366, 8 : i32
          %multiple_of3A_405 = tpu.assume_multiple %add3A_337, 8 : i32
          %run_scoped3A_406 = arith.constant 0 : i32
          "tpu.region"() ({
            %run_scoped3A_407 = tpu.sem_alloc : memref<!tpu.dma_semaphore, #tpu.memory_space<semaphore_mem>>
            %dma_start3A = arith.constant 0 : i32
            %dma_start3A_408 = tpu.memref_slice %arg7[%run_scoped3A_406, %multiple_of3A_404, %dma_start3A] : memref<2x80x512xf32, #tpu.memory_space<vmem>> -> memref<1x64x512xf32, #tpu.memory_space<vmem>>
            %dma_start3A_409 = tpu.memref_squeeze %dma_start3A_408 : memref<1x64x512xf32, #tpu.memory_space<vmem>> -> memref<64x512xf32, #tpu.memory_space<vmem>>
            %dma_start3A_410 = arith.constant 0 : i32
            %dma_start3A_411 = tpu.memref_slice %arg6[%select_n3A_9, %multiple_of3A_405, %dma_start3A_410] : memref<16x2080x512xf32, #tpu.memory_space<hbm>> -> memref<1x64x512xf32, #tpu.memory_space<hbm>>
            %dma_start3A_412 = tpu.memref_squeeze %dma_start3A_411 : memref<1x64x512xf32, #tpu.memory_space<hbm>> -> memref<64x512xf32, #tpu.memory_space<hbm>>
            %dma_start3A_413 = arith.constant 0 : i32
            %dma_start3A_414 = tpu.memref_slice %arg6[%select_n3A_9, %multiple_of3A_405, %dma_start3A_413] : memref<16x2080x512xf32, #tpu.memory_space<hbm>> -> memref<1x64x512xf32, #tpu.memory_space<hbm>>
            %dma_start3A_415 = tpu.memref_squeeze %dma_start3A_414 : memref<1x64x512xf32, #tpu.memory_space<hbm>> -> memref<64x512xf32, #tpu.memory_space<hbm>>
            %dma_start3A_416 = arith.constant 0 : i32
            %dma_start3A_417 = tpu.memref_slice %arg7[%run_scoped3A_406, %multiple_of3A_404, %dma_start3A_416] : memref<2x80x512xf32, #tpu.memory_space<vmem>> -> memref<1x64x512xf32, #tpu.memory_space<vmem>>
            %dma_start3A_418 = tpu.memref_squeeze %dma_start3A_417 : memref<1x64x512xf32, #tpu.memory_space<vmem>> -> memref<64x512xf32, #tpu.memory_space<vmem>>
            tpu.enqueue_dma source(%dma_start3A_418 : memref<64x512xf32, #tpu.memory_space<vmem>>) target(%dma_start3A_415 : memref<64x512xf32, #tpu.memory_space<hbm>>) target_semaphore(%run_scoped3A_407 : memref<!tpu.dma_semaphore, #tpu.memory_space<semaphore_mem>>)
            %dma_wait3A = arith.constant 0 : i32
            %dma_wait3A_419 = tpu.memref_slice %arg7[%run_scoped3A_406, %multiple_of3A_404, %dma_wait3A] : memref<2x80x512xf32, #tpu.memory_space<vmem>> -> memref<1x64x512xf32, #tpu.memory_space<vmem>>
            %dma_wait3A_420 = tpu.memref_squeeze %dma_wait3A_419 : memref<1x64x512xf32, #tpu.memory_space<vmem>> -> memref<64x512xf32, #tpu.memory_space<vmem>>
            %dma_wait3A_421 = arith.constant 0 : i32
            %dma_wait3A_422 = tpu.memref_slice %arg6[%select_n3A_9, %multiple_of3A_405, %dma_wait3A_421] : memref<16x2080x512xf32, #tpu.memory_space<hbm>> -> memref<1x64x512xf32, #tpu.memory_space<hbm>>
            %dma_wait3A_423 = tpu.memref_squeeze %dma_wait3A_422 : memref<1x64x512xf32, #tpu.memory_space<hbm>> -> memref<64x512xf32, #tpu.memory_space<hbm>>
            %dma_wait3A_424 = arith.constant 0 : i32
            %dma_wait3A_425 = tpu.memref_slice %arg6[%select_n3A_9, %multiple_of3A_405, %dma_wait3A_424] : memref<16x2080x512xf32, #tpu.memory_space<hbm>> -> memref<1x64x512xf32, #tpu.memory_space<hbm>>
            %dma_wait3A_426 = tpu.memref_squeeze %dma_wait3A_425 : memref<1x64x512xf32, #tpu.memory_space<hbm>> -> memref<64x512xf32, #tpu.memory_space<hbm>>
            %dma_wait3A_427 = arith.constant 0 : i32
            %dma_wait3A_428 = tpu.memref_slice %arg7[%run_scoped3A_406, %multiple_of3A_404, %dma_wait3A_427] : memref<2x80x512xf32, #tpu.memory_space<vmem>> -> memref<1x64x512xf32, #tpu.memory_space<vmem>>
            %dma_wait3A_429 = tpu.memref_squeeze %dma_wait3A_428 : memref<1x64x512xf32, #tpu.memory_space<vmem>> -> memref<64x512xf32, #tpu.memory_space<vmem>>
            tpu.wait_dma2 semaphore(%run_scoped3A_407 : memref<!tpu.dma_semaphore, #tpu.memory_space<semaphore_mem>>) src(%dma_wait3A_429 : memref<64x512xf32, #tpu.memory_space<vmem>>) dst(%dma_wait3A_426 : memref<64x512xf32, #tpu.memory_space<hbm>>)
            tpu.yield
          }) : () -> ()
        } else {
        }
        %add3A_375 = arith.addi %add3A_337, %and3A_369 : i32
        %add3A_376 = arith.addi %sub3A_366, %and3A_369 : i32
        %and3A_377 = arith.constant 32 : i32
        %and3A_378 = arith.andi %sub3A_338, %and3A_377 : i32
        %gt3A_379 = arith.constant 0 : i32
        %gt3A_380 = arith.cmpi sgt, %and3A_378, %gt3A_379 : i32
        %convert_element_type3A_381 = arith.extui %gt3A_380 : i1 to i32
        %cond3A_382 = arith.constant 0 : i32
        %cond3A_383 = arith.cmpi ne, %convert_element_type3A_381, %cond3A_382 : i32
        scf.if %cond3A_383 {
          %multiple_of3A_404 = tpu.assume_multiple %add3A_376, 8 : i32
          %multiple_of3A_405 = tpu.assume_multiple %add3A_375, 8 : i32
          %run_scoped3A_406 = arith.constant 0 : i32
          "tpu.region"() ({
            %run_scoped3A_407 = tpu.sem_alloc : memref<!tpu.dma_semaphore, #tpu.memory_space<semaphore_mem>>
            %dma_start3A = arith.constant 0 : i32
            %dma_start3A_408 = tpu.memref_slice %arg7[%run_scoped3A_406, %multiple_of3A_404, %dma_start3A] : memref<2x80x512xf32, #tpu.memory_space<vmem>> -> memref<1x32x512xf32, #tpu.memory_space<vmem>>
            %dma_start3A_409 = tpu.memref_squeeze %dma_start3A_408 : memref<1x32x512xf32, #tpu.memory_space<vmem>> -> memref<32x512xf32, #tpu.memory_space<vmem>>
            %dma_start3A_410 = arith.constant 0 : i32
            %dma_start3A_411 = tpu.memref_slice %arg6[%select_n3A_9, %multiple_of3A_405, %dma_start3A_410] : memref<16x2080x512xf32, #tpu.memory_space<hbm>> -> memref<1x32x512xf32, #tpu.memory_space<hbm>>
            %dma_start3A_412 = tpu.memref_squeeze %dma_start3A_411 : memref<1x32x512xf32, #tpu.memory_space<hbm>> -> memref<32x512xf32, #tpu.memory_space<hbm>>
            %dma_start3A_413 = arith.constant 0 : i32
            %dma_start3A_414 = tpu.memref_slice %arg6[%select_n3A_9, %multiple_of3A_405, %dma_start3A_413] : memref<16x2080x512xf32, #tpu.memory_space<hbm>> -> memref<1x32x512xf32, #tpu.memory_space<hbm>>
            %dma_start3A_415 = tpu.memref_squeeze %dma_start3A_414 : memref<1x32x512xf32, #tpu.memory_space<hbm>> -> memref<32x512xf32, #tpu.memory_space<hbm>>
            %dma_start3A_416 = arith.constant 0 : i32
            %dma_start3A_417 = tpu.memref_slice %arg7[%run_scoped3A_406, %multiple_of3A_404, %dma_start3A_416] : memref<2x80x512xf32, #tpu.memory_space<vmem>> -> memref<1x32x512xf32, #tpu.memory_space<vmem>>
            %dma_start3A_418 = tpu.memref_squeeze %dma_start3A_417 : memref<1x32x512xf32, #tpu.memory_space<vmem>> -> memref<32x512xf32, #tpu.memory_space<vmem>>
            tpu.enqueue_dma source(%dma_start3A_418 : memref<32x512xf32, #tpu.memory_space<vmem>>) target(%dma_start3A_415 : memref<32x512xf32, #tpu.memory_space<hbm>>) target_semaphore(%run_scoped3A_407 : memref<!tpu.dma_semaphore, #tpu.memory_space<semaphore_mem>>)
            %dma_wait3A = arith.constant 0 : i32
            %dma_wait3A_419 = tpu.memref_slice %arg7[%run_scoped3A_406, %multiple_of3A_404, %dma_wait3A] : memref<2x80x512xf32, #tpu.memory_space<vmem>> -> memref<1x32x512xf32, #tpu.memory_space<vmem>>
            %dma_wait3A_420 = tpu.memref_squeeze %dma_wait3A_419 : memref<1x32x512xf32, #tpu.memory_space<vmem>> -> memref<32x512xf32, #tpu.memory_space<vmem>>
            %dma_wait3A_421 = arith.constant 0 : i32
            %dma_wait3A_422 = tpu.memref_slice %arg6[%select_n3A_9, %multiple_of3A_405, %dma_wait3A_421] : memref<16x2080x512xf32, #tpu.memory_space<hbm>> -> memref<1x32x512xf32, #tpu.memory_space<hbm>>
            %dma_wait3A_423 = tpu.memref_squeeze %dma_wait3A_422 : memref<1x32x512xf32, #tpu.memory_space<hbm>> -> memref<32x512xf32, #tpu.memory_space<hbm>>
            %dma_wait3A_424 = arith.constant 0 : i32
            %dma_wait3A_425 = tpu.memref_slice %arg6[%select_n3A_9, %multiple_of3A_405, %dma_wait3A_424] : memref<16x2080x512xf32, #tpu.memory_space<hbm>> -> memref<1x32x512xf32, #tpu.memory_space<hbm>>
            %dma_wait3A_426 = tpu.memref_squeeze %dma_wait3A_425 : memref<1x32x512xf32, #tpu.memory_space<hbm>> -> memref<32x512xf32, #tpu.memory_space<hbm>>
            %dma_wait3A_427 = arith.constant 0 : i32
            %dma_wait3A_428 = tpu.memref_slice %arg7[%run_scoped3A_406, %multiple_of3A_404, %dma_wait3A_427] : memref<2x80x512xf32, #tpu.memory_space<vmem>> -> memref<1x32x512xf32, #tpu.memory_space<vmem>>
            %dma_wait3A_429 = tpu.memref_squeeze %dma_wait3A_428 : memref<1x32x512xf32, #tpu.memory_space<vmem>> -> memref<32x512xf32, #tpu.memory_space<vmem>>
            tpu.wait_dma2 semaphore(%run_scoped3A_407 : memref<!tpu.dma_semaphore, #tpu.memory_space<semaphore_mem>>) src(%dma_wait3A_429 : memref<32x512xf32, #tpu.memory_space<vmem>>) dst(%dma_wait3A_426 : memref<32x512xf32, #tpu.memory_space<hbm>>)
            tpu.yield
          }) : () -> ()
        } else {
        }
        %add3A_384 = arith.addi %add3A_375, %and3A_378 : i32
        %add3A_385 = arith.addi %add3A_376, %and3A_378 : i32
        %and3A_386 = arith.constant 16 : i32
        %and3A_387 = arith.andi %sub3A_338, %and3A_386 : i32
        %gt3A_388 = arith.constant 0 : i32
        %gt3A_389 = arith.cmpi sgt, %and3A_387, %gt3A_388 : i32
        %convert_element_type3A_390 = arith.extui %gt3A_389 : i1 to i32
        %cond3A_391 = arith.constant 0 : i32
        %cond3A_392 = arith.cmpi ne, %convert_element_type3A_390, %cond3A_391 : i32
        scf.if %cond3A_392 {
          %multiple_of3A_404 = tpu.assume_multiple %add3A_385, 8 : i32
          %multiple_of3A_405 = tpu.assume_multiple %add3A_384, 8 : i32
          %run_scoped3A_406 = arith.constant 0 : i32
          "tpu.region"() ({
            %run_scoped3A_407 = tpu.sem_alloc : memref<!tpu.dma_semaphore, #tpu.memory_space<semaphore_mem>>
            %dma_start3A = arith.constant 0 : i32
            %dma_start3A_408 = tpu.memref_slice %arg7[%run_scoped3A_406, %multiple_of3A_404, %dma_start3A] : memref<2x80x512xf32, #tpu.memory_space<vmem>> -> memref<1x16x512xf32, #tpu.memory_space<vmem>>
            %dma_start3A_409 = tpu.memref_squeeze %dma_start3A_408 : memref<1x16x512xf32, #tpu.memory_space<vmem>> -> memref<16x512xf32, #tpu.memory_space<vmem>>
            %dma_start3A_410 = arith.constant 0 : i32
            %dma_start3A_411 = tpu.memref_slice %arg6[%select_n3A_9, %multiple_of3A_405, %dma_start3A_410] : memref<16x2080x512xf32, #tpu.memory_space<hbm>> -> memref<1x16x512xf32, #tpu.memory_space<hbm>>
            %dma_start3A_412 = tpu.memref_squeeze %dma_start3A_411 : memref<1x16x512xf32, #tpu.memory_space<hbm>> -> memref<16x512xf32, #tpu.memory_space<hbm>>
            %dma_start3A_413 = arith.constant 0 : i32
            %dma_start3A_414 = tpu.memref_slice %arg6[%select_n3A_9, %multiple_of3A_405, %dma_start3A_413] : memref<16x2080x512xf32, #tpu.memory_space<hbm>> -> memref<1x16x512xf32, #tpu.memory_space<hbm>>
            %dma_start3A_415 = tpu.memref_squeeze %dma_start3A_414 : memref<1x16x512xf32, #tpu.memory_space<hbm>> -> memref<16x512xf32, #tpu.memory_space<hbm>>
            %dma_start3A_416 = arith.constant 0 : i32
            %dma_start3A_417 = tpu.memref_slice %arg7[%run_scoped3A_406, %multiple_of3A_404, %dma_start3A_416] : memref<2x80x512xf32, #tpu.memory_space<vmem>> -> memref<1x16x512xf32, #tpu.memory_space<vmem>>
            %dma_start3A_418 = tpu.memref_squeeze %dma_start3A_417 : memref<1x16x512xf32, #tpu.memory_space<vmem>> -> memref<16x512xf32, #tpu.memory_space<vmem>>
            tpu.enqueue_dma source(%dma_start3A_418 : memref<16x512xf32, #tpu.memory_space<vmem>>) target(%dma_start3A_415 : memref<16x512xf32, #tpu.memory_space<hbm>>) target_semaphore(%run_scoped3A_407 : memref<!tpu.dma_semaphore, #tpu.memory_space<semaphore_mem>>)
            %dma_wait3A = arith.constant 0 : i32
            %dma_wait3A_419 = tpu.memref_slice %arg7[%run_scoped3A_406, %multiple_of3A_404, %dma_wait3A] : memref<2x80x512xf32, #tpu.memory_space<vmem>> -> memref<1x16x512xf32, #tpu.memory_space<vmem>>
            %dma_wait3A_420 = tpu.memref_squeeze %dma_wait3A_419 : memref<1x16x512xf32, #tpu.memory_space<vmem>> -> memref<16x512xf32, #tpu.memory_space<vmem>>
            %dma_wait3A_421 = arith.constant 0 : i32
            %dma_wait3A_422 = tpu.memref_slice %arg6[%select_n3A_9, %multiple_of3A_405, %dma_wait3A_421] : memref<16x2080x512xf32, #tpu.memory_space<hbm>> -> memref<1x16x512xf32, #tpu.memory_space<hbm>>
            %dma_wait3A_423 = tpu.memref_squeeze %dma_wait3A_422 : memref<1x16x512xf32, #tpu.memory_space<hbm>> -> memref<16x512xf32, #tpu.memory_space<hbm>>
            %dma_wait3A_424 = arith.constant 0 : i32
            %dma_wait3A_425 = tpu.memref_slice %arg6[%select_n3A_9, %multiple_of3A_405, %dma_wait3A_424] : memref<16x2080x512xf32, #tpu.memory_space<hbm>> -> memref<1x16x512xf32, #tpu.memory_space<hbm>>
            %dma_wait3A_426 = tpu.memref_squeeze %dma_wait3A_425 : memref<1x16x512xf32, #tpu.memory_space<hbm>> -> memref<16x512xf32, #tpu.memory_space<hbm>>
            %dma_wait3A_427 = arith.constant 0 : i32
            %dma_wait3A_428 = tpu.memref_slice %arg7[%run_scoped3A_406, %multiple_of3A_404, %dma_wait3A_427] : memref<2x80x512xf32, #tpu.memory_space<vmem>> -> memref<1x16x512xf32, #tpu.memory_space<vmem>>
            %dma_wait3A_429 = tpu.memref_squeeze %dma_wait3A_428 : memref<1x16x512xf32, #tpu.memory_space<vmem>> -> memref<16x512xf32, #tpu.memory_space<vmem>>
            tpu.wait_dma2 semaphore(%run_scoped3A_407 : memref<!tpu.dma_semaphore, #tpu.memory_space<semaphore_mem>>) src(%dma_wait3A_429 : memref<16x512xf32, #tpu.memory_space<vmem>>) dst(%dma_wait3A_426 : memref<16x512xf32, #tpu.memory_space<hbm>>)
            tpu.yield
          }) : () -> ()
        } else {
        }
        %add3A_393 = arith.addi %add3A_384, %and3A_387 : i32
        %add3A_394 = arith.addi %add3A_385, %and3A_387 : i32
        %and3A_395 = arith.constant 8 : i32
        %and3A_396 = arith.andi %sub3A_338, %and3A_395 : i32
        %gt3A_397 = arith.constant 0 : i32
        %gt3A_398 = arith.cmpi sgt, %and3A_396, %gt3A_397 : i32
        %convert_element_type3A_399 = arith.extui %gt3A_398 : i1 to i32
        %cond3A_400 = arith.constant 0 : i32
        %cond3A_401 = arith.cmpi ne, %convert_element_type3A_399, %cond3A_400 : i32
        scf.if %cond3A_401 {
          %multiple_of3A_404 = tpu.assume_multiple %add3A_394, 8 : i32
          %multiple_of3A_405 = tpu.assume_multiple %add3A_393, 8 : i32
          %run_scoped3A_406 = arith.constant 0 : i32
          "tpu.region"() ({
            %run_scoped3A_407 = tpu.sem_alloc : memref<!tpu.dma_semaphore, #tpu.memory_space<semaphore_mem>>
            %dma_start3A = arith.constant 0 : i32
            %dma_start3A_408 = tpu.memref_slice %arg7[%run_scoped3A_406, %multiple_of3A_404, %dma_start3A] : memref<2x80x512xf32, #tpu.memory_space<vmem>> -> memref<1x8x512xf32, #tpu.memory_space<vmem>>
            %dma_start3A_409 = tpu.memref_squeeze %dma_start3A_408 : memref<1x8x512xf32, #tpu.memory_space<vmem>> -> memref<8x512xf32, #tpu.memory_space<vmem>>
            %dma_start3A_410 = arith.constant 0 : i32
            %dma_start3A_411 = tpu.memref_slice %arg6[%select_n3A_9, %multiple_of3A_405, %dma_start3A_410] : memref<16x2080x512xf32, #tpu.memory_space<hbm>> -> memref<1x8x512xf32, #tpu.memory_space<hbm>>
            %dma_start3A_412 = tpu.memref_squeeze %dma_start3A_411 : memref<1x8x512xf32, #tpu.memory_space<hbm>> -> memref<8x512xf32, #tpu.memory_space<hbm>>
            %dma_start3A_413 = arith.constant 0 : i32
            %dma_start3A_414 = tpu.memref_slice %arg6[%select_n3A_9, %multiple_of3A_405, %dma_start3A_413] : memref<16x2080x512xf32, #tpu.memory_space<hbm>> -> memref<1x8x512xf32, #tpu.memory_space<hbm>>
            %dma_start3A_415 = tpu.memref_squeeze %dma_start3A_414 : memref<1x8x512xf32, #tpu.memory_space<hbm>> -> memref<8x512xf32, #tpu.memory_space<hbm>>
            %dma_start3A_416 = arith.constant 0 : i32
            %dma_start3A_417 = tpu.memref_slice %arg7[%run_scoped3A_406, %multiple_of3A_404, %dma_start3A_416] : memref<2x80x512xf32, #tpu.memory_space<vmem>> -> memref<1x8x512xf32, #tpu.memory_space<vmem>>
            %dma_start3A_418 = tpu.memref_squeeze %dma_start3A_417 : memref<1x8x512xf32, #tpu.memory_space<vmem>> -> memref<8x512xf32, #tpu.memory_space<vmem>>
            tpu.enqueue_dma source(%dma_start3A_418 : memref<8x512xf32, #tpu.memory_space<vmem>>) target(%dma_start3A_415 : memref<8x512xf32, #tpu.memory_space<hbm>>) target_semaphore(%run_scoped3A_407 : memref<!tpu.dma_semaphore, #tpu.memory_space<semaphore_mem>>)
            %dma_wait3A = arith.constant 0 : i32
            %dma_wait3A_419 = tpu.memref_slice %arg7[%run_scoped3A_406, %multiple_of3A_404, %dma_wait3A] : memref<2x80x512xf32, #tpu.memory_space<vmem>> -> memref<1x8x512xf32, #tpu.memory_space<vmem>>
            %dma_wait3A_420 = tpu.memref_squeeze %dma_wait3A_419 : memref<1x8x512xf32, #tpu.memory_space<vmem>> -> memref<8x512xf32, #tpu.memory_space<vmem>>
            %dma_wait3A_421 = arith.constant 0 : i32
            %dma_wait3A_422 = tpu.memref_slice %arg6[%select_n3A_9, %multiple_of3A_405, %dma_wait3A_421] : memref<16x2080x512xf32, #tpu.memory_space<hbm>> -> memref<1x8x512xf32, #tpu.memory_space<hbm>>
            %dma_wait3A_423 = tpu.memref_squeeze %dma_wait3A_422 : memref<1x8x512xf32, #tpu.memory_space<hbm>> -> memref<8x512xf32, #tpu.memory_space<hbm>>
            %dma_wait3A_424 = arith.constant 0 : i32
            %dma_wait3A_425 = tpu.memref_slice %arg6[%select_n3A_9, %multiple_of3A_405, %dma_wait3A_424] : memref<16x2080x512xf32, #tpu.memory_space<hbm>> -> memref<1x8x512xf32, #tpu.memory_space<hbm>>
            %dma_wait3A_426 = tpu.memref_squeeze %dma_wait3A_425 : memref<1x8x512xf32, #tpu.memory_space<hbm>> -> memref<8x512xf32, #tpu.memory_space<hbm>>
            %dma_wait3A_427 = arith.constant 0 : i32
            %dma_wait3A_428 = tpu.memref_slice %arg7[%run_scoped3A_406, %multiple_of3A_404, %dma_wait3A_427] : memref<2x80x512xf32, #tpu.memory_space<vmem>> -> memref<1x8x512xf32, #tpu.memory_space<vmem>>
            %dma_wait3A_429 = tpu.memref_squeeze %dma_wait3A_428 : memref<1x8x512xf32, #tpu.memory_space<vmem>> -> memref<8x512xf32, #tpu.memory_space<vmem>>
            tpu.wait_dma2 semaphore(%run_scoped3A_407 : memref<!tpu.dma_semaphore, #tpu.memory_space<semaphore_mem>>) src(%dma_wait3A_429 : memref<8x512xf32, #tpu.memory_space<vmem>>) dst(%dma_wait3A_426 : memref<8x512xf32, #tpu.memory_space<hbm>>)
            tpu.yield
          }) : () -> ()
        } else {
        }
        %add3A_402 = arith.addi %add3A_393, %and3A_396 : i32
        %add3A_403 = arith.addi %add3A_394, %and3A_396 : i32
      } else {
      }
      %run_scoped3A = arith.constant 1 : i32
      "tpu.region"() ({
        %run_scoped3A_363 = tpu.sem_alloc : memref<!tpu.dma_semaphore, #tpu.memory_space<semaphore_mem>>
        %dma_start3A = arith.constant 0 : i32
        %dma_start3A_364 = arith.constant 0 : i32
        %dma_start3A_365 = tpu.memref_slice %arg7[%run_scoped3A, %dma_start3A, %dma_start3A_364] : memref<2x80x512xf32, #tpu.memory_space<vmem>> -> memref<1x48x512xf32, #tpu.memory_space<vmem>>
        %dma_start3A_366 = tpu.memref_squeeze %dma_start3A_365 : memref<1x48x512xf32, #tpu.memory_space<vmem>> -> memref<48x512xf32, #tpu.memory_space<vmem>>
        %dma_start3A_367 = arith.constant 0 : i32
        %dma_start3A_368 = tpu.memref_slice %arg2[%select_n3A_9, %multiple_of3A, %dma_start3A_367] : memref<16x2048x512xf32, #tpu.memory_space<hbm>> -> memref<1x48x512xf32, #tpu.memory_space<hbm>>
        %dma_start3A_369 = tpu.memref_squeeze %dma_start3A_368 : memref<1x48x512xf32, #tpu.memory_space<hbm>> -> memref<48x512xf32, #tpu.memory_space<hbm>>
        %dma_start3A_370 = arith.constant 0 : i32
        %dma_start3A_371 = arith.constant 0 : i32
        %dma_start3A_372 = tpu.memref_slice %arg7[%run_scoped3A, %dma_start3A_370, %dma_start3A_371] : memref<2x80x512xf32, #tpu.memory_space<vmem>> -> memref<1x48x512xf32, #tpu.memory_space<vmem>>
        %dma_start3A_373 = tpu.memref_squeeze %dma_start3A_372 : memref<1x48x512xf32, #tpu.memory_space<vmem>> -> memref<48x512xf32, #tpu.memory_space<vmem>>
        %dma_start3A_374 = arith.constant 0 : i32
        %dma_start3A_375 = tpu.memref_slice %arg2[%select_n3A_9, %multiple_of3A, %dma_start3A_374] : memref<16x2048x512xf32, #tpu.memory_space<hbm>> -> memref<1x48x512xf32, #tpu.memory_space<hbm>>
        %dma_start3A_376 = tpu.memref_squeeze %dma_start3A_375 : memref<1x48x512xf32, #tpu.memory_space<hbm>> -> memref<48x512xf32, #tpu.memory_space<hbm>>
        tpu.enqueue_dma source(%dma_start3A_376 : memref<48x512xf32, #tpu.memory_space<hbm>>) target(%dma_start3A_373 : memref<48x512xf32, #tpu.memory_space<vmem>>) target_semaphore(%run_scoped3A_363 : memref<!tpu.dma_semaphore, #tpu.memory_space<semaphore_mem>>)
        %dma_wait3A = arith.constant 0 : i32
        %dma_wait3A_377 = arith.constant 0 : i32
        %dma_wait3A_378 = tpu.memref_slice %arg7[%run_scoped3A, %dma_wait3A, %dma_wait3A_377] : memref<2x80x512xf32, #tpu.memory_space<vmem>> -> memref<1x48x512xf32, #tpu.memory_space<vmem>>
        %dma_wait3A_379 = tpu.memref_squeeze %dma_wait3A_378 : memref<1x48x512xf32, #tpu.memory_space<vmem>> -> memref<48x512xf32, #tpu.memory_space<vmem>>
        %dma_wait3A_380 = arith.constant 0 : i32
        %dma_wait3A_381 = tpu.memref_slice %arg2[%select_n3A_9, %multiple_of3A, %dma_wait3A_380] : memref<16x2048x512xf32, #tpu.memory_space<hbm>> -> memref<1x48x512xf32, #tpu.memory_space<hbm>>
        %dma_wait3A_382 = tpu.memref_squeeze %dma_wait3A_381 : memref<1x48x512xf32, #tpu.memory_space<hbm>> -> memref<48x512xf32, #tpu.memory_space<hbm>>
        %dma_wait3A_383 = arith.constant 0 : i32
        %dma_wait3A_384 = arith.constant 0 : i32
        %dma_wait3A_385 = tpu.memref_slice %arg7[%run_scoped3A, %dma_wait3A_383, %dma_wait3A_384] : memref<2x80x512xf32, #tpu.memory_space<vmem>> -> memref<1x48x512xf32, #tpu.memory_space<vmem>>
        %dma_wait3A_386 = tpu.memref_squeeze %dma_wait3A_385 : memref<1x48x512xf32, #tpu.memory_space<vmem>> -> memref<48x512xf32, #tpu.memory_space<vmem>>
        %dma_wait3A_387 = arith.constant 0 : i32
        %dma_wait3A_388 = tpu.memref_slice %arg2[%select_n3A_9, %multiple_of3A, %dma_wait3A_387] : memref<16x2048x512xf32, #tpu.memory_space<hbm>> -> memref<1x48x512xf32, #tpu.memory_space<hbm>>
        %dma_wait3A_389 = tpu.memref_squeeze %dma_wait3A_388 : memref<1x48x512xf32, #tpu.memory_space<hbm>> -> memref<48x512xf32, #tpu.memory_space<hbm>>
        tpu.wait_dma2 semaphore(%run_scoped3A_363 : memref<!tpu.dma_semaphore, #tpu.memory_space<semaphore_mem>>) src(%dma_wait3A_389 : memref<48x512xf32, #tpu.memory_space<hbm>>) dst(%dma_wait3A_386 : memref<48x512xf32, #tpu.memory_space<vmem>>)
        tpu.yield
      }) : () -> ()
      %scan3A = arith.constant 0 : i32
      %scan3A_344 = arith.constant 0 : i32
      %scan3A_345 = arith.constant 32 : i32
      %scan3A_346 = arith.addi %scan3A_344, %scan3A_345 : i32
      %scan3A_347 = arith.constant 1 : i32
      scf.for %scan3A_363 = %scan3A_344 to %scan3A_346 step %scan3A_347  : i32 {
        %get3A_364 = arith.index_cast %scan3A_363 : i32 to index
        %get3A_365 = arith.constant 0 : index
        %get3A_366 = tpu.vector_load %arg8[%get3A_364, %get3A_365] {strides = array<i32>} : memref<32x512xf32, #tpu.memory_space<vmem>>, vector<1x16xf32>,
        %get3A_367 = vector.shape_cast %get3A_366 : vector<1x16xf32> to vector<16xf32>
        %add3A_368 = arith.addi %sub3A_334, %scan3A_363 : i32
        %swap3A = arith.constant 1 : i32
        %swap3A_369 = arith.index_cast %swap3A : i32 to index
        %swap3A_370 = arith.index_cast %add3A_368 : i32 to index
        %swap3A_371 = arith.constant 0 : index
        %swap3A_372 = tpu.vector_load %arg7[%swap3A_369, %swap3A_370, %swap3A_371] {strides = array<i32>} : memref<2x80x512xf32, #tpu.memory_space<vmem>>, vector<1x1x16xf32>,
        %swap3A_373 = vector.shape_cast %swap3A_372 : vector<1x1x16xf32> to vector<16xf32>
        %swap3A_374 = vector.shape_cast %get3A_367 : vector<16xf32> to vector<1x1x16xf32>
        tpu.vector_store %arg7[%swap3A_369, %swap3A_370, %swap3A_371], %swap3A_374 {strides = array<i32>} : memref<2x80x512xf32, #tpu.memory_space<vmem>>, vector<1x1x16xf32>,
        %get3A_375 = arith.index_cast %scan3A_363 : i32 to index
        %get3A_376 = arith.constant 16 : index
        %get3A_377 = tpu.vector_load %arg8[%get3A_375, %get3A_376] {strides = array<i32>} : memref<32x512xf32, #tpu.memory_space<vmem>>, vector<1x16xf32>,
        %get3A_378 = vector.shape_cast %get3A_377 : vector<1x16xf32> to vector<16xf32>
        %add3A_379 = arith.addi %sub3A_334, %scan3A_363 : i32
        %swap3A_380 = arith.constant 1 : i32
        %swap3A_381 = arith.index_cast %swap3A_380 : i32 to index
        %swap3A_382 = arith.index_cast %add3A_379 : i32 to index
        %swap3A_383 = arith.constant 16 : index
        %swap3A_384 = tpu.vector_load %arg7[%swap3A_381, %swap3A_382, %swap3A_383] {strides = array<i32>} : memref<2x80x512xf32, #tpu.memory_space<vmem>>, vector<1x1x16xf32>,
        %swap3A_385 = vector.shape_cast %swap3A_384 : vector<1x1x16xf32> to vector<16xf32>
        %swap3A_386 = vector.shape_cast %get3A_378 : vector<16xf32> to vector<1x1x16xf32>
        tpu.vector_store %arg7[%swap3A_381, %swap3A_382, %swap3A_383], %swap3A_386 {strides = array<i32>} : memref<2x80x512xf32, #tpu.memory_space<vmem>>, vector<1x1x16xf32>,
        %get3A_387 = arith.index_cast %scan3A_363 : i32 to index
        %get3A_388 = arith.constant 32 : index
        %get3A_389 = tpu.vector_load %arg8[%get3A_387, %get3A_388] {strides = array<i32>} : memref<32x512xf32, #tpu.memory_space<vmem>>, vector<1x16xf32>,
        %get3A_390 = vector.shape_cast %get3A_389 : vector<1x16xf32> to vector<16xf32>
        %add3A_391 = arith.addi %sub3A_334, %scan3A_363 : i32
        %swap3A_392 = arith.constant 1 : i32
        %swap3A_393 = arith.index_cast %swap3A_392 : i32 to index
        %swap3A_394 = arith.index_cast %add3A_391 : i32 to index
        %swap3A_395 = arith.constant 32 : index
        %swap3A_396 = tpu.vector_load %arg7[%swap3A_393, %swap3A_394, %swap3A_395] {strides = array<i32>} : memref<2x80x512xf32, #tpu.memory_space<vmem>>, vector<1x1x16xf32>,
        %swap3A_397 = vector.shape_cast %swap3A_396 : vector<1x1x16xf32> to vector<16xf32>
        %swap3A_398 = vector.shape_cast %get3A_390 : vector<16xf32> to vector<1x1x16xf32>
        tpu.vector_store %arg7[%swap3A_393, %swap3A_394, %swap3A_395], %swap3A_398 {strides = array<i32>} : memref<2x80x512xf32, #tpu.memory_space<vmem>>, vector<1x1x16xf32>,
        %get3A_399 = arith.index_cast %scan3A_363 : i32 to index
        %get3A_400 = arith.constant 48 : index
        %get3A_401 = tpu.vector_load %arg8[%get3A_399, %get3A_400] {strides = array<i32>} : memref<32x512xf32, #tpu.memory_space<vmem>>, vector<1x16xf32>,
        %get3A_402 = vector.shape_cast %get3A_401 : vector<1x16xf32> to vector<16xf32>
        %add3A_403 = arith.addi %sub3A_334, %scan3A_363 : i32
        %swap3A_404 = arith.constant 1 : i32
        %swap3A_405 = arith.index_cast %swap3A_404 : i32 to index
        %swap3A_406 = arith.index_cast %add3A_403 : i32 to index
        %swap3A_407 = arith.constant 48 : index
        %swap3A_408 = tpu.vector_load %arg7[%swap3A_405, %swap3A_406, %swap3A_407] {strides = array<i32>} : memref<2x80x512xf32, #tpu.memory_space<vmem>>, vector<1x1x16xf32>,
        %swap3A_409 = vector.shape_cast %swap3A_408 : vector<1x1x16xf32> to vector<16xf32>
        %swap3A_410 = vector.shape_cast %get3A_402 : vector<16xf32> to vector<1x1x16xf32>
        tpu.vector_store %arg7[%swap3A_405, %swap3A_406, %swap3A_407], %swap3A_410 {strides = array<i32>} : memref<2x80x512xf32, #tpu.memory_space<vmem>>, vector<1x1x16xf32>,
        %get3A_411 = arith.index_cast %scan3A_363 : i32 to index
        %get3A_412 = arith.constant 64 : index
        %get3A_413 = tpu.vector_load %arg8[%get3A_411, %get3A_412] {strides = array<i32>} : memref<32x512xf32, #tpu.memory_space<vmem>>, vector<1x16xf32>,
        %get3A_414 = vector.shape_cast %get3A_413 : vector<1x16xf32> to vector<16xf32>
        %add3A_415 = arith.addi %sub3A_334, %scan3A_363 : i32
        %swap3A_416 = arith.constant 1 : i32
        %swap3A_417 = arith.index_cast %swap3A_416 : i32 to index
        %swap3A_418 = arith.index_cast %add3A_415 : i32 to index
        %swap3A_419 = arith.constant 64 : index
        %swap3A_420 = tpu.vector_load %arg7[%swap3A_417, %swap3A_418, %swap3A_419] {strides = array<i32>} : memref<2x80x512xf32, #tpu.memory_space<vmem>>, vector<1x1x16xf32>,
        %swap3A_421 = vector.shape_cast %swap3A_420 : vector<1x1x16xf32> to vector<16xf32>
        %swap3A_422 = vector.shape_cast %get3A_414 : vector<16xf32> to vector<1x1x16xf32>
        tpu.vector_store %arg7[%swap3A_417, %swap3A_418, %swap3A_419], %swap3A_422 {strides = array<i32>} : memref<2x80x512xf32, #tpu.memory_space<vmem>>, vector<1x1x16xf32>,
        %get3A_423 = arith.index_cast %scan3A_363 : i32 to index
        %get3A_424 = arith.constant 80 : index
        %get3A_425 = tpu.vector_load %arg8[%get3A_423, %get3A_424] {strides = array<i32>} : memref<32x512xf32, #tpu.memory_space<vmem>>, vector<1x16xf32>,
        %get3A_426 = vector.shape_cast %get3A_425 : vector<1x16xf32> to vector<16xf32>
        %add3A_427 = arith.addi %sub3A_334, %scan3A_363 : i32
        %swap3A_428 = arith.constant 1 : i32
        %swap3A_429 = arith.index_cast %swap3A_428 : i32 to index
        %swap3A_430 = arith.index_cast %add3A_427 : i32 to index
        %swap3A_431 = arith.constant 80 : index
        %swap3A_432 = tpu.vector_load %arg7[%swap3A_429, %swap3A_430, %swap3A_431] {strides = array<i32>} : memref<2x80x512xf32, #tpu.memory_space<vmem>>, vector<1x1x16xf32>,
        %swap3A_433 = vector.shape_cast %swap3A_432 : vector<1x1x16xf32> to vector<16xf32>
        %swap3A_434 = vector.shape_cast %get3A_426 : vector<16xf32> to vector<1x1x16xf32>
        tpu.vector_store %arg7[%swap3A_429, %swap3A_430, %swap3A_431], %swap3A_434 {strides = array<i32>} : memref<2x80x512xf32, #tpu.memory_space<vmem>>, vector<1x1x16xf32>,
        %get3A_435 = arith.index_cast %scan3A_363 : i32 to index
        %get3A_436 = arith.constant 96 : index
        %get3A_437 = tpu.vector_load %arg8[%get3A_435, %get3A_436] {strides = array<i32>} : memref<32x512xf32, #tpu.memory_space<vmem>>, vector<1x16xf32>,
        %get3A_438 = vector.shape_cast %get3A_437 : vector<1x16xf32> to vector<16xf32>
        %add3A_439 = arith.addi %sub3A_334, %scan3A_363 : i32
        %swap3A_440 = arith.constant 1 : i32
        %swap3A_441 = arith.index_cast %swap3A_440 : i32 to index
        %swap3A_442 = arith.index_cast %add3A_439 : i32 to index
        %swap3A_443 = arith.constant 96 : index
        %swap3A_444 = tpu.vector_load %arg7[%swap3A_441, %swap3A_442, %swap3A_443] {strides = array<i32>} : memref<2x80x512xf32, #tpu.memory_space<vmem>>, vector<1x1x16xf32>,
        %swap3A_445 = vector.shape_cast %swap3A_444 : vector<1x1x16xf32> to vector<16xf32>
        %swap3A_446 = vector.shape_cast %get3A_438 : vector<16xf32> to vector<1x1x16xf32>
        tpu.vector_store %arg7[%swap3A_441, %swap3A_442, %swap3A_443], %swap3A_446 {strides = array<i32>} : memref<2x80x512xf32, #tpu.memory_space<vmem>>, vector<1x1x16xf32>,
        %get3A_447 = arith.index_cast %scan3A_363 : i32 to index
        %get3A_448 = arith.constant 112 : index
        %get3A_449 = tpu.vector_load %arg8[%get3A_447, %get3A_448] {strides = array<i32>} : memref<32x512xf32, #tpu.memory_space<vmem>>, vector<1x16xf32>,
        %get3A_450 = vector.shape_cast %get3A_449 : vector<1x16xf32> to vector<16xf32>
        %add3A_451 = arith.addi %sub3A_334, %scan3A_363 : i32
        %swap3A_452 = arith.constant 1 : i32
        %swap3A_453 = arith.index_cast %swap3A_452 : i32 to index
        %swap3A_454 = arith.index_cast %add3A_451 : i32 to index
        %swap3A_455 = arith.constant 112 : index
        %swap3A_456 = tpu.vector_load %arg7[%swap3A_453, %swap3A_454, %swap3A_455] {strides = array<i32>} : memref<2x80x512xf32, #tpu.memory_space<vmem>>, vector<1x1x16xf32>,
        %swap3A_457 = vector.shape_cast %swap3A_456 : vector<1x1x16xf32> to vector<16xf32>
        %swap3A_458 = vector.shape_cast %get3A_450 : vector<16xf32> to vector<1x1x16xf32>
        tpu.vector_store %arg7[%swap3A_453, %swap3A_454, %swap3A_455], %swap3A_458 {strides = array<i32>} : memref<2x80x512xf32, #tpu.memory_space<vmem>>, vector<1x1x16xf32>,
        %get3A_459 = arith.index_cast %scan3A_363 : i32 to index
        %get3A_460 = arith.constant 128 : index
        %get3A_461 = tpu.vector_load %arg8[%get3A_459, %get3A_460] {strides = array<i32>} : memref<32x512xf32, #tpu.memory_space<vmem>>, vector<1x16xf32>,
        %get3A_462 = vector.shape_cast %get3A_461 : vector<1x16xf32> to vector<16xf32>
        %add3A_463 = arith.addi %sub3A_334, %scan3A_363 : i32
        %swap3A_464 = arith.constant 1 : i32
        %swap3A_465 = arith.index_cast %swap3A_464 : i32 to index
        %swap3A_466 = arith.index_cast %add3A_463 : i32 to index
        %swap3A_467 = arith.constant 128 : index
        %swap3A_468 = tpu.vector_load %arg7[%swap3A_465, %swap3A_466, %swap3A_467] {strides = array<i32>} : memref<2x80x512xf32, #tpu.memory_space<vmem>>, vector<1x1x16xf32>,
        %swap3A_469 = vector.shape_cast %swap3A_468 : vector<1x1x16xf32> to vector<16xf32>
        %swap3A_470 = vector.shape_cast %get3A_462 : vector<16xf32> to vector<1x1x16xf32>
        tpu.vector_store %arg7[%swap3A_465, %swap3A_466, %swap3A_467], %swap3A_470 {strides = array<i32>} : memref<2x80x512xf32, #tpu.memory_space<vmem>>, vector<1x1x16xf32>,
        %get3A_471 = arith.index_cast %scan3A_363 : i32 to index
        %get3A_472 = arith.constant 144 : index
        %get3A_473 = tpu.vector_load %arg8[%get3A_471, %get3A_472] {strides = array<i32>} : memref<32x512xf32, #tpu.memory_space<vmem>>, vector<1x16xf32>,
        %get3A_474 = vector.shape_cast %get3A_473 : vector<1x16xf32> to vector<16xf32>
        %add3A_475 = arith.addi %sub3A_334, %scan3A_363 : i32
        %swap3A_476 = arith.constant 1 : i32
        %swap3A_477 = arith.index_cast %swap3A_476 : i32 to index
        %swap3A_478 = arith.index_cast %add3A_475 : i32 to index
        %swap3A_479 = arith.constant 144 : index
        %swap3A_480 = tpu.vector_load %arg7[%swap3A_477, %swap3A_478, %swap3A_479] {strides = array<i32>} : memref<2x80x512xf32, #tpu.memory_space<vmem>>, vector<1x1x16xf32>,
        %swap3A_481 = vector.shape_cast %swap3A_480 : vector<1x1x16xf32> to vector<16xf32>
        %swap3A_482 = vector.shape_cast %get3A_474 : vector<16xf32> to vector<1x1x16xf32>
        tpu.vector_store %arg7[%swap3A_477, %swap3A_478, %swap3A_479], %swap3A_482 {strides = array<i32>} : memref<2x80x512xf32, #tpu.memory_space<vmem>>, vector<1x1x16xf32>,
        %get3A_483 = arith.index_cast %scan3A_363 : i32 to index
        %get3A_484 = arith.constant 160 : index
        %get3A_485 = tpu.vector_load %arg8[%get3A_483, %get3A_484] {strides = array<i32>} : memref<32x512xf32, #tpu.memory_space<vmem>>, vector<1x16xf32>,
        %get3A_486 = vector.shape_cast %get3A_485 : vector<1x16xf32> to vector<16xf32>
        %add3A_487 = arith.addi %sub3A_334, %scan3A_363 : i32
        %swap3A_488 = arith.constant 1 : i32
        %swap3A_489 = arith.index_cast %swap3A_488 : i32 to index
        %swap3A_490 = arith.index_cast %add3A_487 : i32 to index
        %swap3A_491 = arith.constant 160 : index
        %swap3A_492 = tpu.vector_load %arg7[%swap3A_489, %swap3A_490, %swap3A_491] {strides = array<i32>} : memref<2x80x512xf32, #tpu.memory_space<vmem>>, vector<1x1x16xf32>,
        %swap3A_493 = vector.shape_cast %swap3A_492 : vector<1x1x16xf32> to vector<16xf32>
        %swap3A_494 = vector.shape_cast %get3A_486 : vector<16xf32> to vector<1x1x16xf32>
        tpu.vector_store %arg7[%swap3A_489, %swap3A_490, %swap3A_491], %swap3A_494 {strides = array<i32>} : memref<2x80x512xf32, #tpu.memory_space<vmem>>, vector<1x1x16xf32>,
        %get3A_495 = arith.index_cast %scan3A_363 : i32 to index
        %get3A_496 = arith.constant 176 : index
        %get3A_497 = tpu.vector_load %arg8[%get3A_495, %get3A_496] {strides = array<i32>} : memref<32x512xf32, #tpu.memory_space<vmem>>, vector<1x16xf32>,
        %get3A_498 = vector.shape_cast %get3A_497 : vector<1x16xf32> to vector<16xf32>
        %add3A_499 = arith.addi %sub3A_334, %scan3A_363 : i32
        %swap3A_500 = arith.constant 1 : i32
        %swap3A_501 = arith.index_cast %swap3A_500 : i32 to index
        %swap3A_502 = arith.index_cast %add3A_499 : i32 to index
        %swap3A_503 = arith.constant 176 : index
        %swap3A_504 = tpu.vector_load %arg7[%swap3A_501, %swap3A_502, %swap3A_503] {strides = array<i32>} : memref<2x80x512xf32, #tpu.memory_space<vmem>>, vector<1x1x16xf32>,
        %swap3A_505 = vector.shape_cast %swap3A_504 : vector<1x1x16xf32> to vector<16xf32>
        %swap3A_506 = vector.shape_cast %get3A_498 : vector<16xf32> to vector<1x1x16xf32>
        tpu.vector_store %arg7[%swap3A_501, %swap3A_502, %swap3A_503], %swap3A_506 {strides = array<i32>} : memref<2x80x512xf32, #tpu.memory_space<vmem>>, vector<1x1x16xf32>,
        %get3A_507 = arith.index_cast %scan3A_363 : i32 to index
        %get3A_508 = arith.constant 192 : index
        %get3A_509 = tpu.vector_load %arg8[%get3A_507, %get3A_508] {strides = array<i32>} : memref<32x512xf32, #tpu.memory_space<vmem>>, vector<1x16xf32>,
        %get3A_510 = vector.shape_cast %get3A_509 : vector<1x16xf32> to vector<16xf32>
        %add3A_511 = arith.addi %sub3A_334, %scan3A_363 : i32
        %swap3A_512 = arith.constant 1 : i32
        %swap3A_513 = arith.index_cast %swap3A_512 : i32 to index
        %swap3A_514 = arith.index_cast %add3A_511 : i32 to index
        %swap3A_515 = arith.constant 192 : index
        %swap3A_516 = tpu.vector_load %arg7[%swap3A_513, %swap3A_514, %swap3A_515] {strides = array<i32>} : memref<2x80x512xf32, #tpu.memory_space<vmem>>, vector<1x1x16xf32>,
        %swap3A_517 = vector.shape_cast %swap3A_516 : vector<1x1x16xf32> to vector<16xf32>
        %swap3A_518 = vector.shape_cast %get3A_510 : vector<16xf32> to vector<1x1x16xf32>
        tpu.vector_store %arg7[%swap3A_513, %swap3A_514, %swap3A_515], %swap3A_518 {strides = array<i32>} : memref<2x80x512xf32, #tpu.memory_space<vmem>>, vector<1x1x16xf32>,
        %get3A_519 = arith.index_cast %scan3A_363 : i32 to index
        %get3A_520 = arith.constant 208 : index
        %get3A_521 = tpu.vector_load %arg8[%get3A_519, %get3A_520] {strides = array<i32>} : memref<32x512xf32, #tpu.memory_space<vmem>>, vector<1x16xf32>,
        %get3A_522 = vector.shape_cast %get3A_521 : vector<1x16xf32> to vector<16xf32>
        %add3A_523 = arith.addi %sub3A_334, %scan3A_363 : i32
        %swap3A_524 = arith.constant 1 : i32
        %swap3A_525 = arith.index_cast %swap3A_524 : i32 to index
        %swap3A_526 = arith.index_cast %add3A_523 : i32 to index
        %swap3A_527 = arith.constant 208 : index
        %swap3A_528 = tpu.vector_load %arg7[%swap3A_525, %swap3A_526, %swap3A_527] {strides = array<i32>} : memref<2x80x512xf32, #tpu.memory_space<vmem>>, vector<1x1x16xf32>,
        %swap3A_529 = vector.shape_cast %swap3A_528 : vector<1x1x16xf32> to vector<16xf32>
        %swap3A_530 = vector.shape_cast %get3A_522 : vector<16xf32> to vector<1x1x16xf32>
        tpu.vector_store %arg7[%swap3A_525, %swap3A_526, %swap3A_527], %swap3A_530 {strides = array<i32>} : memref<2x80x512xf32, #tpu.memory_space<vmem>>, vector<1x1x16xf32>,
        %get3A_531 = arith.index_cast %scan3A_363 : i32 to index
        %get3A_532 = arith.constant 224 : index
        %get3A_533 = tpu.vector_load %arg8[%get3A_531, %get3A_532] {strides = array<i32>} : memref<32x512xf32, #tpu.memory_space<vmem>>, vector<1x16xf32>,
        %get3A_534 = vector.shape_cast %get3A_533 : vector<1x16xf32> to vector<16xf32>
        %add3A_535 = arith.addi %sub3A_334, %scan3A_363 : i32
        %swap3A_536 = arith.constant 1 : i32
        %swap3A_537 = arith.index_cast %swap3A_536 : i32 to index
        %swap3A_538 = arith.index_cast %add3A_535 : i32 to index
        %swap3A_539 = arith.constant 224 : index
        %swap3A_540 = tpu.vector_load %arg7[%swap3A_537, %swap3A_538, %swap3A_539] {strides = array<i32>} : memref<2x80x512xf32, #tpu.memory_space<vmem>>, vector<1x1x16xf32>,
        %swap3A_541 = vector.shape_cast %swap3A_540 : vector<1x1x16xf32> to vector<16xf32>
        %swap3A_542 = vector.shape_cast %get3A_534 : vector<16xf32> to vector<1x1x16xf32>
        tpu.vector_store %arg7[%swap3A_537, %swap3A_538, %swap3A_539], %swap3A_542 {strides = array<i32>} : memref<2x80x512xf32, #tpu.memory_space<vmem>>, vector<1x1x16xf32>,
        %get3A_543 = arith.index_cast %scan3A_363 : i32 to index
        %get3A_544 = arith.constant 240 : index
        %get3A_545 = tpu.vector_load %arg8[%get3A_543, %get3A_544] {strides = array<i32>} : memref<32x512xf32, #tpu.memory_space<vmem>>, vector<1x16xf32>,
        %get3A_546 = vector.shape_cast %get3A_545 : vector<1x16xf32> to vector<16xf32>
        %add3A_547 = arith.addi %sub3A_334, %scan3A_363 : i32
        %swap3A_548 = arith.constant 1 : i32
        %swap3A_549 = arith.index_cast %swap3A_548 : i32 to index
        %swap3A_550 = arith.index_cast %add3A_547 : i32 to index
        %swap3A_551 = arith.constant 240 : index
        %swap3A_552 = tpu.vector_load %arg7[%swap3A_549, %swap3A_550, %swap3A_551] {strides = array<i32>} : memref<2x80x512xf32, #tpu.memory_space<vmem>>, vector<1x1x16xf32>,
        %swap3A_553 = vector.shape_cast %swap3A_552 : vector<1x1x16xf32> to vector<16xf32>
        %swap3A_554 = vector.shape_cast %get3A_546 : vector<16xf32> to vector<1x1x16xf32>
        tpu.vector_store %arg7[%swap3A_549, %swap3A_550, %swap3A_551], %swap3A_554 {strides = array<i32>} : memref<2x80x512xf32, #tpu.memory_space<vmem>>, vector<1x1x16xf32>,
        %get3A_555 = arith.index_cast %scan3A_363 : i32 to index
        %get3A_556 = arith.constant 256 : index
        %get3A_557 = tpu.vector_load %arg8[%get3A_555, %get3A_556] {strides = array<i32>} : memref<32x512xf32, #tpu.memory_space<vmem>>, vector<1x16xf32>,
        %get3A_558 = vector.shape_cast %get3A_557 : vector<1x16xf32> to vector<16xf32>
        %add3A_559 = arith.addi %sub3A_334, %scan3A_363 : i32
        %swap3A_560 = arith.constant 1 : i32
        %swap3A_561 = arith.index_cast %swap3A_560 : i32 to index
        %swap3A_562 = arith.index_cast %add3A_559 : i32 to index
        %swap3A_563 = arith.constant 256 : index
        %swap3A_564 = tpu.vector_load %arg7[%swap3A_561, %swap3A_562, %swap3A_563] {strides = array<i32>} : memref<2x80x512xf32, #tpu.memory_space<vmem>>, vector<1x1x16xf32>,
        %swap3A_565 = vector.shape_cast %swap3A_564 : vector<1x1x16xf32> to vector<16xf32>
        %swap3A_566 = vector.shape_cast %get3A_558 : vector<16xf32> to vector<1x1x16xf32>
        tpu.vector_store %arg7[%swap3A_561, %swap3A_562, %swap3A_563], %swap3A_566 {strides = array<i32>} : memref<2x80x512xf32, #tpu.memory_space<vmem>>, vector<1x1x16xf32>,
        %get3A_567 = arith.index_cast %scan3A_363 : i32 to index
        %get3A_568 = arith.constant 272 : index
        %get3A_569 = tpu.vector_load %arg8[%get3A_567, %get3A_568] {strides = array<i32>} : memref<32x512xf32, #tpu.memory_space<vmem>>, vector<1x16xf32>,
        %get3A_570 = vector.shape_cast %get3A_569 : vector<1x16xf32> to vector<16xf32>
        %add3A_571 = arith.addi %sub3A_334, %scan3A_363 : i32
        %swap3A_572 = arith.constant 1 : i32
        %swap3A_573 = arith.index_cast %swap3A_572 : i32 to index
        %swap3A_574 = arith.index_cast %add3A_571 : i32 to index
        %swap3A_575 = arith.constant 272 : index
        %swap3A_576 = tpu.vector_load %arg7[%swap3A_573, %swap3A_574, %swap3A_575] {strides = array<i32>} : memref<2x80x512xf32, #tpu.memory_space<vmem>>, vector<1x1x16xf32>,
        %swap3A_577 = vector.shape_cast %swap3A_576 : vector<1x1x16xf32> to vector<16xf32>
        %swap3A_578 = vector.shape_cast %get3A_570 : vector<16xf32> to vector<1x1x16xf32>
        tpu.vector_store %arg7[%swap3A_573, %swap3A_574, %swap3A_575], %swap3A_578 {strides = array<i32>} : memref<2x80x512xf32, #tpu.memory_space<vmem>>, vector<1x1x16xf32>,
        %get3A_579 = arith.index_cast %scan3A_363 : i32 to index
        %get3A_580 = arith.constant 288 : index
        %get3A_581 = tpu.vector_load %arg8[%get3A_579, %get3A_580] {strides = array<i32>} : memref<32x512xf32, #tpu.memory_space<vmem>>, vector<1x16xf32>,
        %get3A_582 = vector.shape_cast %get3A_581 : vector<1x16xf32> to vector<16xf32>
        %add3A_583 = arith.addi %sub3A_334, %scan3A_363 : i32
        %swap3A_584 = arith.constant 1 : i32
        %swap3A_585 = arith.index_cast %swap3A_584 : i32 to index
        %swap3A_586 = arith.index_cast %add3A_583 : i32 to index
        %swap3A_587 = arith.constant 288 : index
        %swap3A_588 = tpu.vector_load %arg7[%swap3A_585, %swap3A_586, %swap3A_587] {strides = array<i32>} : memref<2x80x512xf32, #tpu.memory_space<vmem>>, vector<1x1x16xf32>,
        %swap3A_589 = vector.shape_cast %swap3A_588 : vector<1x1x16xf32> to vector<16xf32>
        %swap3A_590 = vector.shape_cast %get3A_582 : vector<16xf32> to vector<1x1x16xf32>
        tpu.vector_store %arg7[%swap3A_585, %swap3A_586, %swap3A_587], %swap3A_590 {strides = array<i32>} : memref<2x80x512xf32, #tpu.memory_space<vmem>>, vector<1x1x16xf32>,
        %get3A_591 = arith.index_cast %scan3A_363 : i32 to index
        %get3A_592 = arith.constant 304 : index
        %get3A_593 = tpu.vector_load %arg8[%get3A_591, %get3A_592] {strides = array<i32>} : memref<32x512xf32, #tpu.memory_space<vmem>>, vector<1x16xf32>,
        %get3A_594 = vector.shape_cast %get3A_593 : vector<1x16xf32> to vector<16xf32>
        %add3A_595 = arith.addi %sub3A_334, %scan3A_363 : i32
        %swap3A_596 = arith.constant 1 : i32
        %swap3A_597 = arith.index_cast %swap3A_596 : i32 to index
        %swap3A_598 = arith.index_cast %add3A_595 : i32 to index
        %swap3A_599 = arith.constant 304 : index
        %swap3A_600 = tpu.vector_load %arg7[%swap3A_597, %swap3A_598, %swap3A_599] {strides = array<i32>} : memref<2x80x512xf32, #tpu.memory_space<vmem>>, vector<1x1x16xf32>,
        %swap3A_601 = vector.shape_cast %swap3A_600 : vector<1x1x16xf32> to vector<16xf32>
        %swap3A_602 = vector.shape_cast %get3A_594 : vector<16xf32> to vector<1x1x16xf32>
        tpu.vector_store %arg7[%swap3A_597, %swap3A_598, %swap3A_599], %swap3A_602 {strides = array<i32>} : memref<2x80x512xf32, #tpu.memory_space<vmem>>, vector<1x1x16xf32>,
        %get3A_603 = arith.index_cast %scan3A_363 : i32 to index
        %get3A_604 = arith.constant 320 : index
        %get3A_605 = tpu.vector_load %arg8[%get3A_603, %get3A_604] {strides = array<i32>} : memref<32x512xf32, #tpu.memory_space<vmem>>, vector<1x16xf32>,
        %get3A_606 = vector.shape_cast %get3A_605 : vector<1x16xf32> to vector<16xf32>
        %add3A_607 = arith.addi %sub3A_334, %scan3A_363 : i32
        %swap3A_608 = arith.constant 1 : i32
        %swap3A_609 = arith.index_cast %swap3A_608 : i32 to index
        %swap3A_610 = arith.index_cast %add3A_607 : i32 to index
        %swap3A_611 = arith.constant 320 : index
        %swap3A_612 = tpu.vector_load %arg7[%swap3A_609, %swap3A_610, %swap3A_611] {strides = array<i32>} : memref<2x80x512xf32, #tpu.memory_space<vmem>>, vector<1x1x16xf32>,
        %swap3A_613 = vector.shape_cast %swap3A_612 : vector<1x1x16xf32> to vector<16xf32>
        %swap3A_614 = vector.shape_cast %get3A_606 : vector<16xf32> to vector<1x1x16xf32>
        tpu.vector_store %arg7[%swap3A_609, %swap3A_610, %swap3A_611], %swap3A_614 {strides = array<i32>} : memref<2x80x512xf32, #tpu.memory_space<vmem>>, vector<1x1x16xf32>,
        %get3A_615 = arith.index_cast %scan3A_363 : i32 to index
        %get3A_616 = arith.constant 336 : index
        %get3A_617 = tpu.vector_load %arg8[%get3A_615, %get3A_616] {strides = array<i32>} : memref<32x512xf32, #tpu.memory_space<vmem>>, vector<1x16xf32>,
        %get3A_618 = vector.shape_cast %get3A_617 : vector<1x16xf32> to vector<16xf32>
        %add3A_619 = arith.addi %sub3A_334, %scan3A_363 : i32
        %swap3A_620 = arith.constant 1 : i32
        %swap3A_621 = arith.index_cast %swap3A_620 : i32 to index
        %swap3A_622 = arith.index_cast %add3A_619 : i32 to index
        %swap3A_623 = arith.constant 336 : index
        %swap3A_624 = tpu.vector_load %arg7[%swap3A_621, %swap3A_622, %swap3A_623] {strides = array<i32>} : memref<2x80x512xf32, #tpu.memory_space<vmem>>, vector<1x1x16xf32>,
        %swap3A_625 = vector.shape_cast %swap3A_624 : vector<1x1x16xf32> to vector<16xf32>
        %swap3A_626 = vector.shape_cast %get3A_618 : vector<16xf32> to vector<1x1x16xf32>
        tpu.vector_store %arg7[%swap3A_621, %swap3A_622, %swap3A_623], %swap3A_626 {strides = array<i32>} : memref<2x80x512xf32, #tpu.memory_space<vmem>>, vector<1x1x16xf32>,
        %get3A_627 = arith.index_cast %scan3A_363 : i32 to index
        %get3A_628 = arith.constant 352 : index
        %get3A_629 = tpu.vector_load %arg8[%get3A_627, %get3A_628] {strides = array<i32>} : memref<32x512xf32, #tpu.memory_space<vmem>>, vector<1x16xf32>,
        %get3A_630 = vector.shape_cast %get3A_629 : vector<1x16xf32> to vector<16xf32>
        %add3A_631 = arith.addi %sub3A_334, %scan3A_363 : i32
        %swap3A_632 = arith.constant 1 : i32
        %swap3A_633 = arith.index_cast %swap3A_632 : i32 to index
        %swap3A_634 = arith.index_cast %add3A_631 : i32 to index
        %swap3A_635 = arith.constant 352 : index
        %swap3A_636 = tpu.vector_load %arg7[%swap3A_633, %swap3A_634, %swap3A_635] {strides = array<i32>} : memref<2x80x512xf32, #tpu.memory_space<vmem>>, vector<1x1x16xf32>,
        %swap3A_637 = vector.shape_cast %swap3A_636 : vector<1x1x16xf32> to vector<16xf32>
        %swap3A_638 = vector.shape_cast %get3A_630 : vector<16xf32> to vector<1x1x16xf32>
        tpu.vector_store %arg7[%swap3A_633, %swap3A_634, %swap3A_635], %swap3A_638 {strides = array<i32>} : memref<2x80x512xf32, #tpu.memory_space<vmem>>, vector<1x1x16xf32>,
        %get3A_639 = arith.index_cast %scan3A_363 : i32 to index
        %get3A_640 = arith.constant 368 : index
        %get3A_641 = tpu.vector_load %arg8[%get3A_639, %get3A_640] {strides = array<i32>} : memref<32x512xf32, #tpu.memory_space<vmem>>, vector<1x16xf32>,
        %get3A_642 = vector.shape_cast %get3A_641 : vector<1x16xf32> to vector<16xf32>
        %add3A_643 = arith.addi %sub3A_334, %scan3A_363 : i32
        %swap3A_644 = arith.constant 1 : i32
        %swap3A_645 = arith.index_cast %swap3A_644 : i32 to index
        %swap3A_646 = arith.index_cast %add3A_643 : i32 to index
        %swap3A_647 = arith.constant 368 : index
        %swap3A_648 = tpu.vector_load %arg7[%swap3A_645, %swap3A_646, %swap3A_647] {strides = array<i32>} : memref<2x80x512xf32, #tpu.memory_space<vmem>>, vector<1x1x16xf32>,
        %swap3A_649 = vector.shape_cast %swap3A_648 : vector<1x1x16xf32> to vector<16xf32>
        %swap3A_650 = vector.shape_cast %get3A_642 : vector<16xf32> to vector<1x1x16xf32>
        tpu.vector_store %arg7[%swap3A_645, %swap3A_646, %swap3A_647], %swap3A_650 {strides = array<i32>} : memref<2x80x512xf32, #tpu.memory_space<vmem>>, vector<1x1x16xf32>,
        %get3A_651 = arith.index_cast %scan3A_363 : i32 to index
        %get3A_652 = arith.constant 384 : index
        %get3A_653 = tpu.vector_load %arg8[%get3A_651, %get3A_652] {strides = array<i32>} : memref<32x512xf32, #tpu.memory_space<vmem>>, vector<1x16xf32>,
        %get3A_654 = vector.shape_cast %get3A_653 : vector<1x16xf32> to vector<16xf32>
        %add3A_655 = arith.addi %sub3A_334, %scan3A_363 : i32
        %swap3A_656 = arith.constant 1 : i32
        %swap3A_657 = arith.index_cast %swap3A_656 : i32 to index
        %swap3A_658 = arith.index_cast %add3A_655 : i32 to index
        %swap3A_659 = arith.constant 384 : index
        %swap3A_660 = tpu.vector_load %arg7[%swap3A_657, %swap3A_658, %swap3A_659] {strides = array<i32>} : memref<2x80x512xf32, #tpu.memory_space<vmem>>, vector<1x1x16xf32>,
        %swap3A_661 = vector.shape_cast %swap3A_660 : vector<1x1x16xf32> to vector<16xf32>
        %swap3A_662 = vector.shape_cast %get3A_654 : vector<16xf32> to vector<1x1x16xf32>
        tpu.vector_store %arg7[%swap3A_657, %swap3A_658, %swap3A_659], %swap3A_662 {strides = array<i32>} : memref<2x80x512xf32, #tpu.memory_space<vmem>>, vector<1x1x16xf32>,
        %get3A_663 = arith.index_cast %scan3A_363 : i32 to index
        %get3A_664 = arith.constant 400 : index
        %get3A_665 = tpu.vector_load %arg8[%get3A_663, %get3A_664] {strides = array<i32>} : memref<32x512xf32, #tpu.memory_space<vmem>>, vector<1x16xf32>,
        %get3A_666 = vector.shape_cast %get3A_665 : vector<1x16xf32> to vector<16xf32>
        %add3A_667 = arith.addi %sub3A_334, %scan3A_363 : i32
        %swap3A_668 = arith.constant 1 : i32
        %swap3A_669 = arith.index_cast %swap3A_668 : i32 to index
        %swap3A_670 = arith.index_cast %add3A_667 : i32 to index
        %swap3A_671 = arith.constant 400 : index
        %swap3A_672 = tpu.vector_load %arg7[%swap3A_669, %swap3A_670, %swap3A_671] {strides = array<i32>} : memref<2x80x512xf32, #tpu.memory_space<vmem>>, vector<1x1x16xf32>,
        %swap3A_673 = vector.shape_cast %swap3A_672 : vector<1x1x16xf32> to vector<16xf32>
        %swap3A_674 = vector.shape_cast %get3A_666 : vector<16xf32> to vector<1x1x16xf32>
        tpu.vector_store %arg7[%swap3A_669, %swap3A_670, %swap3A_671], %swap3A_674 {strides = array<i32>} : memref<2x80x512xf32, #tpu.memory_space<vmem>>, vector<1x1x16xf32>,
        %get3A_675 = arith.index_cast %scan3A_363 : i32 to index
        %get3A_676 = arith.constant 416 : index
        %get3A_677 = tpu.vector_load %arg8[%get3A_675, %get3A_676] {strides = array<i32>} : memref<32x512xf32, #tpu.memory_space<vmem>>, vector<1x16xf32>,
        %get3A_678 = vector.shape_cast %get3A_677 : vector<1x16xf32> to vector<16xf32>
        %add3A_679 = arith.addi %sub3A_334, %scan3A_363 : i32
        %swap3A_680 = arith.constant 1 : i32
        %swap3A_681 = arith.index_cast %swap3A_680 : i32 to index
        %swap3A_682 = arith.index_cast %add3A_679 : i32 to index
        %swap3A_683 = arith.constant 416 : index
        %swap3A_684 = tpu.vector_load %arg7[%swap3A_681, %swap3A_682, %swap3A_683] {strides = array<i32>} : memref<2x80x512xf32, #tpu.memory_space<vmem>>, vector<1x1x16xf32>,
        %swap3A_685 = vector.shape_cast %swap3A_684 : vector<1x1x16xf32> to vector<16xf32>
        %swap3A_686 = vector.shape_cast %get3A_678 : vector<16xf32> to vector<1x1x16xf32>
        tpu.vector_store %arg7[%swap3A_681, %swap3A_682, %swap3A_683], %swap3A_686 {strides = array<i32>} : memref<2x80x512xf32, #tpu.memory_space<vmem>>, vector<1x1x16xf32>,
        %get3A_687 = arith.index_cast %scan3A_363 : i32 to index
        %get3A_688 = arith.constant 432 : index
        %get3A_689 = tpu.vector_load %arg8[%get3A_687, %get3A_688] {strides = array<i32>} : memref<32x512xf32, #tpu.memory_space<vmem>>, vector<1x16xf32>,
        %get3A_690 = vector.shape_cast %get3A_689 : vector<1x16xf32> to vector<16xf32>
        %add3A_691 = arith.addi %sub3A_334, %scan3A_363 : i32
        %swap3A_692 = arith.constant 1 : i32
        %swap3A_693 = arith.index_cast %swap3A_692 : i32 to index
        %swap3A_694 = arith.index_cast %add3A_691 : i32 to index
        %swap3A_695 = arith.constant 432 : index
        %swap3A_696 = tpu.vector_load %arg7[%swap3A_693, %swap3A_694, %swap3A_695] {strides = array<i32>} : memref<2x80x512xf32, #tpu.memory_space<vmem>>, vector<1x1x16xf32>,
        %swap3A_697 = vector.shape_cast %swap3A_696 : vector<1x1x16xf32> to vector<16xf32>
        %swap3A_698 = vector.shape_cast %get3A_690 : vector<16xf32> to vector<1x1x16xf32>
        tpu.vector_store %arg7[%swap3A_693, %swap3A_694, %swap3A_695], %swap3A_698 {strides = array<i32>} : memref<2x80x512xf32, #tpu.memory_space<vmem>>, vector<1x1x16xf32>,
        %get3A_699 = arith.index_cast %scan3A_363 : i32 to index
        %get3A_700 = arith.constant 448 : index
        %get3A_701 = tpu.vector_load %arg8[%get3A_699, %get3A_700] {strides = array<i32>} : memref<32x512xf32, #tpu.memory_space<vmem>>, vector<1x16xf32>,
        %get3A_702 = vector.shape_cast %get3A_701 : vector<1x16xf32> to vector<16xf32>
        %add3A_703 = arith.addi %sub3A_334, %scan3A_363 : i32
        %swap3A_704 = arith.constant 1 : i32
        %swap3A_705 = arith.index_cast %swap3A_704 : i32 to index
        %swap3A_706 = arith.index_cast %add3A_703 : i32 to index
        %swap3A_707 = arith.constant 448 : index
        %swap3A_708 = tpu.vector_load %arg7[%swap3A_705, %swap3A_706, %swap3A_707] {strides = array<i32>} : memref<2x80x512xf32, #tpu.memory_space<vmem>>, vector<1x1x16xf32>,
        %swap3A_709 = vector.shape_cast %swap3A_708 : vector<1x1x16xf32> to vector<16xf32>
        %swap3A_710 = vector.shape_cast %get3A_702 : vector<16xf32> to vector<1x1x16xf32>
        tpu.vector_store %arg7[%swap3A_705, %swap3A_706, %swap3A_707], %swap3A_710 {strides = array<i32>} : memref<2x80x512xf32, #tpu.memory_space<vmem>>, vector<1x1x16xf32>,
        %get3A_711 = arith.index_cast %scan3A_363 : i32 to index
        %get3A_712 = arith.constant 464 : index
        %get3A_713 = tpu.vector_load %arg8[%get3A_711, %get3A_712] {strides = array<i32>} : memref<32x512xf32, #tpu.memory_space<vmem>>, vector<1x16xf32>,
        %get3A_714 = vector.shape_cast %get3A_713 : vector<1x16xf32> to vector<16xf32>
        %add3A_715 = arith.addi %sub3A_334, %scan3A_363 : i32
        %swap3A_716 = arith.constant 1 : i32
        %swap3A_717 = arith.index_cast %swap3A_716 : i32 to index
        %swap3A_718 = arith.index_cast %add3A_715 : i32 to index
        %swap3A_719 = arith.constant 464 : index
        %swap3A_720 = tpu.vector_load %arg7[%swap3A_717, %swap3A_718, %swap3A_719] {strides = array<i32>} : memref<2x80x512xf32, #tpu.memory_space<vmem>>, vector<1x1x16xf32>,
        %swap3A_721 = vector.shape_cast %swap3A_720 : vector<1x1x16xf32> to vector<16xf32>
        %swap3A_722 = vector.shape_cast %get3A_714 : vector<16xf32> to vector<1x1x16xf32>
        tpu.vector_store %arg7[%swap3A_717, %swap3A_718, %swap3A_719], %swap3A_722 {strides = array<i32>} : memref<2x80x512xf32, #tpu.memory_space<vmem>>, vector<1x1x16xf32>,
        %get3A_723 = arith.index_cast %scan3A_363 : i32 to index
        %get3A_724 = arith.constant 480 : index
        %get3A_725 = tpu.vector_load %arg8[%get3A_723, %get3A_724] {strides = array<i32>} : memref<32x512xf32, #tpu.memory_space<vmem>>, vector<1x16xf32>,
        %get3A_726 = vector.shape_cast %get3A_725 : vector<1x16xf32> to vector<16xf32>
        %add3A_727 = arith.addi %sub3A_334, %scan3A_363 : i32
        %swap3A_728 = arith.constant 1 : i32
        %swap3A_729 = arith.index_cast %swap3A_728 : i32 to index
        %swap3A_730 = arith.index_cast %add3A_727 : i32 to index
        %swap3A_731 = arith.constant 480 : index
        %swap3A_732 = tpu.vector_load %arg7[%swap3A_729, %swap3A_730, %swap3A_731] {strides = array<i32>} : memref<2x80x512xf32, #tpu.memory_space<vmem>>, vector<1x1x16xf32>,
        %swap3A_733 = vector.shape_cast %swap3A_732 : vector<1x1x16xf32> to vector<16xf32>
        %swap3A_734 = vector.shape_cast %get3A_726 : vector<16xf32> to vector<1x1x16xf32>
        tpu.vector_store %arg7[%swap3A_729, %swap3A_730, %swap3A_731], %swap3A_734 {strides = array<i32>} : memref<2x80x512xf32, #tpu.memory_space<vmem>>, vector<1x1x16xf32>,
        %get3A_735 = arith.index_cast %scan3A_363 : i32 to index
        %get3A_736 = arith.constant 496 : index
        %get3A_737 = tpu.vector_load %arg8[%get3A_735, %get3A_736] {strides = array<i32>} : memref<32x512xf32, #tpu.memory_space<vmem>>, vector<1x16xf32>,
        %get3A_738 = vector.shape_cast %get3A_737 : vector<1x16xf32> to vector<16xf32>
        %add3A_739 = arith.addi %sub3A_334, %scan3A_363 : i32
        %swap3A_740 = arith.constant 1 : i32
        %swap3A_741 = arith.index_cast %swap3A_740 : i32 to index
        %swap3A_742 = arith.index_cast %add3A_739 : i32 to index
        %swap3A_743 = arith.constant 496 : index
        %swap3A_744 = tpu.vector_load %arg7[%swap3A_741, %swap3A_742, %swap3A_743] {strides = array<i32>} : memref<2x80x512xf32, #tpu.memory_space<vmem>>, vector<1x1x16xf32>,
        %swap3A_745 = vector.shape_cast %swap3A_744 : vector<1x1x16xf32> to vector<16xf32>
        %swap3A_746 = vector.shape_cast %get3A_738 : vector<16xf32> to vector<1x1x16xf32>
        tpu.vector_store %arg7[%swap3A_741, %swap3A_742, %swap3A_743], %swap3A_746 {strides = array<i32>} : memref<2x80x512xf32, #tpu.memory_space<vmem>>, vector<1x1x16xf32>,
      }
      %scan3A_348 = arith.constant 32 : i32
      %broadcast_in_dim3A = arith.constant 0.000000e+00 : f32
      %broadcast_in_dim3A_349 = vector.broadcast %broadcast_in_dim3A : f32 to vector<16xf32>
      %sub3A_350 = arith.constant 48 : i32
      %sub3A_351 = arith.subi %sub3A_350, %sub3A_334 : i32
      %while3A_352 = arith.constant 0 : i32
      %while3A_353 = arith.constant 0 : i32
      %while3A_354 = arith.subi %sub3A_351, %while3A_353 : i32
      %while3A_355 = arith.addi %while3A_353, %while3A_354 : i32
      %while3A_356 = arith.constant 1 : i32
      %while3A_357 = arith.divsi %while3A_354, %while3A_356 : i32
      %while3A_358 = arith.muli %while3A_357, %while3A_356 : i32
      %while3A_359 = arith.addi %while3A_353, %while3A_358 : i32
      %while3A_360 = arith.constant 1 : i32
      scf.for %while3A_363 = %while3A_353 to %while3A_359 step %while3A_360  : i32 {
        %add3A_364 = arith.constant 32 : i32
        %add3A_365 = arith.addi %sub3A_334, %add3A_364 : i32
        %add3A_366 = arith.addi %add3A_365, %while3A_363 : i32
        %swap3A = arith.constant 1 : i32
        %swap3A_367 = arith.index_cast %swap3A : i32 to index
        %swap3A_368 = arith.index_cast %add3A_366 : i32 to index
        %swap3A_369 = arith.constant 0 : index
        %swap3A_370 = tpu.vector_load %arg7[%swap3A_367, %swap3A_368, %swap3A_369] {strides = array<i32>} : memref<2x80x512xf32, #tpu.memory_space<vmem>>, vector<1x1x16xf32>,
        %swap3A_371 = vector.shape_cast %swap3A_370 : vector<1x1x16xf32> to vector<16xf32>
        %swap3A_372 = vector.shape_cast %broadcast_in_dim3A_349 : vector<16xf32> to vector<1x1x16xf32>
        tpu.vector_store %arg7[%swap3A_367, %swap3A_368, %swap3A_369], %swap3A_372 {strides = array<i32>} : memref<2x80x512xf32, #tpu.memory_space<vmem>>, vector<1x1x16xf32>,
        %add3A_373 = arith.constant 32 : i32
        %add3A_374 = arith.addi %sub3A_334, %add3A_373 : i32
        %add3A_375 = arith.addi %add3A_374, %while3A_363 : i32
        %swap3A_376 = arith.constant 1 : i32
        %swap3A_377 = arith.index_cast %swap3A_376 : i32 to index
        %swap3A_378 = arith.index_cast %add3A_375 : i32 to index
        %swap3A_379 = arith.constant 16 : index
        %swap3A_380 = tpu.vector_load %arg7[%swap3A_377, %swap3A_378, %swap3A_379] {strides = array<i32>} : memref<2x80x512xf32, #tpu.memory_space<vmem>>, vector<1x1x16xf32>,
        %swap3A_381 = vector.shape_cast %swap3A_380 : vector<1x1x16xf32> to vector<16xf32>
        %swap3A_382 = vector.shape_cast %broadcast_in_dim3A_349 : vector<16xf32> to vector<1x1x16xf32>
        tpu.vector_store %arg7[%swap3A_377, %swap3A_378, %swap3A_379], %swap3A_382 {strides = array<i32>} : memref<2x80x512xf32, #tpu.memory_space<vmem>>, vector<1x1x16xf32>,
        %add3A_383 = arith.constant 32 : i32
        %add3A_384 = arith.addi %sub3A_334, %add3A_383 : i32
        %add3A_385 = arith.addi %add3A_384, %while3A_363 : i32
        %swap3A_386 = arith.constant 1 : i32
        %swap3A_387 = arith.index_cast %swap3A_386 : i32 to index
        %swap3A_388 = arith.index_cast %add3A_385 : i32 to index
        %swap3A_389 = arith.constant 32 : index
        %swap3A_390 = tpu.vector_load %arg7[%swap3A_387, %swap3A_388, %swap3A_389] {strides = array<i32>} : memref<2x80x512xf32, #tpu.memory_space<vmem>>, vector<1x1x16xf32>,
        %swap3A_391 = vector.shape_cast %swap3A_390 : vector<1x1x16xf32> to vector<16xf32>
        %swap3A_392 = vector.shape_cast %broadcast_in_dim3A_349 : vector<16xf32> to vector<1x1x16xf32>
        tpu.vector_store %arg7[%swap3A_387, %swap3A_388, %swap3A_389], %swap3A_392 {strides = array<i32>} : memref<2x80x512xf32, #tpu.memory_space<vmem>>, vector<1x1x16xf32>,
        %add3A_393 = arith.constant 32 : i32
        %add3A_394 = arith.addi %sub3A_334, %add3A_393 : i32
        %add3A_395 = arith.addi %add3A_394, %while3A_363 : i32
        %swap3A_396 = arith.constant 1 : i32
        %swap3A_397 = arith.index_cast %swap3A_396 : i32 to index
        %swap3A_398 = arith.index_cast %add3A_395 : i32 to index
        %swap3A_399 = arith.constant 48 : index
        %swap3A_400 = tpu.vector_load %arg7[%swap3A_397, %swap3A_398, %swap3A_399] {strides = array<i32>} : memref<2x80x512xf32, #tpu.memory_space<vmem>>, vector<1x1x16xf32>,
        %swap3A_401 = vector.shape_cast %swap3A_400 : vector<1x1x16xf32> to vector<16xf32>
        %swap3A_402 = vector.shape_cast %broadcast_in_dim3A_349 : vector<16xf32> to vector<1x1x16xf32>
        tpu.vector_store %arg7[%swap3A_397, %swap3A_398, %swap3A_399], %swap3A_402 {strides = array<i32>} : memref<2x80x512xf32, #tpu.memory_space<vmem>>, vector<1x1x16xf32>,
        %add3A_403 = arith.constant 32 : i32
        %add3A_404 = arith.addi %sub3A_334, %add3A_403 : i32
        %add3A_405 = arith.addi %add3A_404, %while3A_363 : i32
        %swap3A_406 = arith.constant 1 : i32
        %swap3A_407 = arith.index_cast %swap3A_406 : i32 to index
        %swap3A_408 = arith.index_cast %add3A_405 : i32 to index
        %swap3A_409 = arith.constant 64 : index
        %swap3A_410 = tpu.vector_load %arg7[%swap3A_407, %swap3A_408, %swap3A_409] {strides = array<i32>} : memref<2x80x512xf32, #tpu.memory_space<vmem>>, vector<1x1x16xf32>,
        %swap3A_411 = vector.shape_cast %swap3A_410 : vector<1x1x16xf32> to vector<16xf32>
        %swap3A_412 = vector.shape_cast %broadcast_in_dim3A_349 : vector<16xf32> to vector<1x1x16xf32>
        tpu.vector_store %arg7[%swap3A_407, %swap3A_408, %swap3A_409], %swap3A_412 {strides = array<i32>} : memref<2x80x512xf32, #tpu.memory_space<vmem>>, vector<1x1x16xf32>,
        %add3A_413 = arith.constant 32 : i32
        %add3A_414 = arith.addi %sub3A_334, %add3A_413 : i32
        %add3A_415 = arith.addi %add3A_414, %while3A_363 : i32
        %swap3A_416 = arith.constant 1 : i32
        %swap3A_417 = arith.index_cast %swap3A_416 : i32 to index
        %swap3A_418 = arith.index_cast %add3A_415 : i32 to index
        %swap3A_419 = arith.constant 80 : index
        %swap3A_420 = tpu.vector_load %arg7[%swap3A_417, %swap3A_418, %swap3A_419] {strides = array<i32>} : memref<2x80x512xf32, #tpu.memory_space<vmem>>, vector<1x1x16xf32>,
        %swap3A_421 = vector.shape_cast %swap3A_420 : vector<1x1x16xf32> to vector<16xf32>
        %swap3A_422 = vector.shape_cast %broadcast_in_dim3A_349 : vector<16xf32> to vector<1x1x16xf32>
        tpu.vector_store %arg7[%swap3A_417, %swap3A_418, %swap3A_419], %swap3A_422 {strides = array<i32>} : memref<2x80x512xf32, #tpu.memory_space<vmem>>, vector<1x1x16xf32>,
        %add3A_423 = arith.constant 32 : i32
        %add3A_424 = arith.addi %sub3A_334, %add3A_423 : i32
        %add3A_425 = arith.addi %add3A_424, %while3A_363 : i32
        %swap3A_426 = arith.constant 1 : i32
        %swap3A_427 = arith.index_cast %swap3A_426 : i32 to index
        %swap3A_428 = arith.index_cast %add3A_425 : i32 to index
        %swap3A_429 = arith.constant 96 : index
        %swap3A_430 = tpu.vector_load %arg7[%swap3A_427, %swap3A_428, %swap3A_429] {strides = array<i32>} : memref<2x80x512xf32, #tpu.memory_space<vmem>>, vector<1x1x16xf32>,
        %swap3A_431 = vector.shape_cast %swap3A_430 : vector<1x1x16xf32> to vector<16xf32>
        %swap3A_432 = vector.shape_cast %broadcast_in_dim3A_349 : vector<16xf32> to vector<1x1x16xf32>
        tpu.vector_store %arg7[%swap3A_427, %swap3A_428, %swap3A_429], %swap3A_432 {strides = array<i32>} : memref<2x80x512xf32, #tpu.memory_space<vmem>>, vector<1x1x16xf32>,
        %add3A_433 = arith.constant 32 : i32
        %add3A_434 = arith.addi %sub3A_334, %add3A_433 : i32
        %add3A_435 = arith.addi %add3A_434, %while3A_363 : i32
        %swap3A_436 = arith.constant 1 : i32
        %swap3A_437 = arith.index_cast %swap3A_436 : i32 to index
        %swap3A_438 = arith.index_cast %add3A_435 : i32 to index
        %swap3A_439 = arith.constant 112 : index
        %swap3A_440 = tpu.vector_load %arg7[%swap3A_437, %swap3A_438, %swap3A_439] {strides = array<i32>} : memref<2x80x512xf32, #tpu.memory_space<vmem>>, vector<1x1x16xf32>,
        %swap3A_441 = vector.shape_cast %swap3A_440 : vector<1x1x16xf32> to vector<16xf32>
        %swap3A_442 = vector.shape_cast %broadcast_in_dim3A_349 : vector<16xf32> to vector<1x1x16xf32>
        tpu.vector_store %arg7[%swap3A_437, %swap3A_438, %swap3A_439], %swap3A_442 {strides = array<i32>} : memref<2x80x512xf32, #tpu.memory_space<vmem>>, vector<1x1x16xf32>,
        %add3A_443 = arith.constant 32 : i32
        %add3A_444 = arith.addi %sub3A_334, %add3A_443 : i32
        %add3A_445 = arith.addi %add3A_444, %while3A_363 : i32
        %swap3A_446 = arith.constant 1 : i32
        %swap3A_447 = arith.index_cast %swap3A_446 : i32 to index
        %swap3A_448 = arith.index_cast %add3A_445 : i32 to index
        %swap3A_449 = arith.constant 128 : index
        %swap3A_450 = tpu.vector_load %arg7[%swap3A_447, %swap3A_448, %swap3A_449] {strides = array<i32>} : memref<2x80x512xf32, #tpu.memory_space<vmem>>, vector<1x1x16xf32>,
        %swap3A_451 = vector.shape_cast %swap3A_450 : vector<1x1x16xf32> to vector<16xf32>
        %swap3A_452 = vector.shape_cast %broadcast_in_dim3A_349 : vector<16xf32> to vector<1x1x16xf32>
        tpu.vector_store %arg7[%swap3A_447, %swap3A_448, %swap3A_449], %swap3A_452 {strides = array<i32>} : memref<2x80x512xf32, #tpu.memory_space<vmem>>, vector<1x1x16xf32>,
        %add3A_453 = arith.constant 32 : i32
        %add3A_454 = arith.addi %sub3A_334, %add3A_453 : i32
        %add3A_455 = arith.addi %add3A_454, %while3A_363 : i32
        %swap3A_456 = arith.constant 1 : i32
        %swap3A_457 = arith.index_cast %swap3A_456 : i32 to index
        %swap3A_458 = arith.index_cast %add3A_455 : i32 to index
        %swap3A_459 = arith.constant 144 : index
        %swap3A_460 = tpu.vector_load %arg7[%swap3A_457, %swap3A_458, %swap3A_459] {strides = array<i32>} : memref<2x80x512xf32, #tpu.memory_space<vmem>>, vector<1x1x16xf32>,
        %swap3A_461 = vector.shape_cast %swap3A_460 : vector<1x1x16xf32> to vector<16xf32>
        %swap3A_462 = vector.shape_cast %broadcast_in_dim3A_349 : vector<16xf32> to vector<1x1x16xf32>
        tpu.vector_store %arg7[%swap3A_457, %swap3A_458, %swap3A_459], %swap3A_462 {strides = array<i32>} : memref<2x80x512xf32, #tpu.memory_space<vmem>>, vector<1x1x16xf32>,
        %add3A_463 = arith.constant 32 : i32
        %add3A_464 = arith.addi %sub3A_334, %add3A_463 : i32
        %add3A_465 = arith.addi %add3A_464, %while3A_363 : i32
        %swap3A_466 = arith.constant 1 : i32
        %swap3A_467 = arith.index_cast %swap3A_466 : i32 to index
        %swap3A_468 = arith.index_cast %add3A_465 : i32 to index
        %swap3A_469 = arith.constant 160 : index
        %swap3A_470 = tpu.vector_load %arg7[%swap3A_467, %swap3A_468, %swap3A_469] {strides = array<i32>} : memref<2x80x512xf32, #tpu.memory_space<vmem>>, vector<1x1x16xf32>,
        %swap3A_471 = vector.shape_cast %swap3A_470 : vector<1x1x16xf32> to vector<16xf32>
        %swap3A_472 = vector.shape_cast %broadcast_in_dim3A_349 : vector<16xf32> to vector<1x1x16xf32>
        tpu.vector_store %arg7[%swap3A_467, %swap3A_468, %swap3A_469], %swap3A_472 {strides = array<i32>} : memref<2x80x512xf32, #tpu.memory_space<vmem>>, vector<1x1x16xf32>,
        %add3A_473 = arith.constant 32 : i32
        %add3A_474 = arith.addi %sub3A_334, %add3A_473 : i32
        %add3A_475 = arith.addi %add3A_474, %while3A_363 : i32
        %swap3A_476 = arith.constant 1 : i32
        %swap3A_477 = arith.index_cast %swap3A_476 : i32 to index
        %swap3A_478 = arith.index_cast %add3A_475 : i32 to index
        %swap3A_479 = arith.constant 176 : index
        %swap3A_480 = tpu.vector_load %arg7[%swap3A_477, %swap3A_478, %swap3A_479] {strides = array<i32>} : memref<2x80x512xf32, #tpu.memory_space<vmem>>, vector<1x1x16xf32>,
        %swap3A_481 = vector.shape_cast %swap3A_480 : vector<1x1x16xf32> to vector<16xf32>
        %swap3A_482 = vector.shape_cast %broadcast_in_dim3A_349 : vector<16xf32> to vector<1x1x16xf32>
        tpu.vector_store %arg7[%swap3A_477, %swap3A_478, %swap3A_479], %swap3A_482 {strides = array<i32>} : memref<2x80x512xf32, #tpu.memory_space<vmem>>, vector<1x1x16xf32>,
        %add3A_483 = arith.constant 32 : i32
        %add3A_484 = arith.addi %sub3A_334, %add3A_483 : i32
        %add3A_485 = arith.addi %add3A_484, %while3A_363 : i32
        %swap3A_486 = arith.constant 1 : i32
        %swap3A_487 = arith.index_cast %swap3A_486 : i32 to index
        %swap3A_488 = arith.index_cast %add3A_485 : i32 to index
        %swap3A_489 = arith.constant 192 : index
        %swap3A_490 = tpu.vector_load %arg7[%swap3A_487, %swap3A_488, %swap3A_489] {strides = array<i32>} : memref<2x80x512xf32, #tpu.memory_space<vmem>>, vector<1x1x16xf32>,
        %swap3A_491 = vector.shape_cast %swap3A_490 : vector<1x1x16xf32> to vector<16xf32>
        %swap3A_492 = vector.shape_cast %broadcast_in_dim3A_349 : vector<16xf32> to vector<1x1x16xf32>
        tpu.vector_store %arg7[%swap3A_487, %swap3A_488, %swap3A_489], %swap3A_492 {strides = array<i32>} : memref<2x80x512xf32, #tpu.memory_space<vmem>>, vector<1x1x16xf32>,
        %add3A_493 = arith.constant 32 : i32
        %add3A_494 = arith.addi %sub3A_334, %add3A_493 : i32
        %add3A_495 = arith.addi %add3A_494, %while3A_363 : i32
        %swap3A_496 = arith.constant 1 : i32
        %swap3A_497 = arith.index_cast %swap3A_496 : i32 to index
        %swap3A_498 = arith.index_cast %add3A_495 : i32 to index
        %swap3A_499 = arith.constant 208 : index
        %swap3A_500 = tpu.vector_load %arg7[%swap3A_497, %swap3A_498, %swap3A_499] {strides = array<i32>} : memref<2x80x512xf32, #tpu.memory_space<vmem>>, vector<1x1x16xf32>,
        %swap3A_501 = vector.shape_cast %swap3A_500 : vector<1x1x16xf32> to vector<16xf32>
        %swap3A_502 = vector.shape_cast %broadcast_in_dim3A_349 : vector<16xf32> to vector<1x1x16xf32>
        tpu.vector_store %arg7[%swap3A_497, %swap3A_498, %swap3A_499], %swap3A_502 {strides = array<i32>} : memref<2x80x512xf32, #tpu.memory_space<vmem>>, vector<1x1x16xf32>,
        %add3A_503 = arith.constant 32 : i32
        %add3A_504 = arith.addi %sub3A_334, %add3A_503 : i32
        %add3A_505 = arith.addi %add3A_504, %while3A_363 : i32
        %swap3A_506 = arith.constant 1 : i32
        %swap3A_507 = arith.index_cast %swap3A_506 : i32 to index
        %swap3A_508 = arith.index_cast %add3A_505 : i32 to index
        %swap3A_509 = arith.constant 224 : index
        %swap3A_510 = tpu.vector_load %arg7[%swap3A_507, %swap3A_508, %swap3A_509] {strides = array<i32>} : memref<2x80x512xf32, #tpu.memory_space<vmem>>, vector<1x1x16xf32>,
        %swap3A_511 = vector.shape_cast %swap3A_510 : vector<1x1x16xf32> to vector<16xf32>
        %swap3A_512 = vector.shape_cast %broadcast_in_dim3A_349 : vector<16xf32> to vector<1x1x16xf32>
        tpu.vector_store %arg7[%swap3A_507, %swap3A_508, %swap3A_509], %swap3A_512 {strides = array<i32>} : memref<2x80x512xf32, #tpu.memory_space<vmem>>, vector<1x1x16xf32>,
        %add3A_513 = arith.constant 32 : i32
        %add3A_514 = arith.addi %sub3A_334, %add3A_513 : i32
        %add3A_515 = arith.addi %add3A_514, %while3A_363 : i32
        %swap3A_516 = arith.constant 1 : i32
        %swap3A_517 = arith.index_cast %swap3A_516 : i32 to index
        %swap3A_518 = arith.index_cast %add3A_515 : i32 to index
        %swap3A_519 = arith.constant 240 : index
        %swap3A_520 = tpu.vector_load %arg7[%swap3A_517, %swap3A_518, %swap3A_519] {strides = array<i32>} : memref<2x80x512xf32, #tpu.memory_space<vmem>>, vector<1x1x16xf32>,
        %swap3A_521 = vector.shape_cast %swap3A_520 : vector<1x1x16xf32> to vector<16xf32>
        %swap3A_522 = vector.shape_cast %broadcast_in_dim3A_349 : vector<16xf32> to vector<1x1x16xf32>
        tpu.vector_store %arg7[%swap3A_517, %swap3A_518, %swap3A_519], %swap3A_522 {strides = array<i32>} : memref<2x80x512xf32, #tpu.memory_space<vmem>>, vector<1x1x16xf32>,
        %add3A_523 = arith.constant 32 : i32
        %add3A_524 = arith.addi %sub3A_334, %add3A_523 : i32
        %add3A_525 = arith.addi %add3A_524, %while3A_363 : i32
        %swap3A_526 = arith.constant 1 : i32
        %swap3A_527 = arith.index_cast %swap3A_526 : i32 to index
        %swap3A_528 = arith.index_cast %add3A_525 : i32 to index
        %swap3A_529 = arith.constant 256 : index
        %swap3A_530 = tpu.vector_load %arg7[%swap3A_527, %swap3A_528, %swap3A_529] {strides = array<i32>} : memref<2x80x512xf32, #tpu.memory_space<vmem>>, vector<1x1x16xf32>,
        %swap3A_531 = vector.shape_cast %swap3A_530 : vector<1x1x16xf32> to vector<16xf32>
        %swap3A_532 = vector.shape_cast %broadcast_in_dim3A_349 : vector<16xf32> to vector<1x1x16xf32>
        tpu.vector_store %arg7[%swap3A_527, %swap3A_528, %swap3A_529], %swap3A_532 {strides = array<i32>} : memref<2x80x512xf32, #tpu.memory_space<vmem>>, vector<1x1x16xf32>,
        %add3A_533 = arith.constant 32 : i32
        %add3A_534 = arith.addi %sub3A_334, %add3A_533 : i32
        %add3A_535 = arith.addi %add3A_534, %while3A_363 : i32
        %swap3A_536 = arith.constant 1 : i32
        %swap3A_537 = arith.index_cast %swap3A_536 : i32 to index
        %swap3A_538 = arith.index_cast %add3A_535 : i32 to index
        %swap3A_539 = arith.constant 272 : index
        %swap3A_540 = tpu.vector_load %arg7[%swap3A_537, %swap3A_538, %swap3A_539] {strides = array<i32>} : memref<2x80x512xf32, #tpu.memory_space<vmem>>, vector<1x1x16xf32>,
        %swap3A_541 = vector.shape_cast %swap3A_540 : vector<1x1x16xf32> to vector<16xf32>
        %swap3A_542 = vector.shape_cast %broadcast_in_dim3A_349 : vector<16xf32> to vector<1x1x16xf32>
        tpu.vector_store %arg7[%swap3A_537, %swap3A_538, %swap3A_539], %swap3A_542 {strides = array<i32>} : memref<2x80x512xf32, #tpu.memory_space<vmem>>, vector<1x1x16xf32>,
        %add3A_543 = arith.constant 32 : i32
        %add3A_544 = arith.addi %sub3A_334, %add3A_543 : i32
        %add3A_545 = arith.addi %add3A_544, %while3A_363 : i32
        %swap3A_546 = arith.constant 1 : i32
        %swap3A_547 = arith.index_cast %swap3A_546 : i32 to index
        %swap3A_548 = arith.index_cast %add3A_545 : i32 to index
        %swap3A_549 = arith.constant 288 : index
        %swap3A_550 = tpu.vector_load %arg7[%swap3A_547, %swap3A_548, %swap3A_549] {strides = array<i32>} : memref<2x80x512xf32, #tpu.memory_space<vmem>>, vector<1x1x16xf32>,
        %swap3A_551 = vector.shape_cast %swap3A_550 : vector<1x1x16xf32> to vector<16xf32>
        %swap3A_552 = vector.shape_cast %broadcast_in_dim3A_349 : vector<16xf32> to vector<1x1x16xf32>
        tpu.vector_store %arg7[%swap3A_547, %swap3A_548, %swap3A_549], %swap3A_552 {strides = array<i32>} : memref<2x80x512xf32, #tpu.memory_space<vmem>>, vector<1x1x16xf32>,
        %add3A_553 = arith.constant 32 : i32
        %add3A_554 = arith.addi %sub3A_334, %add3A_553 : i32
        %add3A_555 = arith.addi %add3A_554, %while3A_363 : i32
        %swap3A_556 = arith.constant 1 : i32
        %swap3A_557 = arith.index_cast %swap3A_556 : i32 to index
        %swap3A_558 = arith.index_cast %add3A_555 : i32 to index
        %swap3A_559 = arith.constant 304 : index
        %swap3A_560 = tpu.vector_load %arg7[%swap3A_557, %swap3A_558, %swap3A_559] {strides = array<i32>} : memref<2x80x512xf32, #tpu.memory_space<vmem>>, vector<1x1x16xf32>,
        %swap3A_561 = vector.shape_cast %swap3A_560 : vector<1x1x16xf32> to vector<16xf32>
        %swap3A_562 = vector.shape_cast %broadcast_in_dim3A_349 : vector<16xf32> to vector<1x1x16xf32>
        tpu.vector_store %arg7[%swap3A_557, %swap3A_558, %swap3A_559], %swap3A_562 {strides = array<i32>} : memref<2x80x512xf32, #tpu.memory_space<vmem>>, vector<1x1x16xf32>,
        %add3A_563 = arith.constant 32 : i32
        %add3A_564 = arith.addi %sub3A_334, %add3A_563 : i32
        %add3A_565 = arith.addi %add3A_564, %while3A_363 : i32
        %swap3A_566 = arith.constant 1 : i32
        %swap3A_567 = arith.index_cast %swap3A_566 : i32 to index
        %swap3A_568 = arith.index_cast %add3A_565 : i32 to index
        %swap3A_569 = arith.constant 320 : index
        %swap3A_570 = tpu.vector_load %arg7[%swap3A_567, %swap3A_568, %swap3A_569] {strides = array<i32>} : memref<2x80x512xf32, #tpu.memory_space<vmem>>, vector<1x1x16xf32>,
        %swap3A_571 = vector.shape_cast %swap3A_570 : vector<1x1x16xf32> to vector<16xf32>
        %swap3A_572 = vector.shape_cast %broadcast_in_dim3A_349 : vector<16xf32> to vector<1x1x16xf32>
        tpu.vector_store %arg7[%swap3A_567, %swap3A_568, %swap3A_569], %swap3A_572 {strides = array<i32>} : memref<2x80x512xf32, #tpu.memory_space<vmem>>, vector<1x1x16xf32>,
        %add3A_573 = arith.constant 32 : i32
        %add3A_574 = arith.addi %sub3A_334, %add3A_573 : i32
        %add3A_575 = arith.addi %add3A_574, %while3A_363 : i32
        %swap3A_576 = arith.constant 1 : i32
        %swap3A_577 = arith.index_cast %swap3A_576 : i32 to index
        %swap3A_578 = arith.index_cast %add3A_575 : i32 to index
        %swap3A_579 = arith.constant 336 : index
        %swap3A_580 = tpu.vector_load %arg7[%swap3A_577, %swap3A_578, %swap3A_579] {strides = array<i32>} : memref<2x80x512xf32, #tpu.memory_space<vmem>>, vector<1x1x16xf32>,
        %swap3A_581 = vector.shape_cast %swap3A_580 : vector<1x1x16xf32> to vector<16xf32>
        %swap3A_582 = vector.shape_cast %broadcast_in_dim3A_349 : vector<16xf32> to vector<1x1x16xf32>
        tpu.vector_store %arg7[%swap3A_577, %swap3A_578, %swap3A_579], %swap3A_582 {strides = array<i32>} : memref<2x80x512xf32, #tpu.memory_space<vmem>>, vector<1x1x16xf32>,
        %add3A_583 = arith.constant 32 : i32
        %add3A_584 = arith.addi %sub3A_334, %add3A_583 : i32
        %add3A_585 = arith.addi %add3A_584, %while3A_363 : i32
        %swap3A_586 = arith.constant 1 : i32
        %swap3A_587 = arith.index_cast %swap3A_586 : i32 to index
        %swap3A_588 = arith.index_cast %add3A_585 : i32 to index
        %swap3A_589 = arith.constant 352 : index
        %swap3A_590 = tpu.vector_load %arg7[%swap3A_587, %swap3A_588, %swap3A_589] {strides = array<i32>} : memref<2x80x512xf32, #tpu.memory_space<vmem>>, vector<1x1x16xf32>,
        %swap3A_591 = vector.shape_cast %swap3A_590 : vector<1x1x16xf32> to vector<16xf32>
        %swap3A_592 = vector.shape_cast %broadcast_in_dim3A_349 : vector<16xf32> to vector<1x1x16xf32>
        tpu.vector_store %arg7[%swap3A_587, %swap3A_588, %swap3A_589], %swap3A_592 {strides = array<i32>} : memref<2x80x512xf32, #tpu.memory_space<vmem>>, vector<1x1x16xf32>,
        %add3A_593 = arith.constant 32 : i32
        %add3A_594 = arith.addi %sub3A_334, %add3A_593 : i32
        %add3A_595 = arith.addi %add3A_594, %while3A_363 : i32
        %swap3A_596 = arith.constant 1 : i32
        %swap3A_597 = arith.index_cast %swap3A_596 : i32 to index
        %swap3A_598 = arith.index_cast %add3A_595 : i32 to index
        %swap3A_599 = arith.constant 368 : index
        %swap3A_600 = tpu.vector_load %arg7[%swap3A_597, %swap3A_598, %swap3A_599] {strides = array<i32>} : memref<2x80x512xf32, #tpu.memory_space<vmem>>, vector<1x1x16xf32>,
        %swap3A_601 = vector.shape_cast %swap3A_600 : vector<1x1x16xf32> to vector<16xf32>
        %swap3A_602 = vector.shape_cast %broadcast_in_dim3A_349 : vector<16xf32> to vector<1x1x16xf32>
        tpu.vector_store %arg7[%swap3A_597, %swap3A_598, %swap3A_599], %swap3A_602 {strides = array<i32>} : memref<2x80x512xf32, #tpu.memory_space<vmem>>, vector<1x1x16xf32>,
        %add3A_603 = arith.constant 32 : i32
        %add3A_604 = arith.addi %sub3A_334, %add3A_603 : i32
        %add3A_605 = arith.addi %add3A_604, %while3A_363 : i32
        %swap3A_606 = arith.constant 1 : i32
        %swap3A_607 = arith.index_cast %swap3A_606 : i32 to index
        %swap3A_608 = arith.index_cast %add3A_605 : i32 to index
        %swap3A_609 = arith.constant 384 : index
        %swap3A_610 = tpu.vector_load %arg7[%swap3A_607, %swap3A_608, %swap3A_609] {strides = array<i32>} : memref<2x80x512xf32, #tpu.memory_space<vmem>>, vector<1x1x16xf32>,
        %swap3A_611 = vector.shape_cast %swap3A_610 : vector<1x1x16xf32> to vector<16xf32>
        %swap3A_612 = vector.shape_cast %broadcast_in_dim3A_349 : vector<16xf32> to vector<1x1x16xf32>
        tpu.vector_store %arg7[%swap3A_607, %swap3A_608, %swap3A_609], %swap3A_612 {strides = array<i32>} : memref<2x80x512xf32, #tpu.memory_space<vmem>>, vector<1x1x16xf32>,
        %add3A_613 = arith.constant 32 : i32
        %add3A_614 = arith.addi %sub3A_334, %add3A_613 : i32
        %add3A_615 = arith.addi %add3A_614, %while3A_363 : i32
        %swap3A_616 = arith.constant 1 : i32
        %swap3A_617 = arith.index_cast %swap3A_616 : i32 to index
        %swap3A_618 = arith.index_cast %add3A_615 : i32 to index
        %swap3A_619 = arith.constant 400 : index
        %swap3A_620 = tpu.vector_load %arg7[%swap3A_617, %swap3A_618, %swap3A_619] {strides = array<i32>} : memref<2x80x512xf32, #tpu.memory_space<vmem>>, vector<1x1x16xf32>,
        %swap3A_621 = vector.shape_cast %swap3A_620 : vector<1x1x16xf32> to vector<16xf32>
        %swap3A_622 = vector.shape_cast %broadcast_in_dim3A_349 : vector<16xf32> to vector<1x1x16xf32>
        tpu.vector_store %arg7[%swap3A_617, %swap3A_618, %swap3A_619], %swap3A_622 {strides = array<i32>} : memref<2x80x512xf32, #tpu.memory_space<vmem>>, vector<1x1x16xf32>,
        %add3A_623 = arith.constant 32 : i32
        %add3A_624 = arith.addi %sub3A_334, %add3A_623 : i32
        %add3A_625 = arith.addi %add3A_624, %while3A_363 : i32
        %swap3A_626 = arith.constant 1 : i32
        %swap3A_627 = arith.index_cast %swap3A_626 : i32 to index
        %swap3A_628 = arith.index_cast %add3A_625 : i32 to index
        %swap3A_629 = arith.constant 416 : index
        %swap3A_630 = tpu.vector_load %arg7[%swap3A_627, %swap3A_628, %swap3A_629] {strides = array<i32>} : memref<2x80x512xf32, #tpu.memory_space<vmem>>, vector<1x1x16xf32>,
        %swap3A_631 = vector.shape_cast %swap3A_630 : vector<1x1x16xf32> to vector<16xf32>
        %swap3A_632 = vector.shape_cast %broadcast_in_dim3A_349 : vector<16xf32> to vector<1x1x16xf32>
        tpu.vector_store %arg7[%swap3A_627, %swap3A_628, %swap3A_629], %swap3A_632 {strides = array<i32>} : memref<2x80x512xf32, #tpu.memory_space<vmem>>, vector<1x1x16xf32>,
        %add3A_633 = arith.constant 32 : i32
        %add3A_634 = arith.addi %sub3A_334, %add3A_633 : i32
        %add3A_635 = arith.addi %add3A_634, %while3A_363 : i32
        %swap3A_636 = arith.constant 1 : i32
        %swap3A_637 = arith.index_cast %swap3A_636 : i32 to index
        %swap3A_638 = arith.index_cast %add3A_635 : i32 to index
        %swap3A_639 = arith.constant 432 : index
        %swap3A_640 = tpu.vector_load %arg7[%swap3A_637, %swap3A_638, %swap3A_639] {strides = array<i32>} : memref<2x80x512xf32, #tpu.memory_space<vmem>>, vector<1x1x16xf32>,
        %swap3A_641 = vector.shape_cast %swap3A_640 : vector<1x1x16xf32> to vector<16xf32>
        %swap3A_642 = vector.shape_cast %broadcast_in_dim3A_349 : vector<16xf32> to vector<1x1x16xf32>
        tpu.vector_store %arg7[%swap3A_637, %swap3A_638, %swap3A_639], %swap3A_642 {strides = array<i32>} : memref<2x80x512xf32, #tpu.memory_space<vmem>>, vector<1x1x16xf32>,
        %add3A_643 = arith.constant 32 : i32
        %add3A_644 = arith.addi %sub3A_334, %add3A_643 : i32
        %add3A_645 = arith.addi %add3A_644, %while3A_363 : i32
        %swap3A_646 = arith.constant 1 : i32
        %swap3A_647 = arith.index_cast %swap3A_646 : i32 to index
        %swap3A_648 = arith.index_cast %add3A_645 : i32 to index
        %swap3A_649 = arith.constant 448 : index
        %swap3A_650 = tpu.vector_load %arg7[%swap3A_647, %swap3A_648, %swap3A_649] {strides = array<i32>} : memref<2x80x512xf32, #tpu.memory_space<vmem>>, vector<1x1x16xf32>,
        %swap3A_651 = vector.shape_cast %swap3A_650 : vector<1x1x16xf32> to vector<16xf32>
        %swap3A_652 = vector.shape_cast %broadcast_in_dim3A_349 : vector<16xf32> to vector<1x1x16xf32>
        tpu.vector_store %arg7[%swap3A_647, %swap3A_648, %swap3A_649], %swap3A_652 {strides = array<i32>} : memref<2x80x512xf32, #tpu.memory_space<vmem>>, vector<1x1x16xf32>,
        %add3A_653 = arith.constant 32 : i32
        %add3A_654 = arith.addi %sub3A_334, %add3A_653 : i32
        %add3A_655 = arith.addi %add3A_654, %while3A_363 : i32
        %swap3A_656 = arith.constant 1 : i32
        %swap3A_657 = arith.index_cast %swap3A_656 : i32 to index
        %swap3A_658 = arith.index_cast %add3A_655 : i32 to index
        %swap3A_659 = arith.constant 464 : index
        %swap3A_660 = tpu.vector_load %arg7[%swap3A_657, %swap3A_658, %swap3A_659] {strides = array<i32>} : memref<2x80x512xf32, #tpu.memory_space<vmem>>, vector<1x1x16xf32>,
        %swap3A_661 = vector.shape_cast %swap3A_660 : vector<1x1x16xf32> to vector<16xf32>
        %swap3A_662 = vector.shape_cast %broadcast_in_dim3A_349 : vector<16xf32> to vector<1x1x16xf32>
        tpu.vector_store %arg7[%swap3A_657, %swap3A_658, %swap3A_659], %swap3A_662 {strides = array<i32>} : memref<2x80x512xf32, #tpu.memory_space<vmem>>, vector<1x1x16xf32>,
        %add3A_663 = arith.constant 32 : i32
        %add3A_664 = arith.addi %sub3A_334, %add3A_663 : i32
        %add3A_665 = arith.addi %add3A_664, %while3A_363 : i32
        %swap3A_666 = arith.constant 1 : i32
        %swap3A_667 = arith.index_cast %swap3A_666 : i32 to index
        %swap3A_668 = arith.index_cast %add3A_665 : i32 to index
        %swap3A_669 = arith.constant 480 : index
        %swap3A_670 = tpu.vector_load %arg7[%swap3A_667, %swap3A_668, %swap3A_669] {strides = array<i32>} : memref<2x80x512xf32, #tpu.memory_space<vmem>>, vector<1x1x16xf32>,
        %swap3A_671 = vector.shape_cast %swap3A_670 : vector<1x1x16xf32> to vector<16xf32>
        %swap3A_672 = vector.shape_cast %broadcast_in_dim3A_349 : vector<16xf32> to vector<1x1x16xf32>
        tpu.vector_store %arg7[%swap3A_667, %swap3A_668, %swap3A_669], %swap3A_672 {strides = array<i32>} : memref<2x80x512xf32, #tpu.memory_space<vmem>>, vector<1x1x16xf32>,
        %add3A_673 = arith.constant 32 : i32
        %add3A_674 = arith.addi %sub3A_334, %add3A_673 : i32
        %add3A_675 = arith.addi %add3A_674, %while3A_363 : i32
        %swap3A_676 = arith.constant 1 : i32
        %swap3A_677 = arith.index_cast %swap3A_676 : i32 to index
        %swap3A_678 = arith.index_cast %add3A_675 : i32 to index
        %swap3A_679 = arith.constant 496 : index
        %swap3A_680 = tpu.vector_load %arg7[%swap3A_677, %swap3A_678, %swap3A_679] {strides = array<i32>} : memref<2x80x512xf32, #tpu.memory_space<vmem>>, vector<1x1x16xf32>,
        %swap3A_681 = vector.shape_cast %swap3A_680 : vector<1x1x16xf32> to vector<16xf32>
        %swap3A_682 = vector.shape_cast %broadcast_in_dim3A_349 : vector<16xf32> to vector<1x1x16xf32>
        tpu.vector_store %arg7[%swap3A_677, %swap3A_678, %swap3A_679], %swap3A_682 {strides = array<i32>} : memref<2x80x512xf32, #tpu.memory_space<vmem>>, vector<1x1x16xf32>,
      }
      %while3A_361 = arith.constant 1 : i32
      scf.for %while3A_363 = %while3A_359 to %while3A_355 step %while3A_361  : i32 {
        %add3A_364 = arith.constant 32 : i32
        %add3A_365 = arith.addi %sub3A_334, %add3A_364 : i32
        %add3A_366 = arith.addi %add3A_365, %while3A_363 : i32
        %swap3A = arith.constant 1 : i32
        %swap3A_367 = arith.index_cast %swap3A : i32 to index
        %swap3A_368 = arith.index_cast %add3A_366 : i32 to index
        %swap3A_369 = arith.constant 0 : index
        %swap3A_370 = tpu.vector_load %arg7[%swap3A_367, %swap3A_368, %swap3A_369] {strides = array<i32>} : memref<2x80x512xf32, #tpu.memory_space<vmem>>, vector<1x1x16xf32>,
        %swap3A_371 = vector.shape_cast %swap3A_370 : vector<1x1x16xf32> to vector<16xf32>
        %swap3A_372 = vector.shape_cast %broadcast_in_dim3A_349 : vector<16xf32> to vector<1x1x16xf32>
        tpu.vector_store %arg7[%swap3A_367, %swap3A_368, %swap3A_369], %swap3A_372 {strides = array<i32>} : memref<2x80x512xf32, #tpu.memory_space<vmem>>, vector<1x1x16xf32>,
        %add3A_373 = arith.constant 32 : i32
        %add3A_374 = arith.addi %sub3A_334, %add3A_373 : i32
        %add3A_375 = arith.addi %add3A_374, %while3A_363 : i32
        %swap3A_376 = arith.constant 1 : i32
        %swap3A_377 = arith.index_cast %swap3A_376 : i32 to index
        %swap3A_378 = arith.index_cast %add3A_375 : i32 to index
        %swap3A_379 = arith.constant 16 : index
        %swap3A_380 = tpu.vector_load %arg7[%swap3A_377, %swap3A_378, %swap3A_379] {strides = array<i32>} : memref<2x80x512xf32, #tpu.memory_space<vmem>>, vector<1x1x16xf32>,
        %swap3A_381 = vector.shape_cast %swap3A_380 : vector<1x1x16xf32> to vector<16xf32>
        %swap3A_382 = vector.shape_cast %broadcast_in_dim3A_349 : vector<16xf32> to vector<1x1x16xf32>
        tpu.vector_store %arg7[%swap3A_377, %swap3A_378, %swap3A_379], %swap3A_382 {strides = array<i32>} : memref<2x80x512xf32, #tpu.memory_space<vmem>>, vector<1x1x16xf32>,
        %add3A_383 = arith.constant 32 : i32
        %add3A_384 = arith.addi %sub3A_334, %add3A_383 : i32
        %add3A_385 = arith.addi %add3A_384, %while3A_363 : i32
        %swap3A_386 = arith.constant 1 : i32
        %swap3A_387 = arith.index_cast %swap3A_386 : i32 to index
        %swap3A_388 = arith.index_cast %add3A_385 : i32 to index
        %swap3A_389 = arith.constant 32 : index
        %swap3A_390 = tpu.vector_load %arg7[%swap3A_387, %swap3A_388, %swap3A_389] {strides = array<i32>} : memref<2x80x512xf32, #tpu.memory_space<vmem>>, vector<1x1x16xf32>,
        %swap3A_391 = vector.shape_cast %swap3A_390 : vector<1x1x16xf32> to vector<16xf32>
        %swap3A_392 = vector.shape_cast %broadcast_in_dim3A_349 : vector<16xf32> to vector<1x1x16xf32>
        tpu.vector_store %arg7[%swap3A_387, %swap3A_388, %swap3A_389], %swap3A_392 {strides = array<i32>} : memref<2x80x512xf32, #tpu.memory_space<vmem>>, vector<1x1x16xf32>,
        %add3A_393 = arith.constant 32 : i32
        %add3A_394 = arith.addi %sub3A_334, %add3A_393 : i32
        %add3A_395 = arith.addi %add3A_394, %while3A_363 : i32
        %swap3A_396 = arith.constant 1 : i32
        %swap3A_397 = arith.index_cast %swap3A_396 : i32 to index
        %swap3A_398 = arith.index_cast %add3A_395 : i32 to index
        %swap3A_399 = arith.constant 48 : index
        %swap3A_400 = tpu.vector_load %arg7[%swap3A_397, %swap3A_398, %swap3A_399] {strides = array<i32>} : memref<2x80x512xf32, #tpu.memory_space<vmem>>, vector<1x1x16xf32>,
        %swap3A_401 = vector.shape_cast %swap3A_400 : vector<1x1x16xf32> to vector<16xf32>
        %swap3A_402 = vector.shape_cast %broadcast_in_dim3A_349 : vector<16xf32> to vector<1x1x16xf32>
        tpu.vector_store %arg7[%swap3A_397, %swap3A_398, %swap3A_399], %swap3A_402 {strides = array<i32>} : memref<2x80x512xf32, #tpu.memory_space<vmem>>, vector<1x1x16xf32>,
        %add3A_403 = arith.constant 32 : i32
        %add3A_404 = arith.addi %sub3A_334, %add3A_403 : i32
        %add3A_405 = arith.addi %add3A_404, %while3A_363 : i32
        %swap3A_406 = arith.constant 1 : i32
        %swap3A_407 = arith.index_cast %swap3A_406 : i32 to index
        %swap3A_408 = arith.index_cast %add3A_405 : i32 to index
        %swap3A_409 = arith.constant 64 : index
        %swap3A_410 = tpu.vector_load %arg7[%swap3A_407, %swap3A_408, %swap3A_409] {strides = array<i32>} : memref<2x80x512xf32, #tpu.memory_space<vmem>>, vector<1x1x16xf32>,
        %swap3A_411 = vector.shape_cast %swap3A_410 : vector<1x1x16xf32> to vector<16xf32>
        %swap3A_412 = vector.shape_cast %broadcast_in_dim3A_349 : vector<16xf32> to vector<1x1x16xf32>
        tpu.vector_store %arg7[%swap3A_407, %swap3A_408, %swap3A_409], %swap3A_412 {strides = array<i32>} : memref<2x80x512xf32, #tpu.memory_space<vmem>>, vector<1x1x16xf32>,
        %add3A_413 = arith.constant 32 : i32
        %add3A_414 = arith.addi %sub3A_334, %add3A_413 : i32
        %add3A_415 = arith.addi %add3A_414, %while3A_363 : i32
        %swap3A_416 = arith.constant 1 : i32
        %swap3A_417 = arith.index_cast %swap3A_416 : i32 to index
        %swap3A_418 = arith.index_cast %add3A_415 : i32 to index
        %swap3A_419 = arith.constant 80 : index
        %swap3A_420 = tpu.vector_load %arg7[%swap3A_417, %swap3A_418, %swap3A_419] {strides = array<i32>} : memref<2x80x512xf32, #tpu.memory_space<vmem>>, vector<1x1x16xf32>,
        %swap3A_421 = vector.shape_cast %swap3A_420 : vector<1x1x16xf32> to vector<16xf32>
        %swap3A_422 = vector.shape_cast %broadcast_in_dim3A_349 : vector<16xf32> to vector<1x1x16xf32>
        tpu.vector_store %arg7[%swap3A_417, %swap3A_418, %swap3A_419], %swap3A_422 {strides = array<i32>} : memref<2x80x512xf32, #tpu.memory_space<vmem>>, vector<1x1x16xf32>,
        %add3A_423 = arith.constant 32 : i32
        %add3A_424 = arith.addi %sub3A_334, %add3A_423 : i32
        %add3A_425 = arith.addi %add3A_424, %while3A_363 : i32
        %swap3A_426 = arith.constant 1 : i32
        %swap3A_427 = arith.index_cast %swap3A_426 : i32 to index
        %swap3A_428 = arith.index_cast %add3A_425 : i32 to index
        %swap3A_429 = arith.constant 96 : index
        %swap3A_430 = tpu.vector_load %arg7[%swap3A_427, %swap3A_428, %swap3A_429] {strides = array<i32>} : memref<2x80x512xf32, #tpu.memory_space<vmem>>, vector<1x1x16xf32>,
        %swap3A_431 = vector.shape_cast %swap3A_430 : vector<1x1x16xf32> to vector<16xf32>
        %swap3A_432 = vector.shape_cast %broadcast_in_dim3A_349 : vector<16xf32> to vector<1x1x16xf32>
        tpu.vector_store %arg7[%swap3A_427, %swap3A_428, %swap3A_429], %swap3A_432 {strides = array<i32>} : memref<2x80x512xf32, #tpu.memory_space<vmem>>, vector<1x1x16xf32>,
        %add3A_433 = arith.constant 32 : i32
        %add3A_434 = arith.addi %sub3A_334, %add3A_433 : i32
        %add3A_435 = arith.addi %add3A_434, %while3A_363 : i32
        %swap3A_436 = arith.constant 1 : i32
        %swap3A_437 = arith.index_cast %swap3A_436 : i32 to index
        %swap3A_438 = arith.index_cast %add3A_435 : i32 to index
        %swap3A_439 = arith.constant 112 : index
        %swap3A_440 = tpu.vector_load %arg7[%swap3A_437, %swap3A_438, %swap3A_439] {strides = array<i32>} : memref<2x80x512xf32, #tpu.memory_space<vmem>>, vector<1x1x16xf32>,
        %swap3A_441 = vector.shape_cast %swap3A_440 : vector<1x1x16xf32> to vector<16xf32>
        %swap3A_442 = vector.shape_cast %broadcast_in_dim3A_349 : vector<16xf32> to vector<1x1x16xf32>
        tpu.vector_store %arg7[%swap3A_437, %swap3A_438, %swap3A_439], %swap3A_442 {strides = array<i32>} : memref<2x80x512xf32, #tpu.memory_space<vmem>>, vector<1x1x16xf32>,
        %add3A_443 = arith.constant 32 : i32
        %add3A_444 = arith.addi %sub3A_334, %add3A_443 : i32
        %add3A_445 = arith.addi %add3A_444, %while3A_363 : i32
        %swap3A_446 = arith.constant 1 : i32
        %swap3A_447 = arith.index_cast %swap3A_446 : i32 to index
        %swap3A_448 = arith.index_cast %add3A_445 : i32 to index
        %swap3A_449 = arith.constant 128 : index
        %swap3A_450 = tpu.vector_load %arg7[%swap3A_447, %swap3A_448, %swap3A_449] {strides = array<i32>} : memref<2x80x512xf32, #tpu.memory_space<vmem>>, vector<1x1x16xf32>,
        %swap3A_451 = vector.shape_cast %swap3A_450 : vector<1x1x16xf32> to vector<16xf32>
        %swap3A_452 = vector.shape_cast %broadcast_in_dim3A_349 : vector<16xf32> to vector<1x1x16xf32>
        tpu.vector_store %arg7[%swap3A_447, %swap3A_448, %swap3A_449], %swap3A_452 {strides = array<i32>} : memref<2x80x512xf32, #tpu.memory_space<vmem>>, vector<1x1x16xf32>,
        %add3A_453 = arith.constant 32 : i32
        %add3A_454 = arith.addi %sub3A_334, %add3A_453 : i32
        %add3A_455 = arith.addi %add3A_454, %while3A_363 : i32
        %swap3A_456 = arith.constant 1 : i32
        %swap3A_457 = arith.index_cast %swap3A_456 : i32 to index
        %swap3A_458 = arith.index_cast %add3A_455 : i32 to index
        %swap3A_459 = arith.constant 144 : index
        %swap3A_460 = tpu.vector_load %arg7[%swap3A_457, %swap3A_458, %swap3A_459] {strides = array<i32>} : memref<2x80x512xf32, #tpu.memory_space<vmem>>, vector<1x1x16xf32>,
        %swap3A_461 = vector.shape_cast %swap3A_460 : vector<1x1x16xf32> to vector<16xf32>
        %swap3A_462 = vector.shape_cast %broadcast_in_dim3A_349 : vector<16xf32> to vector<1x1x16xf32>
        tpu.vector_store %arg7[%swap3A_457, %swap3A_458, %swap3A_459], %swap3A_462 {strides = array<i32>} : memref<2x80x512xf32, #tpu.memory_space<vmem>>, vector<1x1x16xf32>,
        %add3A_463 = arith.constant 32 : i32
        %add3A_464 = arith.addi %sub3A_334, %add3A_463 : i32
        %add3A_465 = arith.addi %add3A_464, %while3A_363 : i32
        %swap3A_466 = arith.constant 1 : i32
        %swap3A_467 = arith.index_cast %swap3A_466 : i32 to index
        %swap3A_468 = arith.index_cast %add3A_465 : i32 to index
        %swap3A_469 = arith.constant 160 : index
        %swap3A_470 = tpu.vector_load %arg7[%swap3A_467, %swap3A_468, %swap3A_469] {strides = array<i32>} : memref<2x80x512xf32, #tpu.memory_space<vmem>>, vector<1x1x16xf32>,
        %swap3A_471 = vector.shape_cast %swap3A_470 : vector<1x1x16xf32> to vector<16xf32>
        %swap3A_472 = vector.shape_cast %broadcast_in_dim3A_349 : vector<16xf32> to vector<1x1x16xf32>
        tpu.vector_store %arg7[%swap3A_467, %swap3A_468, %swap3A_469], %swap3A_472 {strides = array<i32>} : memref<2x80x512xf32, #tpu.memory_space<vmem>>, vector<1x1x16xf32>,
        %add3A_473 = arith.constant 32 : i32
        %add3A_474 = arith.addi %sub3A_334, %add3A_473 : i32
        %add3A_475 = arith.addi %add3A_474, %while3A_363 : i32
        %swap3A_476 = arith.constant 1 : i32
        %swap3A_477 = arith.index_cast %swap3A_476 : i32 to index
        %swap3A_478 = arith.index_cast %add3A_475 : i32 to index
        %swap3A_479 = arith.constant 176 : index
        %swap3A_480 = tpu.vector_load %arg7[%swap3A_477, %swap3A_478, %swap3A_479] {strides = array<i32>} : memref<2x80x512xf32, #tpu.memory_space<vmem>>, vector<1x1x16xf32>,
        %swap3A_481 = vector.shape_cast %swap3A_480 : vector<1x1x16xf32> to vector<16xf32>
        %swap3A_482 = vector.shape_cast %broadcast_in_dim3A_349 : vector<16xf32> to vector<1x1x16xf32>
        tpu.vector_store %arg7[%swap3A_477, %swap3A_478, %swap3A_479], %swap3A_482 {strides = array<i32>} : memref<2x80x512xf32, #tpu.memory_space<vmem>>, vector<1x1x16xf32>,
        %add3A_483 = arith.constant 32 : i32
        %add3A_484 = arith.addi %sub3A_334, %add3A_483 : i32
        %add3A_485 = arith.addi %add3A_484, %while3A_363 : i32
        %swap3A_486 = arith.constant 1 : i32
        %swap3A_487 = arith.index_cast %swap3A_486 : i32 to index
        %swap3A_488 = arith.index_cast %add3A_485 : i32 to index
        %swap3A_489 = arith.constant 192 : index
        %swap3A_490 = tpu.vector_load %arg7[%swap3A_487, %swap3A_488, %swap3A_489] {strides = array<i32>} : memref<2x80x512xf32, #tpu.memory_space<vmem>>, vector<1x1x16xf32>,
        %swap3A_491 = vector.shape_cast %swap3A_490 : vector<1x1x16xf32> to vector<16xf32>
        %swap3A_492 = vector.shape_cast %broadcast_in_dim3A_349 : vector<16xf32> to vector<1x1x16xf32>
        tpu.vector_store %arg7[%swap3A_487, %swap3A_488, %swap3A_489], %swap3A_492 {strides = array<i32>} : memref<2x80x512xf32, #tpu.memory_space<vmem>>, vector<1x1x16xf32>,
        %add3A_493 = arith.constant 32 : i32
        %add3A_494 = arith.addi %sub3A_334, %add3A_493 : i32
        %add3A_495 = arith.addi %add3A_494, %while3A_363 : i32
        %swap3A_496 = arith.constant 1 : i32
        %swap3A_497 = arith.index_cast %swap3A_496 : i32 to index
        %swap3A_498 = arith.index_cast %add3A_495 : i32 to index
        %swap3A_499 = arith.constant 208 : index
        %swap3A_500 = tpu.vector_load %arg7[%swap3A_497, %swap3A_498, %swap3A_499] {strides = array<i32>} : memref<2x80x512xf32, #tpu.memory_space<vmem>>, vector<1x1x16xf32>,
        %swap3A_501 = vector.shape_cast %swap3A_500 : vector<1x1x16xf32> to vector<16xf32>
        %swap3A_502 = vector.shape_cast %broadcast_in_dim3A_349 : vector<16xf32> to vector<1x1x16xf32>
        tpu.vector_store %arg7[%swap3A_497, %swap3A_498, %swap3A_499], %swap3A_502 {strides = array<i32>} : memref<2x80x512xf32, #tpu.memory_space<vmem>>, vector<1x1x16xf32>,
        %add3A_503 = arith.constant 32 : i32
        %add3A_504 = arith.addi %sub3A_334, %add3A_503 : i32
        %add3A_505 = arith.addi %add3A_504, %while3A_363 : i32
        %swap3A_506 = arith.constant 1 : i32
        %swap3A_507 = arith.index_cast %swap3A_506 : i32 to index
        %swap3A_508 = arith.index_cast %add3A_505 : i32 to index
        %swap3A_509 = arith.constant 224 : index
        %swap3A_510 = tpu.vector_load %arg7[%swap3A_507, %swap3A_508, %swap3A_509] {strides = array<i32>} : memref<2x80x512xf32, #tpu.memory_space<vmem>>, vector<1x1x16xf32>,
        %swap3A_511 = vector.shape_cast %swap3A_510 : vector<1x1x16xf32> to vector<16xf32>
        %swap3A_512 = vector.shape_cast %broadcast_in_dim3A_349 : vector<16xf32> to vector<1x1x16xf32>
        tpu.vector_store %arg7[%swap3A_507, %swap3A_508, %swap3A_509], %swap3A_512 {strides = array<i32>} : memref<2x80x512xf32, #tpu.memory_space<vmem>>, vector<1x1x16xf32>,
        %add3A_513 = arith.constant 32 : i32
        %add3A_514 = arith.addi %sub3A_334, %add3A_513 : i32
        %add3A_515 = arith.addi %add3A_514, %while3A_363 : i32
        %swap3A_516 = arith.constant 1 : i32
        %swap3A_517 = arith.index_cast %swap3A_516 : i32 to index
        %swap3A_518 = arith.index_cast %add3A_515 : i32 to index
        %swap3A_519 = arith.constant 240 : index
        %swap3A_520 = tpu.vector_load %arg7[%swap3A_517, %swap3A_518, %swap3A_519] {strides = array<i32>} : memref<2x80x512xf32, #tpu.memory_space<vmem>>, vector<1x1x16xf32>,
        %swap3A_521 = vector.shape_cast %swap3A_520 : vector<1x1x16xf32> to vector<16xf32>
        %swap3A_522 = vector.shape_cast %broadcast_in_dim3A_349 : vector<16xf32> to vector<1x1x16xf32>
        tpu.vector_store %arg7[%swap3A_517, %swap3A_518, %swap3A_519], %swap3A_522 {strides = array<i32>} : memref<2x80x512xf32, #tpu.memory_space<vmem>>, vector<1x1x16xf32>,
        %add3A_523 = arith.constant 32 : i32
        %add3A_524 = arith.addi %sub3A_334, %add3A_523 : i32
        %add3A_525 = arith.addi %add3A_524, %while3A_363 : i32
        %swap3A_526 = arith.constant 1 : i32
        %swap3A_527 = arith.index_cast %swap3A_526 : i32 to index
        %swap3A_528 = arith.index_cast %add3A_525 : i32 to index
        %swap3A_529 = arith.constant 256 : index
        %swap3A_530 = tpu.vector_load %arg7[%swap3A_527, %swap3A_528, %swap3A_529] {strides = array<i32>} : memref<2x80x512xf32, #tpu.memory_space<vmem>>, vector<1x1x16xf32>,
        %swap3A_531 = vector.shape_cast %swap3A_530 : vector<1x1x16xf32> to vector<16xf32>
        %swap3A_532 = vector.shape_cast %broadcast_in_dim3A_349 : vector<16xf32> to vector<1x1x16xf32>
        tpu.vector_store %arg7[%swap3A_527, %swap3A_528, %swap3A_529], %swap3A_532 {strides = array<i32>} : memref<2x80x512xf32, #tpu.memory_space<vmem>>, vector<1x1x16xf32>,
        %add3A_533 = arith.constant 32 : i32
        %add3A_534 = arith.addi %sub3A_334, %add3A_533 : i32
        %add3A_535 = arith.addi %add3A_534, %while3A_363 : i32
        %swap3A_536 = arith.constant 1 : i32
        %swap3A_537 = arith.index_cast %swap3A_536 : i32 to index
        %swap3A_538 = arith.index_cast %add3A_535 : i32 to index
        %swap3A_539 = arith.constant 272 : index
        %swap3A_540 = tpu.vector_load %arg7[%swap3A_537, %swap3A_538, %swap3A_539] {strides = array<i32>} : memref<2x80x512xf32, #tpu.memory_space<vmem>>, vector<1x1x16xf32>,
        %swap3A_541 = vector.shape_cast %swap3A_540 : vector<1x1x16xf32> to vector<16xf32>
        %swap3A_542 = vector.shape_cast %broadcast_in_dim3A_349 : vector<16xf32> to vector<1x1x16xf32>
        tpu.vector_store %arg7[%swap3A_537, %swap3A_538, %swap3A_539], %swap3A_542 {strides = array<i32>} : memref<2x80x512xf32, #tpu.memory_space<vmem>>, vector<1x1x16xf32>,
        %add3A_543 = arith.constant 32 : i32
        %add3A_544 = arith.addi %sub3A_334, %add3A_543 : i32
        %add3A_545 = arith.addi %add3A_544, %while3A_363 : i32
        %swap3A_546 = arith.constant 1 : i32
        %swap3A_547 = arith.index_cast %swap3A_546 : i32 to index
        %swap3A_548 = arith.index_cast %add3A_545 : i32 to index
        %swap3A_549 = arith.constant 288 : index
        %swap3A_550 = tpu.vector_load %arg7[%swap3A_547, %swap3A_548, %swap3A_549] {strides = array<i32>} : memref<2x80x512xf32, #tpu.memory_space<vmem>>, vector<1x1x16xf32>,
        %swap3A_551 = vector.shape_cast %swap3A_550 : vector<1x1x16xf32> to vector<16xf32>
        %swap3A_552 = vector.shape_cast %broadcast_in_dim3A_349 : vector<16xf32> to vector<1x1x16xf32>
        tpu.vector_store %arg7[%swap3A_547, %swap3A_548, %swap3A_549], %swap3A_552 {strides = array<i32>} : memref<2x80x512xf32, #tpu.memory_space<vmem>>, vector<1x1x16xf32>,
        %add3A_553 = arith.constant 32 : i32
        %add3A_554 = arith.addi %sub3A_334, %add3A_553 : i32
        %add3A_555 = arith.addi %add3A_554, %while3A_363 : i32
        %swap3A_556 = arith.constant 1 : i32
        %swap3A_557 = arith.index_cast %swap3A_556 : i32 to index
        %swap3A_558 = arith.index_cast %add3A_555 : i32 to index
        %swap3A_559 = arith.constant 304 : index
        %swap3A_560 = tpu.vector_load %arg7[%swap3A_557, %swap3A_558, %swap3A_559] {strides = array<i32>} : memref<2x80x512xf32, #tpu.memory_space<vmem>>, vector<1x1x16xf32>,
        %swap3A_561 = vector.shape_cast %swap3A_560 : vector<1x1x16xf32> to vector<16xf32>
        %swap3A_562 = vector.shape_cast %broadcast_in_dim3A_349 : vector<16xf32> to vector<1x1x16xf32>
        tpu.vector_store %arg7[%swap3A_557, %swap3A_558, %swap3A_559], %swap3A_562 {strides = array<i32>} : memref<2x80x512xf32, #tpu.memory_space<vmem>>, vector<1x1x16xf32>,
        %add3A_563 = arith.constant 32 : i32
        %add3A_564 = arith.addi %sub3A_334, %add3A_563 : i32
        %add3A_565 = arith.addi %add3A_564, %while3A_363 : i32
        %swap3A_566 = arith.constant 1 : i32
        %swap3A_567 = arith.index_cast %swap3A_566 : i32 to index
        %swap3A_568 = arith.index_cast %add3A_565 : i32 to index
        %swap3A_569 = arith.constant 320 : index
        %swap3A_570 = tpu.vector_load %arg7[%swap3A_567, %swap3A_568, %swap3A_569] {strides = array<i32>} : memref<2x80x512xf32, #tpu.memory_space<vmem>>, vector<1x1x16xf32>,
        %swap3A_571 = vector.shape_cast %swap3A_570 : vector<1x1x16xf32> to vector<16xf32>
        %swap3A_572 = vector.shape_cast %broadcast_in_dim3A_349 : vector<16xf32> to vector<1x1x16xf32>
        tpu.vector_store %arg7[%swap3A_567, %swap3A_568, %swap3A_569], %swap3A_572 {strides = array<i32>} : memref<2x80x512xf32, #tpu.memory_space<vmem>>, vector<1x1x16xf32>,
        %add3A_573 = arith.constant 32 : i32
        %add3A_574 = arith.addi %sub3A_334, %add3A_573 : i32
        %add3A_575 = arith.addi %add3A_574, %while3A_363 : i32
        %swap3A_576 = arith.constant 1 : i32
        %swap3A_577 = arith.index_cast %swap3A_576 : i32 to index
        %swap3A_578 = arith.index_cast %add3A_575 : i32 to index
        %swap3A_579 = arith.constant 336 : index
        %swap3A_580 = tpu.vector_load %arg7[%swap3A_577, %swap3A_578, %swap3A_579] {strides = array<i32>} : memref<2x80x512xf32, #tpu.memory_space<vmem>>, vector<1x1x16xf32>,
        %swap3A_581 = vector.shape_cast %swap3A_580 : vector<1x1x16xf32> to vector<16xf32>
        %swap3A_582 = vector.shape_cast %broadcast_in_dim3A_349 : vector<16xf32> to vector<1x1x16xf32>
        tpu.vector_store %arg7[%swap3A_577, %swap3A_578, %swap3A_579], %swap3A_582 {strides = array<i32>} : memref<2x80x512xf32, #tpu.memory_space<vmem>>, vector<1x1x16xf32>,
        %add3A_583 = arith.constant 32 : i32
        %add3A_584 = arith.addi %sub3A_334, %add3A_583 : i32
        %add3A_585 = arith.addi %add3A_584, %while3A_363 : i32
        %swap3A_586 = arith.constant 1 : i32
        %swap3A_587 = arith.index_cast %swap3A_586 : i32 to index
        %swap3A_588 = arith.index_cast %add3A_585 : i32 to index
        %swap3A_589 = arith.constant 352 : index
        %swap3A_590 = tpu.vector_load %arg7[%swap3A_587, %swap3A_588, %swap3A_589] {strides = array<i32>} : memref<2x80x512xf32, #tpu.memory_space<vmem>>, vector<1x1x16xf32>,
        %swap3A_591 = vector.shape_cast %swap3A_590 : vector<1x1x16xf32> to vector<16xf32>
        %swap3A_592 = vector.shape_cast %broadcast_in_dim3A_349 : vector<16xf32> to vector<1x1x16xf32>
        tpu.vector_store %arg7[%swap3A_587, %swap3A_588, %swap3A_589], %swap3A_592 {strides = array<i32>} : memref<2x80x512xf32, #tpu.memory_space<vmem>>, vector<1x1x16xf32>,
        %add3A_593 = arith.constant 32 : i32
        %add3A_594 = arith.addi %sub3A_334, %add3A_593 : i32
        %add3A_595 = arith.addi %add3A_594, %while3A_363 : i32
        %swap3A_596 = arith.constant 1 : i32
        %swap3A_597 = arith.index_cast %swap3A_596 : i32 to index
        %swap3A_598 = arith.index_cast %add3A_595 : i32 to index
        %swap3A_599 = arith.constant 368 : index
        %swap3A_600 = tpu.vector_load %arg7[%swap3A_597, %swap3A_598, %swap3A_599] {strides = array<i32>} : memref<2x80x512xf32, #tpu.memory_space<vmem>>, vector<1x1x16xf32>,
        %swap3A_601 = vector.shape_cast %swap3A_600 : vector<1x1x16xf32> to vector<16xf32>
        %swap3A_602 = vector.shape_cast %broadcast_in_dim3A_349 : vector<16xf32> to vector<1x1x16xf32>
        tpu.vector_store %arg7[%swap3A_597, %swap3A_598, %swap3A_599], %swap3A_602 {strides = array<i32>} : memref<2x80x512xf32, #tpu.memory_space<vmem>>, vector<1x1x16xf32>,
        %add3A_603 = arith.constant 32 : i32
        %add3A_604 = arith.addi %sub3A_334, %add3A_603 : i32
        %add3A_605 = arith.addi %add3A_604, %while3A_363 : i32
        %swap3A_606 = arith.constant 1 : i32
        %swap3A_607 = arith.index_cast %swap3A_606 : i32 to index
        %swap3A_608 = arith.index_cast %add3A_605 : i32 to index
        %swap3A_609 = arith.constant 384 : index
        %swap3A_610 = tpu.vector_load %arg7[%swap3A_607, %swap3A_608, %swap3A_609] {strides = array<i32>} : memref<2x80x512xf32, #tpu.memory_space<vmem>>, vector<1x1x16xf32>,
        %swap3A_611 = vector.shape_cast %swap3A_610 : vector<1x1x16xf32> to vector<16xf32>
        %swap3A_612 = vector.shape_cast %broadcast_in_dim3A_349 : vector<16xf32> to vector<1x1x16xf32>
        tpu.vector_store %arg7[%swap3A_607, %swap3A_608, %swap3A_609], %swap3A_612 {strides = array<i32>} : memref<2x80x512xf32, #tpu.memory_space<vmem>>, vector<1x1x16xf32>,
        %add3A_613 = arith.constant 32 : i32
        %add3A_614 = arith.addi %sub3A_334, %add3A_613 : i32
        %add3A_615 = arith.addi %add3A_614, %while3A_363 : i32
        %swap3A_616 = arith.constant 1 : i32
        %swap3A_617 = arith.index_cast %swap3A_616 : i32 to index
        %swap3A_618 = arith.index_cast %add3A_615 : i32 to index
        %swap3A_619 = arith.constant 400 : index
        %swap3A_620 = tpu.vector_load %arg7[%swap3A_617, %swap3A_618, %swap3A_619] {strides = array<i32>} : memref<2x80x512xf32, #tpu.memory_space<vmem>>, vector<1x1x16xf32>,
        %swap3A_621 = vector.shape_cast %swap3A_620 : vector<1x1x16xf32> to vector<16xf32>
        %swap3A_622 = vector.shape_cast %broadcast_in_dim3A_349 : vector<16xf32> to vector<1x1x16xf32>
        tpu.vector_store %arg7[%swap3A_617, %swap3A_618, %swap3A_619], %swap3A_622 {strides = array<i32>} : memref<2x80x512xf32, #tpu.memory_space<vmem>>, vector<1x1x16xf32>,
        %add3A_623 = arith.constant 32 : i32
        %add3A_624 = arith.addi %sub3A_334, %add3A_623 : i32
        %add3A_625 = arith.addi %add3A_624, %while3A_363 : i32
        %swap3A_626 = arith.constant 1 : i32
        %swap3A_627 = arith.index_cast %swap3A_626 : i32 to index
        %swap3A_628 = arith.index_cast %add3A_625 : i32 to index
        %swap3A_629 = arith.constant 416 : index
        %swap3A_630 = tpu.vector_load %arg7[%swap3A_627, %swap3A_628, %swap3A_629] {strides = array<i32>} : memref<2x80x512xf32, #tpu.memory_space<vmem>>, vector<1x1x16xf32>,
        %swap3A_631 = vector.shape_cast %swap3A_630 : vector<1x1x16xf32> to vector<16xf32>
        %swap3A_632 = vector.shape_cast %broadcast_in_dim3A_349 : vector<16xf32> to vector<1x1x16xf32>
        tpu.vector_store %arg7[%swap3A_627, %swap3A_628, %swap3A_629], %swap3A_632 {strides = array<i32>} : memref<2x80x512xf32, #tpu.memory_space<vmem>>, vector<1x1x16xf32>,
        %add3A_633 = arith.constant 32 : i32
        %add3A_634 = arith.addi %sub3A_334, %add3A_633 : i32
        %add3A_635 = arith.addi %add3A_634, %while3A_363 : i32
        %swap3A_636 = arith.constant 1 : i32
        %swap3A_637 = arith.index_cast %swap3A_636 : i32 to index
        %swap3A_638 = arith.index_cast %add3A_635 : i32 to index
        %swap3A_639 = arith.constant 432 : index
        %swap3A_640 = tpu.vector_load %arg7[%swap3A_637, %swap3A_638, %swap3A_639] {strides = array<i32>} : memref<2x80x512xf32, #tpu.memory_space<vmem>>, vector<1x1x16xf32>,
        %swap3A_641 = vector.shape_cast %swap3A_640 : vector<1x1x16xf32> to vector<16xf32>
        %swap3A_642 = vector.shape_cast %broadcast_in_dim3A_349 : vector<16xf32> to vector<1x1x16xf32>
        tpu.vector_store %arg7[%swap3A_637, %swap3A_638, %swap3A_639], %swap3A_642 {strides = array<i32>} : memref<2x80x512xf32, #tpu.memory_space<vmem>>, vector<1x1x16xf32>,
        %add3A_643 = arith.constant 32 : i32
        %add3A_644 = arith.addi %sub3A_334, %add3A_643 : i32
        %add3A_645 = arith.addi %add3A_644, %while3A_363 : i32
        %swap3A_646 = arith.constant 1 : i32
        %swap3A_647 = arith.index_cast %swap3A_646 : i32 to index
        %swap3A_648 = arith.index_cast %add3A_645 : i32 to index
        %swap3A_649 = arith.constant 448 : index
        %swap3A_650 = tpu.vector_load %arg7[%swap3A_647, %swap3A_648, %swap3A_649] {strides = array<i32>} : memref<2x80x512xf32, #tpu.memory_space<vmem>>, vector<1x1x16xf32>,
        %swap3A_651 = vector.shape_cast %swap3A_650 : vector<1x1x16xf32> to vector<16xf32>
        %swap3A_652 = vector.shape_cast %broadcast_in_dim3A_349 : vector<16xf32> to vector<1x1x16xf32>
        tpu.vector_store %arg7[%swap3A_647, %swap3A_648, %swap3A_649], %swap3A_652 {strides = array<i32>} : memref<2x80x512xf32, #tpu.memory_space<vmem>>, vector<1x1x16xf32>,
        %add3A_653 = arith.constant 32 : i32
        %add3A_654 = arith.addi %sub3A_334, %add3A_653 : i32
        %add3A_655 = arith.addi %add3A_654, %while3A_363 : i32
        %swap3A_656 = arith.constant 1 : i32
        %swap3A_657 = arith.index_cast %swap3A_656 : i32 to index
        %swap3A_658 = arith.index_cast %add3A_655 : i32 to index
        %swap3A_659 = arith.constant 464 : index
        %swap3A_660 = tpu.vector_load %arg7[%swap3A_657, %swap3A_658, %swap3A_659] {strides = array<i32>} : memref<2x80x512xf32, #tpu.memory_space<vmem>>, vector<1x1x16xf32>,
        %swap3A_661 = vector.shape_cast %swap3A_660 : vector<1x1x16xf32> to vector<16xf32>
        %swap3A_662 = vector.shape_cast %broadcast_in_dim3A_349 : vector<16xf32> to vector<1x1x16xf32>
        tpu.vector_store %arg7[%swap3A_657, %swap3A_658, %swap3A_659], %swap3A_662 {strides = array<i32>} : memref<2x80x512xf32, #tpu.memory_space<vmem>>, vector<1x1x16xf32>,
        %add3A_663 = arith.constant 32 : i32
        %add3A_664 = arith.addi %sub3A_334, %add3A_663 : i32
        %add3A_665 = arith.addi %add3A_664, %while3A_363 : i32
        %swap3A_666 = arith.constant 1 : i32
        %swap3A_667 = arith.index_cast %swap3A_666 : i32 to index
        %swap3A_668 = arith.index_cast %add3A_665 : i32 to index
        %swap3A_669 = arith.constant 480 : index
        %swap3A_670 = tpu.vector_load %arg7[%swap3A_667, %swap3A_668, %swap3A_669] {strides = array<i32>} : memref<2x80x512xf32, #tpu.memory_space<vmem>>, vector<1x1x16xf32>,
        %swap3A_671 = vector.shape_cast %swap3A_670 : vector<1x1x16xf32> to vector<16xf32>
        %swap3A_672 = vector.shape_cast %broadcast_in_dim3A_349 : vector<16xf32> to vector<1x1x16xf32>
        tpu.vector_store %arg7[%swap3A_667, %swap3A_668, %swap3A_669], %swap3A_672 {strides = array<i32>} : memref<2x80x512xf32, #tpu.memory_space<vmem>>, vector<1x1x16xf32>,
        %add3A_673 = arith.constant 32 : i32
        %add3A_674 = arith.addi %sub3A_334, %add3A_673 : i32
        %add3A_675 = arith.addi %add3A_674, %while3A_363 : i32
        %swap3A_676 = arith.constant 1 : i32
        %swap3A_677 = arith.index_cast %swap3A_676 : i32 to index
        %swap3A_678 = arith.index_cast %add3A_675 : i32 to index
        %swap3A_679 = arith.constant 496 : index
        %swap3A_680 = tpu.vector_load %arg7[%swap3A_677, %swap3A_678, %swap3A_679] {strides = array<i32>} : memref<2x80x512xf32, #tpu.memory_space<vmem>>, vector<1x1x16xf32>,
        %swap3A_681 = vector.shape_cast %swap3A_680 : vector<1x1x16xf32> to vector<16xf32>
        %swap3A_682 = vector.shape_cast %broadcast_in_dim3A_349 : vector<16xf32> to vector<1x1x16xf32>
        tpu.vector_store %arg7[%swap3A_677, %swap3A_678, %swap3A_679], %swap3A_682 {strides = array<i32>} : memref<2x80x512xf32, #tpu.memory_space<vmem>>, vector<1x1x16xf32>,
      }
      %run_scoped3A_362 = arith.constant 1 : i32
      "tpu.region"() ({
        %run_scoped3A_363 = tpu.sem_alloc : memref<!tpu.dma_semaphore, #tpu.memory_space<semaphore_mem>>
        %dma_start3A = arith.constant 0 : i32
        %dma_start3A_364 = arith.constant 0 : i32
        %dma_start3A_365 = tpu.memref_slice %arg7[%run_scoped3A_362, %dma_start3A, %dma_start3A_364] : memref<2x80x512xf32, #tpu.memory_space<vmem>> -> memref<1x80x512xf32, #tpu.memory_space<vmem>>
        %dma_start3A_366 = tpu.memref_squeeze %dma_start3A_365 : memref<1x80x512xf32, #tpu.memory_space<vmem>> -> memref<80x512xf32, #tpu.memory_space<vmem>>
        %dma_start3A_367 = arith.constant 0 : i32
        %dma_start3A_368 = tpu.memref_slice %arg6[%select_n3A_9, %multiple_of3A, %dma_start3A_367] : memref<16x2080x512xf32, #tpu.memory_space<hbm>> -> memref<1x80x512xf32, #tpu.memory_space<hbm>>
        %dma_start3A_369 = tpu.memref_squeeze %dma_start3A_368 : memref<1x80x512xf32, #tpu.memory_space<hbm>> -> memref<80x512xf32, #tpu.memory_space<hbm>>
        %dma_start3A_370 = arith.constant 0 : i32
        %dma_start3A_371 = tpu.memref_slice %arg6[%select_n3A_9, %multiple_of3A, %dma_start3A_370] : memref<16x2080x512xf32, #tpu.memory_space<hbm>> -> memref<1x80x512xf32, #tpu.memory_space<hbm>>
        %dma_start3A_372 = tpu.memref_squeeze %dma_start3A_371 : memref<1x80x512xf32, #tpu.memory_space<hbm>> -> memref<80x512xf32, #tpu.memory_space<hbm>>
        %dma_start3A_373 = arith.constant 0 : i32
        %dma_start3A_374 = arith.constant 0 : i32
        %dma_start3A_375 = tpu.memref_slice %arg7[%run_scoped3A_362, %dma_start3A_373, %dma_start3A_374] : memref<2x80x512xf32, #tpu.memory_space<vmem>> -> memref<1x80x512xf32, #tpu.memory_space<vmem>>
        %dma_start3A_376 = tpu.memref_squeeze %dma_start3A_375 : memref<1x80x512xf32, #tpu.memory_space<vmem>> -> memref<80x512xf32, #tpu.memory_space<vmem>>
        tpu.enqueue_dma source(%dma_start3A_376 : memref<80x512xf32, #tpu.memory_space<vmem>>) target(%dma_start3A_372 : memref<80x512xf32, #tpu.memory_space<hbm>>) target_semaphore(%run_scoped3A_363 : memref<!tpu.dma_semaphore, #tpu.memory_space<semaphore_mem>>)
        %dma_wait3A = arith.constant 0 : i32
        %dma_wait3A_377 = arith.constant 0 : i32
        %dma_wait3A_378 = tpu.memref_slice %arg7[%run_scoped3A_362, %dma_wait3A, %dma_wait3A_377] : memref<2x80x512xf32, #tpu.memory_space<vmem>> -> memref<1x80x512xf32, #tpu.memory_space<vmem>>
        %dma_wait3A_379 = tpu.memref_squeeze %dma_wait3A_378 : memref<1x80x512xf32, #tpu.memory_space<vmem>> -> memref<80x512xf32, #tpu.memory_space<vmem>>
        %dma_wait3A_380 = arith.constant 0 : i32
        %dma_wait3A_381 = tpu.memref_slice %arg6[%select_n3A_9, %multiple_of3A, %dma_wait3A_380] : memref<16x2080x512xf32, #tpu.memory_space<hbm>> -> memref<1x80x512xf32, #tpu.memory_space<hbm>>
        %dma_wait3A_382 = tpu.memref_squeeze %dma_wait3A_381 : memref<1x80x512xf32, #tpu.memory_space<hbm>> -> memref<80x512xf32, #tpu.memory_space<hbm>>
        %dma_wait3A_383 = arith.constant 0 : i32
        %dma_wait3A_384 = tpu.memref_slice %arg6[%select_n3A_9, %multiple_of3A, %dma_wait3A_383] : memref<16x2080x512xf32, #tpu.memory_space<hbm>> -> memref<1x80x512xf32, #tpu.memory_space<hbm>>
        %dma_wait3A_385 = tpu.memref_squeeze %dma_wait3A_384 : memref<1x80x512xf32, #tpu.memory_space<hbm>> -> memref<80x512xf32, #tpu.memory_space<hbm>>
        %dma_wait3A_386 = arith.constant 0 : i32
        %dma_wait3A_387 = arith.constant 0 : i32
        %dma_wait3A_388 = tpu.memref_slice %arg7[%run_scoped3A_362, %dma_wait3A_386, %dma_wait3A_387] : memref<2x80x512xf32, #tpu.memory_space<vmem>> -> memref<1x80x512xf32, #tpu.memory_space<vmem>>
        %dma_wait3A_389 = tpu.memref_squeeze %dma_wait3A_388 : memref<1x80x512xf32, #tpu.memory_space<vmem>> -> memref<80x512xf32, #tpu.memory_space<vmem>>
        tpu.wait_dma2 semaphore(%run_scoped3A_363 : memref<!tpu.dma_semaphore, #tpu.memory_space<semaphore_mem>>) src(%dma_wait3A_389 : memref<80x512xf32, #tpu.memory_space<vmem>>) dst(%dma_wait3A_385 : memref<80x512xf32, #tpu.memory_space<hbm>>)
        tpu.yield
      }) : () -> ()
    } else {
    }
    %gt3A_260 = arith.constant 0 : i32
    %gt3A_261 = arith.cmpi sgt, %mul3A_129, %gt3A_260 : i32
    %add3A_262 = arith.addi %add3A_102, %mul3A_129 : i32
    %and3A_263 = arith.constant 8 : i32
    %and3A_264 = arith.andi %select_n3A_154, %and3A_263 : i32
    %mul3A_265 = arith.constant 40 : i32
    %mul3A_266 = arith.muli %and3A_264, %mul3A_265 : i32
    %gt3A_267 = arith.constant 0 : i32
    %gt3A_268 = arith.cmpi sgt, %mul3A_266, %gt3A_267 : i32
    %add3A_269 = arith.addi %add3A_262, %mul3A_266 : i32
    %and3A_270 = arith.constant 4 : i32
    %and3A_271 = arith.andi %select_n3A_154, %and3A_270 : i32
    %mul3A_272 = arith.constant 40 : i32
    %mul3A_273 = arith.muli %and3A_271, %mul3A_272 : i32
    %gt3A_274 = arith.constant 0 : i32
    %gt3A_275 = arith.cmpi sgt, %mul3A_273, %gt3A_274 : i32
    %add3A_276 = arith.addi %add3A_269, %mul3A_273 : i32
    %and3A_277 = arith.constant 2 : i32
    %and3A_278 = arith.andi %select_n3A_154, %and3A_277 : i32
    %mul3A_279 = arith.constant 40 : i32
    %mul3A_280 = arith.muli %and3A_278, %mul3A_279 : i32
    %gt3A_281 = arith.constant 0 : i32
    %gt3A_282 = arith.cmpi sgt, %mul3A_280, %gt3A_281 : i32
    %add3A_283 = arith.addi %add3A_276, %mul3A_280 : i32
    %and3A_284 = arith.constant 1 : i32
    %and3A_285 = arith.andi %select_n3A_154, %and3A_284 : i32
    %mul3A_286 = arith.constant 40 : i32
    %mul3A_287 = arith.muli %and3A_285, %mul3A_286 : i32
    %gt3A_288 = arith.constant 0 : i32
    %gt3A_289 = arith.cmpi sgt, %mul3A_287, %gt3A_288 : i32
    %add3A_290 = arith.addi %add3A_283, %mul3A_287 : i32
    %convert_element_type3A_291 = arith.extui %gt3A_261 : i1 to i32
    %cond3A_292 = arith.constant 0 : i32
    %cond3A_293 = arith.cmpi ne, %convert_element_type3A_291, %cond3A_292 : i32
    scf.if %cond3A_293 {
      %multiple_of3A = tpu.assume_multiple %add3A_102, 8 : i32
      %dma_wait3A = arith.constant 0 : i32
      %dma_wait3A_306 = tpu.memref_slice %arg6[%select_n3A_9, %multiple_of3A, %dma_wait3A] : memref<16x2080x512xf32, #tpu.memory_space<hbm>> -> memref<1x640x512xf32, #tpu.memory_space<hbm>>
      %dma_wait3A_307 = tpu.memref_squeeze %dma_wait3A_306 : memref<1x640x512xf32, #tpu.memory_space<hbm>> -> memref<640x512xf32, #tpu.memory_space<hbm>>
      %dma_wait3A_308 = arith.constant 0 : i32
      %dma_wait3A_309 = arith.constant 0 : i32
      %dma_wait3A_310 = tpu.memref_slice %arg9[%dma_wait3A_308, %dma_wait3A_309] : memref<640x512xf32, #tpu.memory_space<vmem_shared>> -> memref<640x512xf32, #tpu.memory_space<vmem_shared>>
      tpu.wait_dma2 semaphore(%arg13 : memref<!tpu.dma_semaphore, #tpu.memory_space<semaphore_mem>>) src(%dma_wait3A_310 : memref<640x512xf32, #tpu.memory_space<vmem_shared>>) dst(%dma_wait3A_307 : memref<640x512xf32, #tpu.memory_space<hbm>>)
    } else {
    }
    %convert_element_type3A_294 = arith.extui %gt3A_268 : i1 to i32
    %cond3A_295 = arith.constant 0 : i32
    %cond3A_296 = arith.cmpi ne, %convert_element_type3A_294, %cond3A_295 : i32
    scf.if %cond3A_296 {
      %multiple_of3A = tpu.assume_multiple %add3A_262, 8 : i32
      %dma_wait3A = arith.constant 0 : i32
      %dma_wait3A_306 = tpu.memref_slice %arg6[%select_n3A_9, %multiple_of3A, %dma_wait3A] : memref<16x2080x512xf32, #tpu.memory_space<hbm>> -> memref<1x320x512xf32, #tpu.memory_space<hbm>>
      %dma_wait3A_307 = tpu.memref_squeeze %dma_wait3A_306 : memref<1x320x512xf32, #tpu.memory_space<hbm>> -> memref<320x512xf32, #tpu.memory_space<hbm>>
      %dma_wait3A_308 = arith.constant 0 : i32
      %dma_wait3A_309 = arith.constant 0 : i32
      %dma_wait3A_310 = tpu.memref_slice %arg9[%dma_wait3A_308, %dma_wait3A_309] : memref<640x512xf32, #tpu.memory_space<vmem_shared>> -> memref<320x512xf32, #tpu.memory_space<vmem_shared>>
      tpu.wait_dma2 semaphore(%arg13 : memref<!tpu.dma_semaphore, #tpu.memory_space<semaphore_mem>>) src(%dma_wait3A_310 : memref<320x512xf32, #tpu.memory_space<vmem_shared>>) dst(%dma_wait3A_307 : memref<320x512xf32, #tpu.memory_space<hbm>>)
    } else {
    }
    %convert_element_type3A_297 = arith.extui %gt3A_275 : i1 to i32
    %cond3A_298 = arith.constant 0 : i32
    %cond3A_299 = arith.cmpi ne, %convert_element_type3A_297, %cond3A_298 : i32
    scf.if %cond3A_299 {
      %multiple_of3A = tpu.assume_multiple %add3A_269, 8 : i32
      %dma_wait3A = arith.constant 0 : i32
      %dma_wait3A_306 = tpu.memref_slice %arg6[%select_n3A_9, %multiple_of3A, %dma_wait3A] : memref<16x2080x512xf32, #tpu.memory_space<hbm>> -> memref<1x160x512xf32, #tpu.memory_space<hbm>>
      %dma_wait3A_307 = tpu.memref_squeeze %dma_wait3A_306 : memref<1x160x512xf32, #tpu.memory_space<hbm>> -> memref<160x512xf32, #tpu.memory_space<hbm>>
      %dma_wait3A_308 = arith.constant 0 : i32
      %dma_wait3A_309 = arith.constant 0 : i32
      %dma_wait3A_310 = tpu.memref_slice %arg9[%dma_wait3A_308, %dma_wait3A_309] : memref<640x512xf32, #tpu.memory_space<vmem_shared>> -> memref<160x512xf32, #tpu.memory_space<vmem_shared>>
      tpu.wait_dma2 semaphore(%arg13 : memref<!tpu.dma_semaphore, #tpu.memory_space<semaphore_mem>>) src(%dma_wait3A_310 : memref<160x512xf32, #tpu.memory_space<vmem_shared>>) dst(%dma_wait3A_307 : memref<160x512xf32, #tpu.memory_space<hbm>>)
    } else {
    }
    %convert_element_type3A_300 = arith.extui %gt3A_282 : i1 to i32
    %cond3A_301 = arith.constant 0 : i32
    %cond3A_302 = arith.cmpi ne, %convert_element_type3A_300, %cond3A_301 : i32
    scf.if %cond3A_302 {
      %multiple_of3A = tpu.assume_multiple %add3A_276, 8 : i32
      %dma_wait3A = arith.constant 0 : i32
      %dma_wait3A_306 = tpu.memref_slice %arg6[%select_n3A_9, %multiple_of3A, %dma_wait3A] : memref<16x2080x512xf32, #tpu.memory_space<hbm>> -> memref<1x80x512xf32, #tpu.memory_space<hbm>>
      %dma_wait3A_307 = tpu.memref_squeeze %dma_wait3A_306 : memref<1x80x512xf32, #tpu.memory_space<hbm>> -> memref<80x512xf32, #tpu.memory_space<hbm>>
      %dma_wait3A_308 = arith.constant 0 : i32
      %dma_wait3A_309 = arith.constant 0 : i32
      %dma_wait3A_310 = tpu.memref_slice %arg9[%dma_wait3A_308, %dma_wait3A_309] : memref<640x512xf32, #tpu.memory_space<vmem_shared>> -> memref<80x512xf32, #tpu.memory_space<vmem_shared>>
      tpu.wait_dma2 semaphore(%arg13 : memref<!tpu.dma_semaphore, #tpu.memory_space<semaphore_mem>>) src(%dma_wait3A_310 : memref<80x512xf32, #tpu.memory_space<vmem_shared>>) dst(%dma_wait3A_307 : memref<80x512xf32, #tpu.memory_space<hbm>>)
    } else {
    }
    %convert_element_type3A_303 = arith.extui %gt3A_289 : i1 to i32
    %cond3A_304 = arith.constant 0 : i32
    %cond3A_305 = arith.cmpi ne, %convert_element_type3A_303, %cond3A_304 : i32
    scf.if %cond3A_305 {
      %multiple_of3A = tpu.assume_multiple %add3A_283, 8 : i32
      %dma_wait3A = arith.constant 0 : i32
      %dma_wait3A_306 = tpu.memref_slice %arg6[%select_n3A_9, %multiple_of3A, %dma_wait3A] : memref<16x2080x512xf32, #tpu.memory_space<hbm>> -> memref<1x40x512xf32, #tpu.memory_space<hbm>>
      %dma_wait3A_307 = tpu.memref_squeeze %dma_wait3A_306 : memref<1x40x512xf32, #tpu.memory_space<hbm>> -> memref<40x512xf32, #tpu.memory_space<hbm>>
      %dma_wait3A_308 = arith.constant 0 : i32
      %dma_wait3A_309 = arith.constant 0 : i32
      %dma_wait3A_310 = tpu.memref_slice %arg9[%dma_wait3A_308, %dma_wait3A_309] : memref<640x512xf32, #tpu.memory_space<vmem_shared>> -> memref<40x512xf32, #tpu.memory_space<vmem_shared>>
      tpu.wait_dma2 semaphore(%arg13 : memref<!tpu.dma_semaphore, #tpu.memory_space<semaphore_mem>>) src(%dma_wait3A_310 : memref<40x512xf32, #tpu.memory_space<vmem_shared>>) dst(%dma_wait3A_307 : memref<40x512xf32, #tpu.memory_space<hbm>>)
    } else {
    }
    return
  }
}

module attributes {stable_mosaic.version = 14 : i64} {
  func.func @_mlp_body(%arg0: memref<32x512xf32, #tpu.memory_space<vmem>>, %arg1: memref<512x512xf32, #tpu.memory_space<vmem>>, %arg2: memref<1x512xf32, #tpu.memory_space<vmem>>, %arg3: memref<512x512xf32, #tpu.memory_space<vmem>>, %arg4: memref<1x512xf32, #tpu.memory_space<vmem>>, %arg5: memref<32x512xf32, #tpu.memory_space<vmem>>) attributes {dimension_semantics = [], scalar_prefetch = 0 : i64, scratch_operands = 0 : i64, tpu.core_type = #tpu.core_type<tc>} {
    %get3A = arith.constant 0 : index
    %get3A_0 = arith.constant 0 : index
    %get3A_1 = vector.load %arg0[%get3A, %get3A_0] : memref<32x512xf32, #tpu.memory_space<vmem>>, vector<32x512xf32>
    %get3A_2 = arith.constant 0 : index
    %get3A_3 = arith.constant 0 : index
    %get3A_4 = vector.load %arg1[%get3A_2, %get3A_3] : memref<512x512xf32, #tpu.memory_space<vmem>>, vector<512x512xf32>
    %dot_general3A = arith.constant dense<0.000000e+00> : vector<32x512xf32>
    %dot_general3A_5 = tpu.matmul %get3A_1, %get3A_4, %dot_general3A {dimension_numbers = #tpu.dot_dimension_numbers<[1], [0], [0], [1], [0, 0, 1, 1], [], []>, transpose_lhs_hint = false} : vector<32x512xf32>, vector<512x512xf32>, vector<32x512xf32> -> vector<32x512xf32>
    %get3A_6 = arith.constant 0 : index
    %get3A_7 = arith.constant 0 : index
    %get3A_8 = vector.load %arg2[%get3A_6, %get3A_7] : memref<1x512xf32, #tpu.memory_space<vmem>>, vector<1x512xf32>
    %add3A = vector.broadcast %get3A_8 : vector<1x512xf32> to vector<32x512xf32>
    %add3A_9 = arith.addf %dot_general3A_5, %add3A : vector<32x512xf32>
    %tanh3A = math.tanh %add3A_9 : vector<32x512xf32>
    %get3A_10 = arith.constant 0 : index
    %get3A_11 = arith.constant 0 : index
    %get3A_12 = vector.load %arg3[%get3A_10, %get3A_11] : memref<512x512xf32, #tpu.memory_space<vmem>>, vector<512x512xf32>
    %dot_general3A_13 = arith.constant dense<0.000000e+00> : vector<32x512xf32>
    %dot_general3A_14 = tpu.matmul %tanh3A, %get3A_12, %dot_general3A_13 {dimension_numbers = #tpu.dot_dimension_numbers<[1], [0], [0], [1], [0, 0, 1, 1], [], []>, transpose_lhs_hint = false} : vector<32x512xf32>, vector<512x512xf32>, vector<32x512xf32> -> vector<32x512xf32>
    %get3A_15 = arith.constant 0 : index
    %get3A_16 = arith.constant 0 : index
    %get3A_17 = vector.load %arg4[%get3A_15, %get3A_16] : memref<1x512xf32, #tpu.memory_space<vmem>>, vector<1x512xf32>
    %add3A_18 = vector.broadcast %get3A_17 : vector<1x512xf32> to vector<32x512xf32>
    %add3A_19 = arith.addf %dot_general3A_14, %add3A_18 : vector<32x512xf32>
    %swap3A = arith.constant 0 : index
    %swap3A_20 = arith.constant 0 : index
    %swap3A_21 = vector.load %arg5[%swap3A, %swap3A_20] : memref<32x512xf32, #tpu.memory_space<vmem>>, vector<32x512xf32>
    tpu.vector_store %arg5[%swap3A, %swap3A_20], %add3A_19 {strides = array<i32>} : memref<32x512xf32, #tpu.memory_space<vmem>>, vector<32x512xf32>,
    return
  }
}

</mosaic_0001>

<sc_bundles>
// kernel: kernel.4.cloned.1.call-start
scs
__scs_entry_jumppad:
0x0: {  	(pc) =	sbr.rel $0x88, $3  }
0x1: {  	(tag) =	ssettag $0x0;
	lr =	simm.s32 $0x1  }
0x2: {  	[smem:$0x3F9A] =	sst lr;
	_ =	strace $0xD0000000  }
0x3: {  	_ = 	snop  }
0x4: {  	_ = 	snop  }
0x5: {  	_ = 	snop  }
0x6: {  	_ = 	snop  }
0x7: {  	_ = 	snop  }
__scs_overlays_trampoline_lowered:
0x8: {  	[smem:$0x3FA9] =	sst s0  }
0x9: {  	[smem:$0x3FAA] =	sst s1  }
0xa: {  	[smem:$0x3FAB] =	sst s2  }
0xb: {  	[smem:$0x3FAC] =	sst s3  }
0xc: {  	[smem:$0x3FAD] =	sst s4  }
0xd: {  	[smem:$0x3FAE] =	sst s5  }
0xe: {  	[smem:$0x3FAF] =	sst s6  }
0xf: {  	[smem:$0x3FB0] =	sst s7  }
0x10: {  	[smem:$0x3FB1] =	sst s8  }
0x11: {  	[smem:$0x3FB2] =	sst s9;
	s0 =	simm.s32 @!p0 $0x0  }
0x12: {  	s1 =	sld [smem:$0x3F98];
	s0 =	simm.s32 @p0 $0x1  }
0x13: {  	[smem:$0x3FB3] =	sst s0;
	s0 =	simm.s32 @!p1 $0x0  }
0x14: {  	s2 =	sld [smem:$0x3F97];
	s0 =	simm.s32 @p1 $0x1  }
0x15: {  	[smem:$0x3FB4] =	sst s0;
	s0 =	simm.s32 @!p2 $0x0  }
0x16: {  	s3 =	sld [smem:$0x3FDB];
	s0 =	simm.s32 @p2 $0x1  }
0x17: {  	s4 =	simm.s32 $0x1BF5;
	[smem:$0x3FB6] =	sst s0  }
0x18: {  	s0 =	sld [smem:$0x3F99];
	_ =	swait.ge [sflag:s4], $0x0  }
0x19: {  	s7 =	sld [smem:$0x3F9A]  }
0x1a: {  	s8 =	sadd.s32 $0xFFFFE003, lr  }
0x1b: {  	s9 =	sadd.s32 $0xFFFFFEF7, lr;
	s5 =	simm.s32 $0xFFFFFFFF;
	p2 =	slt.u32 s8, $0xFFFFF086  }
0x1c: {  	p1 =	slt.u32 s9, $0xF7A;
	s5 =	simm.s32 @!p2 $0x0  }
0x1d: {  	s5 =	simm.s32 @p1 $0x1;
	p0 =	seq.s32 s7, s2  }
0x1e: {  	s7 =	smul.u32 @!p0 $0xF7A, s2;
	p2 =	seq.s32 @!p0 s5, $0x0  }
0x1f: {  	s9 =	smul.u32 $0xF7A, s1;
	s8 =	simm.s32 @!p0 $0x1BF5;
	p2 =	por !p2, p0  }
0x20: {  	[sflag:s8] =	ssyncset.s32 @!p0 $0xFFFFF086;
	s6 =	sadd.s32 @!p0 s3, s7;
	s7 =	simm.s32 @!p0 $0x108  }
0x21: {  	s3 =	sadd.s32 s3, s9;
	s6 =	sadd.s32 @!p0 $0x88, s6;
	s7 =	simm.s32 @p2 $0x1082  }
0x22: {  	[simem:s7], [sflag:s8] =	dma.local @!p0 [hbm:s6], $0xF7A  }
0x23: {  	s9 =	sor.u32 $0xD0000000, s2;
	s6 =	simm.s32 $0x108;
	_ =	swait.ge @!p0 [sflag:s8], $0x0  }
0x24: {  	s3 =	sadd.s32 $0x88, s3;
	s6 =	simm.s32 @!p1 $0x1082;
	[sflag:s4] =	ssyncset.s32 $0xFFFFF086  }
0x25: {  	[simem:s6], [sflag:s4] =	dma.local [hbm:s3], $0xF7A  }
0x26: {  	[smem:$0x3F9A] =	sst s1;
	(tag) =	ssettag s2;
	_ =	strace s9  }
0x27: {  	s1 =	sld [smem:$0x3FAA]  }
0x28: {  	s2 =	sld [smem:$0x3FAB]  }
0x29: {  	s4 =	sld [smem:$0x3FAD]  }
0x2a: {  	p0 =	seq.s32 s5, $0x0;
	s5 =	sld [smem:$0x3FAE]  }
0x2b: {  	s6 =	sld [smem:$0x3FAF]  }
0x2c: {  	s7 =	sld [smem:$0x3FB0]  }
0x2d: {  	s3 =	simm.s32 $0x108;
	s8 =	sld [smem:$0x3FB1]  }
0x2e: {  	s3 =	simm.s32 @!p0 $0x1082;
	s9 =	sld [smem:$0x3FB2]  }
0x2f: {  	lr =	sadd.s32 s0, s3;
	s0 =	sld [smem:$0x3FA9]  }
0x30: {  	s3 =	sld [smem:$0x3FAC]  }
0x31: {  	[smem:$0x3FB5] =	sst s10  }
0x32: {  	s10 =	sld [smem:$0x3FB3];
	_ =	sdelay $0x3  }
0x33: {  	p0 =	seq.s32 s10, $0x1;
	s10 =	sld [smem:$0x3FB5];
	_ =	sdelay $0x3  }
0x34: {  	[smem:$0x3FB5] =	sst s10  }
0x35: {  	s10 =	sld [smem:$0x3FB4];
	_ =	sdelay $0x3  }
0x36: {  	p1 =	seq.s32 s10, $0x1;
	s10 =	sld [smem:$0x3FB5];
	_ =	sdelay $0x3  }
0x37: {  	[smem:$0x3FB5] =	sst s10  }
0x38: {  	s10 =	sld [smem:$0x3FB6]  }
0x39: {  	_ = 	snop;
	(pc) =	sbr.ind lr, $3  }
0x3a: {  	_ = 	snop  }
0x3b: {  	_ = 	snop  }
0x3c: {  	p2 =	seq.s32 s10, $0x1;
	s10 =	sld [smem:$0x3FB5]  }
0x3d: {  	_ =	shalt  }
0x3e: {  	_ =	shalt  }
0x3f: {  	_ =	shalt  }
0x40: {  	_ =	shalt  }
0x41: {  	_ =	shalt  }
0x42: {  	_ =	shalt  }
0x43: {  	_ =	shalt  }
0x44: {  	_ =	shalt  }
0x45: {  	_ =	shalt  }
0x46: {  	_ =	shalt  }
0x47: {  	_ =	shalt  }
0x48: {  	_ =	shalt  }
0x49: {  	_ =	shalt  }
0x4a: {  	_ =	shalt  }
0x4b: {  	_ =	shalt  }
0x4c: {  	_ =	shalt  }
0x4d: {  	_ =	shalt  }
0x4e: {  	_ =	shalt  }
0x4f: {  	_ =	shalt  }
0x50: {  	_ =	shalt  }
0x51: {  	_ =	shalt  }
0x52: {  	_ =	shalt  }
0x53: {  	_ =	shalt  }
0x54: {  	_ =	shalt  }
0x55: {  	_ =	shalt  }
0x56: {  	_ =	shalt  }
0x57: {  	_ =	shalt  }
0x58: {  	_ =	shalt  }
0x59: {  	_ =	shalt  }
0x5a: {  	_ =	shalt  }
0x5b: {  	_ =	shalt  }
0x5c: {  	_ =	shalt  }
0x5d: {  	_ =	shalt  }
0x5e: {  	_ =	shalt  }
0x5f: {  	_ =	shalt  }
0x60: {  	_ =	shalt  }
0x61: {  	_ =	shalt  }
0x62: {  	_ =	shalt  }
0x63: {  	_ =	shalt  }
0x64: {  	_ =	shalt  }
0x65: {  	_ =	shalt  }
0x66: {  	_ =	shalt  }
0x67: {  	_ =	shalt  }
0x68: {  	_ =	shalt  }
0x69: {  	_ =	shalt  }
0x6a: {  	_ =	shalt  }
0x6b: {  	_ =	shalt  }
0x6c: {  	_ =	shalt  }
0x6d: {  	_ =	shalt  }
0x6e: {  	_ =	shalt  }
0x6f: {  	_ =	shalt  }
0x70: {  	_ =	shalt  }
0x71: {  	_ =	shalt  }
0x72: {  	_ =	shalt  }
0x73: {  	_ =	shalt  }
0x74: {  	_ =	shalt  }
0x75: {  	_ =	shalt  }
0x76: {  	_ =	shalt  }
0x77: {  	_ =	shalt  }
0x78: {  	_ =	shalt  }
0x79: {  	_ =	shalt  }
0x7a: {  	_ =	shalt  }
0x7b: {  	_ =	shalt  }
0x7c: {  	_ =	shalt  }
0x7d: {  	_ =	shalt  }
0x7e: {  	_ =	shalt  }
0x7f: {  	_ =	shalt  }
0x80: {  	_ =	shalt  }
0x81: {  	_ =	shalt  }
0x82: {  	_ =	shalt  }
0x83: {  	_ =	shalt  }
0x84: {  	_ =	shalt  }
0x85: {  	_ =	shalt  }
0x86: {  	_ =	shalt  }
0x87: {  	_ =	shalt  }
.Lfunc_end0:
.L_simem_size_0:
called_computation_lowered:
.L_overlay_start_0:
0x88: {  	s2 =	sld [smem:$0x3FD9]  }
0x89: {  	s3 =	sld [smem:$0x3FFE];
	_ =	sdelay $0x1  }
0x8a: {  	s1 =	srdreg.scid  }
0x8b: {  	s0 =	sand.u32 $0x1, s1  }
0x8c: {  	s14 =	sshll.u32 s0, $0xA;
	s2 =	sadd.s32 s3, s2  }
0x8d: {  	s2 =	sadd.s32 s2, s14  }
0x8e: {  	[smem:$0x3FC1] =	sst s2  }
0x8f: {  	_ = 	snop  }
0x90: {  	s2 =	sld [smem:$0x3FD0];
	_ =	sdelay $0x1  }
0x91: {  	s15 =	sld [smem:$0x3FC9]  }
0x92: {  	s5 =	simm.s32 $0xA;
	s6 =	simm.s32 $0x10;
	s4 =	sld [smem:$0x3FC8]  }
0x93: {  	[smem:s6], [sflag:s5] =	dma.local [hbm:s2], $0x1  }
0x94: {  	_ =	swait.eq [sflag:s5], $0x1  }
0x95: {  	[sflag:s5] =	ssyncset.done $0x0  }
0x96: {  	[sflag:s5] =	ssyncadd.s32 $0xFFFFFFFF  }
0x97: {  	s16 =	sld [smem:$0x10];
	(tm) =	ssettm $0x1  }
0x98: {  	s17 =	sld [smem:$0x3FFB];
	_ =	sdelay $0x3  }
0x99: {  	_ =	strace s17  }
0x9a: {  	s5 =	sld [smem:$0x3FFC];
	_ =	sdelay $0x3  }
0x9b: {  	_ =	strace s5  }
0x9c: {  	s5 =	sld [smem:$0x3FFD];
	_ =	sdelay $0x3  }
0x9d: {  	_ =	strace s5  }
0x9e: {  	_ =	strace $0x8FFFFFFF  }
0x9f: {  	s18 =	sld [smem:$0x3FDB];
	_ =	sdelay $0x1  }
0xa0: {  	s19 =	simm.s32 $_scs_section_size  }
0xa1: {  	s7 =	simm.s32 $_size__tile_overlayer_lowered;
	s8 =	simm.s32 $_tile_overlayer_lowered  }
0xa2: {  	s22 =	simm.s32 $0x1BFF;
	s21 =	sshll.u32 s8, $0x1;
	s5 =	sadd.s32 s19, s18  }
0xa3: {  	s9 =	simm.s32 $0x0;
	s20 =	sshll.u32 s7, $0x1;
	s7 =	sadd.s32 s21, s5  }
0xa4: {  	[timem:s9], [sflag:s22] =	dma.local [hbm:s7], s20  }
0xa5: {  	_ =	swait.ge [sflag:s22], s20  }
0xa6: {  	s6 =	ssub.s32 $0x0, s20;
	[sflag:s22] =	ssyncset.done $0x0  }
0xa7: {  	[sflag:s22] =	ssyncadd.s32 s6;
	_ =	sdelay $0x1  }
0xa8: {  	s23 =	simm.s32 $0x1B8B  }
0xa9: {  	_ =	swait.ge [sflag:s23], $0x1  }
0xaa: {  	[sflag:s23] =	ssyncset.done $0x0  }
0xab: {  	s25 =	simm.s32 $0x1B8E;
	s24 =	sld [smem:$0x3FFE];
	[sflag:s23] =	ssyncadd.s32 $0xFFFFFFFF  }
0xac: {  	s26 =	simm.s32 $execute0_lowered;
	[smem:$0x3FD2] =	sst s25  }
0xad: {  	s7 =	sshll.u32 s26, $0x1;
	_ =	strace $0x80000046;
	[dreg:$0x1] =	wrdreg $0xFFFFFFFF  }
0xae: {  	s28 =	simm.s32 $_size_execute0_lowered;
	s5 =	sadd.s32 s5, s7;
	[dreg:$0x0] =	wrdreg $0x0  }
0xaf: {  	s7 =	sshll.u32 s28, $0x1;
	[dreg:$0x2] =	wrdreg s5  }
0xb0: {  	[dreg:$0x3] =	wrdreg s7  }
0xb1: {  	[dreg:$0x4] =	wrdreg $0xC0  }
0xb2: {  	_ =	task [dreg:s9], $0x5FFFF  }
0xb3: {  	[dreg:$0x1] =	wrdreg $0xFFFFFFFF  }
0xb4: {  	[dreg:$0x0] =	wrdreg $0x60  }
0xb5: {  	[dreg:$0x2] =	wrdreg s15  }
0xb6: {  	[dreg:$0x3] =	wrdreg s4  }
0xb7: {  	[dreg:$0x4] =	wrdreg s24  }
0xb8: {  	[dreg:$0x5] =	wrdreg s16  }
0xb9: {  	[dreg:$0x6] =	wrdreg $0x180000  }
0xba: {  	[dreg:$0x7] =	wrdreg $0x9  }
0xbb: {  	_ =	task.clear_ibuf [dreg:s9], $0x8FFFF;
	_ =	strace $0x90000046  }
0xbc: {  	s29 =	simm.s32 $0x9;
	_ =	strace $0x80000048  }
0xbd: {  	_ =	swait.ge [sflag:s29], $0x1  }
0xbe: {  	[sflag:s29] =	ssyncadd.s32 $0xFFFFFFFF  }
0xbf: {  	_ =	strace $0x90000048  }
0xc0: {  	_ =	sfence  }
0xc1: {  	s30 =	sld [smem:$0x0];
	_ =	sdelay $0x2  }
0xc2: {  	s31 =	sshll.u32 s1, $0xD;
	s1 =	sshrl.u32 s1, $0x2  }
0xc3: {  	s3 =	sand.u32 $0x4000, s31;
	s1 =	sadd.s32 s1, s30  }
0xc4: {  	s0 =	sor.u32 s3, s0;
	s1 =	sshll.u32 s1, $0x11  }
0xc5: {  	s0 =	sor.u32 s1, s0  }
0xc6: {  	s0 =	sadd.s32 $0x8F2B, s0  }
0xc7: {  	[sflag:s0] =	ssyncadd.remote.s32 $0x1  }
0xc8: {  	_ =	sfence.sel $0xFFFF  }
0xc9: {  	[dreg:$0x0] =	wrdreg $0xFFFFFFFF;
	(pc) =	sbr.abs _section_cstart, $3  }
0xca: {  	[dreg:$0x1] =	wrdreg $0xFFFFFFFF  }
0xcb: {  	_ =	task.clear_ibuf [dreg:s9], $0x2FFFF;
	_ =	strace $0x9FFFFFFF  }
0xcc: {  	(tm) =	ssettm $0x7FFFFFFF  }
0xcd: {  	_ =	shalt  }
tec
execute0_lowered:
.L_overlay_start_1:
0x0: {  	(tag) =	ssettag $0x1  }
0x1: {  	s1 =	rddreg [dreg:$0x0]  }
0x2: {  	s0 =	rddreg [dreg:$0x2]  }
0x3: {  	s3 =	rddreg [dreg:$0x3]  }
0x4: {  	s4 =	rddreg [dreg:$0x4];
	s5 =	simm.s32 $0x0  }
0x5: {  	s2 =	srdreg.scid;
	s6 =	stileid.u32;
	s29 =	simm.s32 $0x4  }
0x6: {  	s30 =	simm.s32 $0x0;
	[smem:$0x7FF] =	sst s5;
	s7 =	sadd.s32 $0x1200, s0  }
0x7: {  	s2 =	sand.u32 $0x1, s2;
	s20 =	sshrl.u32 s6, $0x3;
	s9 =	sshll.u32 s6, $0x1  }
0x8: {  	s0 =	sadd.s32 $0x1A00, s0;
	s16 =	sand.u32 $0x7, s6;
	p0 =	sne.s32 s6, $0x0  }
0x9: {  	_ =	strace $0x80000047;
	[dreg:$0x6] =	wrdreg s7;
	s8 =	smul.u32 $0x410, s20  }
0xa: {  	s10 =	ssub.s32 $0x2, s2;
	s12 =	sand.u32 $0xE, s9;
	s9 =	smul.u32 $0x82000, s20  }
0xb: {  	[dreg:$0x7] =	wrdreg s0;
	s24 =	smul.u32 $0x208000, s16;
	s11 =	sshrl.u32 s10, $0x1  }
0xc: {  	s20 =	smul.u32 $0x104000, s2;
	s31 =	sshll.u32 s16, $0x15;
	s21 =	ssub.s32 s10, s11  }
0xd: {  	s11 =	sor.u32 s2, s12;
	s12 =	sadd.s32 $0x410, s8;
	s7 =	sadd.s32 $0xA000, s9  }
0xe: {  	s20 =	sadd.s32 s20, s24;
	s2 =	sshll.u32 s2, $0x14;
	s24 =	simm.s32 $0x6  }
0xf: {  	s13 =	sshll.u32 s11, $0x14;
	s14 =	smul.u32 $0x104000, s11;
	s0 =	smax.u32 s21, $0x1  }
0x10: {  	s22 =	sor.u32 s9, s13;
	s15 =	sadd.s32 s13, s7;
	[dreg:$0xa] =	wrdreg s0  }
0x11: {  	s10 =	sshrl.u32 s22, $0x3;
	s15 =	sshrl.u32 s15, $0x3;
	s25 =	sadd.s32 s14, s9  }
0x12: {  	s7 =	sadd.s32 s14, s7;
	s10 =	sadd.s32 s1, s10;
	s23 =	sadd.s32 s1, s15  }
.Ltmp0:
0x13: {  	s26 =	sshrl.u32 s25, $0x3;
	[dreg:$0x8] =	wrdreg s10;
	(pc) =	sbr.rel .LBB2_1-.Ltmp0, $4  }
0x14: {  	s7 =	sshrl.u32 s7, $0x3;
	[dreg:$0x9] =	wrdreg s23;
	s0 =	sadd.s32 s3, s26  }
0x15: {  	s28 =	sadd.s32 s3, s7;
	[dreg:$0xb] =	wrdreg s0;
	s0 =	simm.s32 @!p0 $0x0  }
0x16: {  	s21 =	sor.u32 s2, s31;
	[dreg:$0xc] =	wrdreg s28;
	s0 =	simm.s32 @p0 $0x1  }
0x17: {  	v0 =	vimm.f32 $0.0e+00;
	s22 =	sshrl.u32 @!p0 s4, $0x3;
	s25 =	simm.s32 $0x1;
	[smem:$0x7FD] =	sst s0  }
.LBB2_12:
0x18: {  	_ = 	snop  }
.LBB2_15:
0x19: {  	s2 =	sor.u32 s23, s15;
	[tilespmem:s0+$0xAC60] =	vst @p0 v0  }
0x1a: {  	[tilespmem:s2+$0xAC70] =	vst v0  }
0x1b: {  	[tilespmem:s2+$0xA000] =	vst v0  }
0x1c: {  	[tilespmem:s2+$0xA010] =	vst v0  }
0x1d: {  	[tilespmem:s2+$0xA020] =	vst v0  }
0x1e: {  	[tilespmem:s2+$0xA030] =	vst v0  }
0x1f: {  	[tilespmem:s2+$0xA040] =	vst v0  }
0x20: {  	[tilespmem:s2+$0xA050] =	vst v0  }
0x21: {  	[tilespmem:s2+$0xA060] =	vst v0  }
0x22: {  	[tilespmem:s2+$0xA070] =	vst v0  }
0x23: {  	[tilespmem:s2+$0xA400] =	vst v0  }
0x24: {  	[tilespmem:s2+$0xA410] =	vst v0  }
0x25: {  	[tilespmem:s2+$0xA420] =	vst v0  }
0x26: {  	[tilespmem:s2+$0xA430] =	vst v0  }
0x27: {  	[tilespmem:s2+$0xA440] =	vst v0  }
0x28: {  	[tilespmem:s2+$0xA450] =	vst v0  }
0x29: {  	[tilespmem:s2+$0xA460] =	vst v0  }
0x2a: {  	[tilespmem:s2+$0xA470] =	vst v0  }
0x2b: {  	[tilespmem:s2+$0xA800] =	vst v0  }
0x2c: {  	[tilespmem:s2+$0xA810] =	vst v0  }
0x2d: {  	[tilespmem:s2+$0xA820] =	vst v0  }
0x2e: {  	[tilespmem:s2+$0xA830] =	vst v0  }
0x2f: {  	[tilespmem:s2+$0xA840] =	vst v0  }
0x30: {  	[tilespmem:s2+$0xA850] =	vst v0  }
0x31: {  	[tilespmem:s2+$0xA860] =	vst v0  }
0x32: {  	[tilespmem:s2+$0xA870] =	vst v0  }
0x33: {  	[tilespmem:s2+$0xAC00] =	vst v0  }
0x34: {  	[tilespmem:s2+$0xAC10] =	vst v0  }
0x35: {  	[tilespmem:s2+$0xAC20] =	vst v0  }
0x36: {  	[tilespmem:s2+$0xAC30] =	vst v0  }
0x37: {  	[tilespmem:s2+$0xAC40] =	vst v0  }
0x38: {  	[tilespmem:s2+$0xAC50] =	vst v0  }
0x39: {  	[tilespmem:s2+$0xAC60] =	vst v0  }
.LBB2_16:
0x3a: {  	s0 =	sadd.s32 s14, s31  }
0x3b: {  	s0 =	sshrl.u32 s0, $0x3  }
0x3c: {  	s2 =	simm.s32 $0xA000;
	s0 =	sadd.s32 s3, s0  }
0x3d: {  	[hbm4b:s0+s5] =	stream.linear.scatter [tilespmem:s2], [sflag:$0x6], $0xA000, $0x38;
	[tilespmem:$0x1D080] =	vst v63  }
0x3e: {  	_ =	swait.ge [sflag:s24], $0xA000  }
0x3f: {  	[sflag:s24] =	ssyncset.done $0x0  }
0x40: {  	[sflag:s24] =	ssyncadd.s32 $0xFFFF6000  }
.LBB2_17:
0x41: {  	s0 =	sld [smem:$0x7F9];
	_ =	sdelay $0x2  }
0x42: {  	p0 =	seq.s32 s0, $0x1  }
0x43: {  	s0 =	simm.s32 @!p0 $0x3  }
0x44: {  	_ =	swait.ge @!p0 [sflag:s0], $0xA000  }
0x45: {  	s26 =	sld [smem:$0x7FA];
	_ =	sdelay $0x1  }
0x46: {  	[sflag:s0] =	ssyncset.done @!p0 $0x0  }
0x47: {  	[sflag:s0] =	ssyncadd.s32 @!p0 $0xFFFF6000;
	p0 =	seq.s32 s26, $0x1  }
0x48: {  	s0 =	simm.s32 @!p0 $0x3  }
0x49: {  	_ =	swait.ge @!p0 [sflag:s0], $0x5000  }
0x4a: {  	s28 =	sld [smem:$0x7FB];
	_ =	sdelay $0x1  }
0x4b: {  	[sflag:s0] =	ssyncset.done @!p0 $0x0  }
0x4c: {  	[sflag:s0] =	ssyncadd.s32 @!p0 $0xFFFFB000;
	p0 =	seq.s32 s28, $0x1  }
0x4d: {  	s0 =	simm.s32 @!p0 $0x3  }
0x4e: {  	_ =	swait.ge @!p0 [sflag:s0], $0x2800  }
0x4f: {  	s31 =	sld [smem:$0x7FC];
	_ =	sdelay $0x1  }
0x50: {  	[sflag:s0] =	ssyncset.done @!p0 $0x0  }
0x51: {  	[sflag:s0] =	ssyncadd.s32 @!p0 $0xFFFFD800;
	p0 =	seq.s32 s31, $0x1  }
0x52: {  	s0 =	simm.s32 @!p0 $0x3  }
0x53: {  	_ =	swait.ge @!p0 [sflag:s0], $0x1400  }
0x54: {  	[sflag:s0] =	ssyncset.done @!p0 $0x0  }
0x55: {  	[sflag:s0] =	ssyncadd.s32 @!p0 $0xFFFFEC00;
	s0 =	simm.s32 @p5 $0x3  }
0x56: {  	_ =	swait.ge @p5 [sflag:s0], $0xA00  }
0x57: {  	s30 =	sadd.s32 $0x1, s30;
	s2 =	rddreg [dreg:$0xa]  }
0x58: {  	p0 =	sne.s32 s30, s2  }
.Ltmp1:
0x59: {  	_ = 	snop;
	(pc) =	sbr.rel @!p0 .LBB2_18-.Ltmp1, $3  }
0x5a: {  	_ =	sdelay $0x1  }
0x5b: {  	[sflag:s0] =	ssyncset.done @p5 $0x0  }
0x5c: {  	[sflag:s0] =	ssyncadd.s32 @p5 $0xFFFFF600  }
.LBB2_1:
0x5d: {  	s0 =	sld [smem:$0x7FD];
	_ =	sdelay $0x2  }
0x5e: {  	p0 =	seq.s32 s0, $0x1  }
0x5f: {  	s2 =	rddreg [dreg:$0x7];
	s0 =	simm.s32 @!p0 $0x1C06  }
0x60: {  	[spmem:s22], [sflag:s0] =	dma.local @!p0 [hbm:s2], $0xA000  }
0x61: {  	s0 =	simm.s32 @!p0 $0x6  }
0x62: {  	_ =	swait.ge @!p0 [sflag:s0], $0xA000  }
0x63: {  	[sflag:s0] =	ssyncset.done @!p0 $0x0  }
0x64: {  	[sflag:s0] =	ssyncadd.s32 @!p0 $0xFFFF6000  }
0x65: {  	s17 =	simm.s32 $0x1D000;
	s0 =	rddreg [dreg:$0x1]  }
0x66: {  	[tilespmem:s17], [sflag:$0x6] =	stream.linear.gather [hbm4b:s0+s5], $0x10, $0x38;
	[tilespmem:$0x1D080] =	vst v63  }
0x67: {  	_ =	swait.ge [sflag:s24], $0x10  }
0x68: {  	[sflag:s24] =	ssyncset.done $0x0  }
0x69: {  	[sflag:s24] =	ssyncadd.s32 $0xFFFFFFF0  }
0x6a: {  	[bflag:$0x0] =	sbarrier.arrive $0xFFFF  }
0x6b: {  	v1 =	vld [tilespmem:s11+$0x1D000];
	_ =	sdelay $0x4  }
0x6c: {  	(v2sf) =	vpush v1, $0x0;
	_ =	sdelay $0xe  }
0x6d: {  	s0 =	spop (v2sf)  }
0x6e: {  	s2 =	sadd.s32 $0x20, s0  }
0x6f: {  	p0 =	sgt.s32 s8, s2  }
0x70: {  	s2 =	smov.u32 @p0 s8  }
0x71: {  	s2 =	smin.u32 s12, s2  }
0x72: {  	s2 =	ssub.s32 s2, s8  }
0x73: {  	s7 =	sadd.s32 $0x27, s2  }
0x74: {  	s10 =	smulhi.u32 $0x66666667, s7;
	s7 =	sshra.s32 s7, $0x1F  }
0x75: {  	s7 =	smul.u32 $0x66666667, s7;
	_ =	sdelay $0x1  }
0x76: {  	s7 =	sadd.s32 s7, s10  }
0x77: {  	s10 =	sshrl.u32 s7, $0x1F;
	s7 =	sshra.s32 s7, $0x4  }
0x78: {  	s7 =	sadd.s32 s10, s7  }
0x79: {  	s10 =	smul.u32 $0xFFFFFFD8, s7  }
0x7a: {  	s15 =	ssub.s32 $0xFFFFFFD9, s2  }
0x7b: {  	p6 =	slt.s32 s2, $0xFFFFFFDA;
	p1 =	sne.s32 s10, s15  }
0x7c: {  	p0 =	por !p6, !p1  }
0x7d: {  	s2 =	simm.s32 $0x1;
	p0 =	por !p0, !p0  }
0x7e: {  	s2 =	simm.s32 @!p0 $0x0  }
0x7f: {  	s2 =	ssub.s32 s7, s2  }
0x80: {  	s7 =	smul.u32 $0x28, s2;
	_ =	sdelay $0x1  }
0x81: {  	s10 =	ssub.s32 $0x410, s7  }
0x82: {  	s18 =	smulhi.u32 $0x66666667, s10;
	s16 =	sshra.s32 s10, $0x1F  }
0x83: {  	s23 =	smul.u32 $0x66666667, s16;
	_ =	sdelay $0x1  }
0x84: {  	s15 =	sadd.s32 s23, s18  }
0x85: {  	s23 =	sshrl.u32 s15, $0x1F;
	s15 =	sshra.s32 s15, $0x8  }
0x86: {  	p0 =	sne.s32 s2, $0x1A;
	s2 =	simm.s32 $0x1;
	s15 =	sadd.s32 s23, s15  }
0x87: {  	s2 =	simm.s32 @!p0 $0x0;
	s23 =	smul.u32 $0xFFFFFD80, s15  }
0x88: {  	s26 =	sadd.s32 $0xFFFFFBF0, s7;
	s2 =	sor.u32 s2, s16  }
0x89: {  	p2 =	sne.s32 s2, $0x1;
	p3 =	sne.s32 s23, s26  }
0x8a: {  	p0 =	por !p3, !p2  }
0x8b: {  	s2 =	simm.s32 $0x1;
	p0 =	por !p0, !p0  }
0x8c: {  	s2 =	simm.s32 @!p0 $0x0  }
0x8d: {  	s2 =	ssub.s32 s15, s2  }
0x8e: {  	s15 =	smul.u32 $0x280, s2;
	_ =	sdelay $0x1  }
0x8f: {  	s19 =	ssub.s32 s10, s15  }
0x90: {  	s31 =	smulhi.u32 $0x66666667, s19;
	s17 =	sshra.s32 s19, $0x1F  }
0x91: {  	s28 =	smul.u32 $0x66666667, s17;
	_ =	sdelay $0x1  }
0x92: {  	s23 =	sadd.s32 s28, s31  }
0x93: {  	s28 =	sshrl.u32 s23, $0x1F;
	s23 =	sshra.s32 s23, $0x4  }
0x94: {  	p0 =	sne.s32 s10, s15;
	s10 =	simm.s32 $0x1;
	s23 =	sadd.s32 s28, s23  }
0x95: {  	s7 =	sadd.s32 s8, s7;
	s10 =	simm.s32 @!p0 $0x0;
	s28 =	smul.u32 $0xFFFFFFD8, s23  }
0x96: {  	p1 =	slt.s32 s2, $0x1;
	s16 =	ssub.s32 $0x0, s19;
	s10 =	sor.u32 s10, s17  }
0x97: {  	s2 =	sshll.u32 @!p1 s7, $0x9;
	p4 =	sne.s32 s10, $0x1;
	p5 =	sne.s32 s28, s16  }
0x98: {  	s26 =	sshrl.u32 @!p1 s4, $0x3;
	s2 =	sadd.s32 @!p1 s14, s2;
	p0 =	por !p5, !p4  }
0x99: {  	s2 =	sshrl.u32 @!p1 s2, $0x3;
	s10 =	simm.s32 $0x1;
	p0 =	por !p0, !p0  }
0x9a: {  	s2 =	sadd.s32 @!p1 s3, s2;
	s17 =	simm.s32 @!p1 $0x0;
	s10 =	simm.s32 @!p0 $0x0  }
0x9b: {  	s17 =	simm.s32 @p1 $0x1;
	s10 =	ssub.s32 s23, s10;
	s23 =	sshll.u32 @!p1 s6, $0x6  }
0x9c: {  	[smem:$0x7F9] =	sst s17;
	s18 =	sand.u32 $0x8, s10;
	s23 =	sor.u32 @!p1 $0x1C03, s23  }
0x9d: {  	[hbm:s2], [sflag:s23] =	dma.local @!p1 [spmem:s26], $0xA000  }
0x9e: {  	s19 =	sand.u32 $0x4, s10;
	s2 =	sadd.s32 s7, s15;
	p0 =	seq.s32 s18, $0x0  }
0x9f: {  	s7 =	ssub.s32 s0, s8;
	s16 =	smul.u32 $0x28, s18;
	p2 =	seq.s32 s19, $0x0  }
0xa0: {  	s19 =	smul.u32 $0x28, s19;
	s23 =	sand.u32 $0x2, s10;
	s10 =	sand.u32 $0x1, s10  }
0xa1: {  	s15 =	sshll.u32 @!p0 s2, $0x9;
	p1 =	sgt.s32 s7, $0x0;
	s26 =	sshll.u32 @!p0 s6, $0x6  }
0xa2: {  	s28 =	sshrl.u32 @!p0 s4, $0x3;
	s17 =	simm.s32 @!p0 $0x0;
	p6 =	slt.s32 s7, $0x1  }
0xa3: {  	s15 =	sadd.s32 @!p0 s14, s15;
	s26 =	sor.u32 @!p0 $0x1C03, s26;
	s17 =	simm.s32 @p0 $0x1  }
0xa4: {  	s2 =	sadd.s32 s2, s16;
	s7 =	simm.s32 @!p1 $0x0;
	s15 =	sshrl.u32 @!p0 s15, $0x3  }
0xa5: {  	[smem:$0x7FA] =	sst s17;
	s7 =	smin.u32 s7, $0x410;
	s15 =	sadd.s32 @!p0 s3, s15  }
0xa6: {  	[hbm:s15], [sflag:s26] =	dma.local @!p0 [spmem:s28], $0x5000  }
0xa7: {  	s17 =	simm.s32 @!p2 $0x0;
	s31 =	smul.u32 $0xFFFFCCCD, s7;
	s15 =	sshll.u32 @!p2 s2, $0x9  }
0xa8: {  	s17 =	simm.s32 @p2 $0x1;
	s26 =	sshll.u32 @!p2 s6, $0x6;
	s15 =	sadd.s32 @!p2 s14, s15  }
0xa9: {  	s28 =	sshrl.u32 @!p2 s4, $0x3;
	[smem:$0x7FB] =	sst s17;
	s15 =	sshrl.u32 @!p2 s15, $0x3  }
0xaa: {  	s26 =	sor.u32 @!p2 $0x1C03, s26;
	s18 =	sand.u32 $0xFFF0, s31;
	s15 =	sadd.s32 @!p2 s3, s15  }
0xab: {  	[hbm:s15], [sflag:s26] =	dma.local @!p2 [spmem:s28], $0x2800  }
0xac: {  	p5 =	seq.s32 s10, $0x1;
	s16 =	sshll.u32 s31, $0xC;
	s15 =	sshrl.u32 s18, $0x4  }
0xad: {  	s7 =	smul.u32 $0x667, s7;
	s2 =	sadd.s32 s19, s2;
	s15 =	sor.u32 s16, s15  }
0xae: {  	s26 =	smul.u32 $0x28, s23;
	p2 =	seq.s32 s23, $0x0;
	s15 =	sand.u32 $0xFFFF, s15  }
0xaf: {  	s17 =	simm.s32 @!p2 $0x0;
	p3 =	sgt.u32 s15, $0x333;
	s15 =	sshll.u32 @!p2 s2, $0x9  }
0xb0: {  	s16 =	sshrl.u32 @!p2 s4, $0x3;
	s17 =	simm.s32 @p2 $0x1;
	s15 =	sadd.s32 @!p2 s14, s15  }
0xb1: {  	[smem:$0x7FC] =	sst s17;
	s10 =	sshrl.u32 @!p2 s15, $0x3;
	s15 =	sshll.u32 @!p2 s6, $0x6  }
0xb2: {  	p0 =	por !p6, !p3;
	s10 =	sadd.s32 @!p2 s3, s10;
	s15 =	sor.u32 @!p2 $0x1C03, s15  }
0xb3: {  	[hbm:s10], [sflag:s15] =	dma.local @!p2 [spmem:s16], $0x1400  }
0xb4: {  	s2 =	sadd.s32 s26, s2;
	p0 =	por !p0, !p0;
	s10 =	simm.s32 $0x1  }
0xb5: {  	s7 =	sshrl.u32 s7, $0x11;
	s2 =	sshll.u32 @p5 s2, $0x9;
	s10 =	simm.s32 @!p0 $0x0  }
0xb6: {  	s15 =	sadd.s32 @p5 s14, s2;
	s2 =	ssub.s32 s7, s10  }
0xb7: {  	s7 =	sshrl.u32 @p5 s15, $0x3;
	s10 =	sshll.u32 @p5 s6, $0x6;
	s15 =	sshrl.u32 @p5 s4, $0x3  }
0xb8: {  	s7 =	sadd.s32 @p5 s3, s7;
	s10 =	sor.u32 @p5 $0x1C03, s10;
	p6 =	slt.s32 s2, $0x1  }
0xb9: {  	[hbm:s7], [sflag:s10] =	dma.local @p5 [spmem:s15], $0xA00  }
0xba: {  	s28 =	sadd.s32 $0x1, s2;
	p4 =	slt.s32 s2, $0x0;
	s7 =	simm.s32 @!p6 $0x0  }
0xbb: {  	p0 =	seq.s32 @!p6 s2, $0x1;
	s31 =	sand.u32 $0x1, s28;
	s10 =	rddreg [dreg:$0x8]  }
0xbc: {  	p1 =	por p0, p6;
	p3 =	seq.s32 s31, $0x1;
	s16 =	rddreg [dreg:$0x9]  }
0xbd: {  	[tilespmem:s7], [sflag:$0x1] =	stream.linear.gather @!p6 [hbm4b:s10+s7], $0xA000, $0x38;
	[tilespmem:$0x1D080] =	vst v63  }
0xbe: {  	p2 =	por !p4, !p3;
	s10 =	simm.s32 @!p1 $0x0;
	s15 =	simm.s32 @!p1 $0xA000  }
0xbf: {  	[tilespmem:s15], [sflag:$0x2] =	stream.linear.gather @!p1 [hbm4b:s16+s10], $0xA000, $0x38;
	[tilespmem:$0x1D080] =	vst v63  }
0xc0: {  	p2 =	por !p2, !p2;
	s10 =	simm.s32 $0x1  }
0xc1: {  	s7 =	sshrl.u32 s28, $0x1;
	s10 =	simm.s32 @!p2 $0x0  }
0xc2: {  	s10 =	ssub.s32 s7, s10  }
0xc3: {  	p3 =	slt.s32 s10, $0x1  }
0xc4: {  	s15 =	simm.s32 @!p3 $0x1  }
0xc5: {  	p4 =	slt.s32 @!p3 s2, $0x2;
	_ =	swait.ge @!p3 [sflag:s15], $0xA000  }
0xc6: {  	p4 =	por p4, p3;
	[sflag:s15] =	ssyncset.done @!p3 $0x0  }
0xc7: {  	s16 =	rddreg [dreg:$0xb];
	[sflag:s15] =	ssyncadd.s32 @!p3 $0xFFFF6000;
	s15 =	simm.s32 @!p3 $0x0  }
0xc8: {  	[hbm4b:s16+s15] =	stream.linear.scatter @!p3 [tilespmem:s15], [sflag:$0x4], $0xA000, $0x38;
	[tilespmem:$0x1D080] =	vst v63  }
0xc9: {  	s15 =	simm.s32 @!p4 $0x2  }
0xca: {  	_ =	swait.ge @!p4 [sflag:s15], $0xA000  }
0xcb: {  	s16 =	simm.s32 @!p4 $0xA000;
	[sflag:s15] =	ssyncset.done @!p4 $0x0  }
0xcc: {  	s17 =	rddreg [dreg:$0xc];
	[sflag:s15] =	ssyncadd.s32 @!p4 $0xFFFF6000;
	s15 =	simm.s32 @!p4 $0x0  }
0xcd: {  	[hbm4b:s17+s15] =	stream.linear.scatter @!p4 [tilespmem:s16], [sflag:$0x5], $0xA000, $0x38;
	[tilespmem:$0x1D080] =	vst v63  }
0xce: {  	p4 =	seq.s32 @!p3 s10, $0x1  }
0xcf: {  	p3 =	por p3, p4  }
.Ltmp2:
0xd0: {  	_ = 	snop;
	(pc) =	sbr.rel @p3 .LBB2_5-.Ltmp2, $1  }
0xd1: {  	_ =	sdelay $0x3  }
0xd2: {  	s10 =	simm.s32 $0xFFFFFFFF;
	s23 =	sadd.s32 s21, s9;
	_ =	swait.ge [sflag:s29], $0xA000  }
0xd3: {  	s15 =	sadd.s32 s20, s9;
	s10 =	simm.s32 @!p2 $0x0;
	[sflag:s29] =	ssyncset.done $0x0  }
0xd4: {  	s15 =	sadd.s32 $0x14000, s15;
	p2 =	sle.s32 s2, $0x3;
	s7 =	sadd.s32 s10, s7  }
0xd5: {  	s10 =	sadd.s32 $0x14000, s23;
	[sflag:s29] =	ssyncadd.s32 $0xFFFF6000;
	s26 =	sshrl.u32 s15, $0x3  }
0xd6: {  	s15 =	simm.s32 @!p2 $0x5;
	s16 =	sadd.s32 @!p2 s21, s9;
	s10 =	sshrl.u32 s10, $0x3  }
0xd7: {  	s28 =	simm.s32 @!p2 $0xA000;
	s23 =	sadd.s32 $0x14000, s20;
	s10 =	sadd.s32 s1, s10  }
0xd8: {  	[tilespmem:s5], [sflag:$0x1] =	stream.linear.gather [hbm4b:s10+s5], $0xA000, $0x38;
	[tilespmem:$0x1D080] =	vst v63  }
0xd9: {  	s31 =	simm.s32 @!p2 $0x2;
	s7 =	sadd.s32 $0xFFFFFFFF, s7;
	_ =	swait.ge [sflag:s25], $0xA000  }
0xda: {  	s16 =	sadd.s32 @!p2 $0x1E000, s16;
	s7 =	sadd.s32 $0xFFFFFFFF, s7;
	[sflag:s25] =	ssyncset.done $0x0  }
0xdb: {  	s10 =	sadd.s32 s3, s26;
	p3 =	sne.s32 s7, $0x0;
	[sflag:s25] =	ssyncadd.s32 $0xFFFF6000  }
0xdc: {  	[hbm4b:s10+s5] =	stream.linear.scatter [tilespmem:s5], [sflag:$0x4], $0xA000, $0x38;
	[tilespmem:$0x1D080] =	vst v63  }
.Ltmp3:
0xdd: {  	s26 =	simm.s32 @!p2 $0x0;
	_ =	swait.ge @!p2 [sflag:s15], $0xA000;
	(pc) =	sbr.rel @!p3 .LBB2_4-.Ltmp3, $4  }
0xde: {  	s10 =	sshrl.u32 @!p2 s16, $0x3;
	s16 =	sadd.s32 @!p2 s20, s9;
	[sflag:s15] =	ssyncset.done @!p2 $0x0  }
0xdf: {  	s10 =	sadd.s32 @!p2 s1, s10;
	s16 =	sadd.s32 @!p2 $0x1E000, s16;
	[sflag:s15] =	ssyncadd.s32 @!p2 $0xFFFF6000  }
0xe0: {  	[tilespmem:s28], [sflag:$0x2] =	stream.linear.gather @!p2 [hbm4b:s10+s26], $0xA000, $0x38;
	[tilespmem:$0x1D080] =	vst v63  }
0xe1: {  	s16 =	sshrl.u32 @!p2 s16, $0x3;
	s15 =	simm.s32 $0x5;
	s10 =	sadd.s32 $0x14000, s21  }
.LBB2_3:
0xe2: {  	s7 =	sadd.s32 $0xFFFFFFFF, s7;
	_ =	swait.ge @!p2 [sflag:s31], $0xA000;
	s16 =	sadd.s32 @!p2 s3, s16  }
0xe3: {  	s17 =	smov.u32 s10;
	p3 =	sne.s32 s7, $0x0;
	[sflag:s31] =	ssyncset.done @!p2 $0x0  }
0xe4: {  	s18 =	sadd.s32 s10, s9;
	[sflag:s31] =	ssyncadd.s32 @!p2 $0xFFFF6000;
	s31 =	smov.u32 s15  }
0xe5: {  	s19 =	smov.u32 s23;
	s18 =	sadd.s32 $0x14000, s18  }
0xe6: {  	s10 =	sadd.s32 $0x14000, s10;
	s18 =	sshrl.u32 s18, $0x3;
	s15 =	sadd.s32 $0x2, s15  }
0xe7: {  	[hbm4b:s16+s26] =	stream.linear.scatter @!p2 [tilespmem:s28], [sflag:$0x5], $0xA000, $0x38;
	[tilespmem:$0x1D080] =	vst v63  }
0xe8: {  	s23 =	sadd.s32 $0x14000, s23;
	s16 =	sadd.s32 s19, s9;
	_ =	swait.ge [sflag:s29], $0xA000  }
0xe9: {  	p2 =	sge.s32 s31, s2;
	s16 =	sadd.s32 $0x14000, s16;
	[sflag:s29] =	ssyncset.done $0x0  }
0xea: {  	s18 =	sadd.s32 s1, s18;
	s16 =	sshrl.u32 s16, $0x3;
	[sflag:s29] =	ssyncadd.s32 $0xFFFF6000  }
0xeb: {  	[tilespmem:s5], [sflag:$0x1] =	stream.linear.gather [hbm4b:s18+s5], $0xA000, $0x38;
	[tilespmem:$0x1D080] =	vst v63  }
0xec: {  	s17 =	sadd.s32 @!p2 s17, s9;
	s18 =	simm.s32 @!p2 $0x5;
	_ =	swait.ge [sflag:s25], $0xA000  }
0xed: {  	s19 =	sadd.s32 @!p2 s19, s9;
	s17 =	sadd.s32 @!p2 $0x1E000, s17;
	[sflag:s25] =	ssyncset.done $0x0  }
0xee: {  	s16 =	sadd.s32 s3, s16;
	s17 =	sshrl.u32 @!p2 s17, $0x3;
	[sflag:s25] =	ssyncadd.s32 $0xFFFF6000  }
0xef: {  	[hbm4b:s16+s5] =	stream.linear.scatter [tilespmem:s5], [sflag:$0x4], $0xA000, $0x38;
	[tilespmem:$0x1D080] =	vst v63  }
.Ltmp4:
0xf0: {  	_ = 	snop;
	(pc) =	sbr.rel @p3 .LBB2_3-.Ltmp4, $4  }
0xf1: {  	s31 =	simm.s32 @!p2 $0x2;
	s16 =	sadd.s32 @!p2 $0x1E000, s19;
	_ =	swait.ge @!p2 [sflag:s18], $0xA000  }
0xf2: {  	s17 =	sadd.s32 @!p2 s1, s17;
	s16 =	sshrl.u32 @!p2 s16, $0x3;
	[sflag:s18] =	ssyncset.done @!p2 $0x0  }
0xf3: {  	s26 =	simm.s32 @!p2 $0x0;
	s28 =	simm.s32 @!p2 $0xA000;
	[sflag:s18] =	ssyncadd.s32 @!p2 $0xFFFF6000  }
0xf4: {  	[tilespmem:s28], [sflag:$0x2] =	stream.linear.gather @!p2 [hbm4b:s17+s26], $0xA000, $0x38;
	[tilespmem:$0x1D080] =	vst v63  }
.LBB2_4:
0xf5: {  	_ =	swait.ge @!p2 [sflag:s31], $0xA000  }
0xf6: {  	[sflag:s31] =	ssyncset.done @!p2 $0x0  }
0xf7: {  	s7 =	sadd.s32 @!p2 s3, s16;
	[sflag:s31] =	ssyncadd.s32 @!p2 $0xFFFF6000  }
0xf8: {  	[hbm4b:s7+s26] =	stream.linear.scatter @!p2 [tilespmem:s28], [sflag:$0x5], $0xA000, $0x38;
	[tilespmem:$0x1D080] =	vst v63  }
.LBB2_5:
0xf9: {  	p2 =	por @!p6 $0x0, $0x0;
	p1 =	por @!p1 $0x1, $0x1;
	p0 =	por !p0, p6  }
0xfa: {  	p1 =	por @!p0 p2, p2;
	p0 =	por $0x0, $0x0  }
0xfb: {  	p0 =	por @!p6 p1, p1;
	p1 =	slt.s32 s0, s8  }
0xfc: {  	s7 =	simm.s32 @!p6 $0x4;
	p2 =	sge.s32 @!p1 s0, s12  }
0xfd: {  	_ =	swait.ge @!p6 [sflag:s7], $0xA000;
	p1 =	por p1, p2  }
.Ltmp5:
0xfe: {  	[sflag:s7] =	ssyncset.done @!p6 $0x0;
	(pc) =	sbr.rel @p1 .LBB2_17-.Ltmp5, $4  }
0xff: {  	[sflag:s7] =	ssyncadd.s32 @!p6 $0xFFFF6000;
	s7 =	simm.s32 @p0 $0x5  }
0x100: {  	_ =	swait.ge @p0 [sflag:s7], $0xA000  }
0x101: {  	[sflag:s7] =	ssyncset.done @p0 $0x0  }
0x102: {  	[sflag:s7] =	ssyncadd.s32 @p0 $0xFFFF6000  }
0x103: {  	s7 =	rddreg [dreg:$0x6];
	s10 =	simm.s32 $0x14000;
	s31 =	sand.u32 $0x7, s0  }
0x104: {  	[tilespmem:s10], [sflag:$0x6] =	stream.linear.gather [hbm4b:s7+s5], $0x4000, $0x38;
	[tilespmem:$0x1D080] =	vst v63  }
0x105: {  	p0 =	slt.s32 s0, $0x1;
	p1 =	sne.s32 s31, $0x0  }
0x106: {  	p0 =	por !p0, !p1  }
0x107: {  	s7 =	simm.s32 $0xFFFFFFFF;
	p0 =	por !p0, !p0  }
0x108: {  	s7 =	simm.s32 @!p0 $0x0  }
0x109: {  	s7 =	sshll.u32 s7, $0x3  }
0x10a: {  	s7 =	sadd.s32 s7, s0  }
0x10b: {  	s2 =	smul.u32 $0x50, s2;
	s7 =	sand.u32 $0xFFFFFFF8, s7  }
0x10c: {  	p0 =	slt.s32 s7, $0x7D0  }
0x10d: {  	s10 =	sadd.s32 s8, s2;
	s7 =	simm.s32 @!p0 $0x7D0  }
0x10e: {  	s2 =	ssub.s32 s7, s10  }
0x10f: {  	p0 =	slt.s32 s2, $0x1  }
.Ltmp6:
0x110: {  	_ = 	snop;
	(pc) =	sbr.rel @p0 .LBB2_8-.Ltmp6, $4  }
0x111: {  	_ = 	snop  }
0x112: {  	_ =	swait.ge [sflag:s24], $0x4000  }
0x113: {  	[sflag:s24] =	ssyncset.done $0x0  }
0x114: {  	[sflag:s24] =	ssyncadd.s32 $0xFFFFC000  }
0x115: {  	p0 =	slt.s32 s10, $0x7B0;
	s15 =	smov.u32 s10  }
0x116: {  	s15 =	simm.s32 @!p0 $0x7B0  }
0x117: {  	s16 =	sshll.u32 s15, $0x9  }
0x118: {  	s26 =	sand.u32 $0x40, s2;
	s16 =	sadd.s32 s13, s16  }
0x119: {  	s28 =	sand.u32 $0x20, s2;
	p0 =	seq.s32 s26, $0x0;
	s16 =	sshrl.u32 s16, $0x3  }
0x11a: {  	s17 =	sshll.u32 @!p0 s10, $0x9;
	s15 =	ssub.s32 s10, s15;
	s16 =	sadd.s32 s1, s16  }
0x11b: {  	[tilespmem:s5], [sflag:$0x6] =	stream.linear.gather [hbm4b:s16+s5], $0xA000, $0x38;
	[tilespmem:$0x1D080] =	vst v63  }
0x11c: {  	s19 =	simm.s32 @!p0 $0x0;
	s17 =	sadd.s32 @!p0 s14, s17;
	_ =	swait.ge [sflag:s24], $0xA000  }
0x11d: {  	s18 =	sshll.u32 @!p0 s15, $0xB;
	s17 =	sshrl.u32 @!p0 s17, $0x3;
	[sflag:s24] =	ssyncset.done $0x0  }
0x11e: {  	s18 =	sshra.s32 @!p0 s18, $0x2;
	s17 =	sadd.s32 @!p0 s3, s17;
	[sflag:s24] =	ssyncadd.s32 $0xFFFF6000  }
0x11f: {  	[hbm4b:s17+s19] =	stream.linear.scatter @!p0 [tilespmem:s18], [sflag:$0x6], $0x8000, $0x38;
	[tilespmem:$0x1D080] =	vst v63  }
0x120: {  	p1 =	seq.s32 s28, $0x0;
	s10 =	sadd.s32 s10, s26;
	s18 =	simm.s32 @!p0 $0x6  }
0x121: {  	s19 =	sshll.u32 @!p1 s10, $0x9;
	_ =	swait.ge @!p0 [sflag:s18], $0x8000  }
0x122: {  	s15 =	sadd.s32 s26, s15;
	s16 =	sadd.s32 @!p1 s14, s19;
	[sflag:s18] =	ssyncset.done @!p0 $0x0  }
0x123: {  	s16 =	sshrl.u32 @!p1 s16, $0x3;
	[sflag:s18] =	ssyncadd.s32 @!p0 $0xFFFF8000;
	s18 =	sshll.u32 @!p1 s15, $0xB  }
0x124: {  	s19 =	simm.s32 @!p1 $0x0;
	s16 =	sadd.s32 @!p1 s3, s16;
	s18 =	sshra.s32 @!p1 s18, $0x2  }
0x125: {  	[hbm4b:s16+s19] =	stream.linear.scatter @!p1 [tilespmem:s18], [sflag:$0x6], $0x4000, $0x38;
	[tilespmem:$0x1D080] =	vst v63  }
0x126: {  	s2 =	sand.u32 $0x10, s2;
	s31 =	sand.u32 $0x8, s7;
	s16 =	simm.s32 @!p1 $0x6  }
0x127: {  	s10 =	sadd.s32 s28, s10;
	p0 =	seq.s32 s2, $0x0;
	_ =	swait.ge @!p1 [sflag:s16], $0x4000  }
0x128: {  	s15 =	sadd.s32 s28, s15;
	s18 =	sshll.u32 @!p0 s10, $0x9;
	[sflag:s16] =	ssyncset.done @!p1 $0x0  }
0x129: {  	s17 =	sadd.s32 @!p0 s14, s18;
	s18 =	simm.s32 @!p0 $0x0;
	[sflag:s16] =	ssyncadd.s32 @!p1 $0xFFFFC000  }
0x12a: {  	s16 =	sshrl.u32 @!p0 s17, $0x3;
	s17 =	sshll.u32 @!p0 s15, $0xB;
	p1 =	seq.s32 s31, $0x0  }
0x12b: {  	s16 =	sadd.s32 @!p0 s3, s16;
	s17 =	sshra.s32 @!p0 s17, $0x2;
	s10 =	sadd.s32 @!p1 s2, s10  }
0x12c: {  	[hbm4b:s16+s18] =	stream.linear.scatter @!p0 [tilespmem:s17], [sflag:$0x6], $0x2000, $0x38;
	[tilespmem:$0x1D080] =	vst v63  }
0x12d: {  	s2 =	sadd.s32 @!p1 s2, s15;
	s16 =	simm.s32 @!p0 $0x6;
	s10 =	sshll.u32 @!p1 s10, $0x9  }
0x12e: {  	s15 =	simm.s32 @!p1 $0x0;
	_ =	swait.ge @!p0 [sflag:s16], $0x2000;
	s10 =	sadd.s32 @!p1 s14, s10  }
0x12f: {  	s2 =	sshll.u32 @!p1 s2, $0x9;
	[sflag:s16] =	ssyncset.done @!p0 $0x0;
	s10 =	sshrl.u32 @!p1 s10, $0x3  }
0x130: {  	s2 =	sand.u32 @!p1 $0x7FFFF000, s2;
	[sflag:s16] =	ssyncadd.s32 @!p0 $0xFFFFE000;
	s10 =	sadd.s32 @!p1 s3, s10  }
0x131: {  	[hbm4b:s10+s15] =	stream.linear.scatter @!p1 [tilespmem:s2], [sflag:$0x6], $0x1000, $0x38;
	[tilespmem:$0x1D080] =	vst v63  }
0x132: {  	s2 =	simm.s32 @!p1 $0x6  }
0x133: {  	_ =	swait.ge @!p1 [sflag:s2], $0x1000  }
0x134: {  	[sflag:s2] =	ssyncset.done @!p1 $0x0  }
0x135: {  	[sflag:s2] =	ssyncadd.s32 @!p1 $0xFFFFF000  }
.LBB2_8:
0x136: {  	s31 =	sshll.u32 s7, $0x9  }
0x137: {  	s2 =	sadd.s32 s13, s31  }
0x138: {  	s2 =	sshrl.u32 s2, $0x3  }
0x139: {  	s10 =	simm.s32 $0x0;
	s15 =	simm.s32 $0xA000;
	s2 =	sadd.s32 s1, s2  }
0x13a: {  	[tilespmem:s15], [sflag:$0x6] =	stream.linear.gather [hbm4b:s2+s10], $0x6000, $0x38;
	[tilespmem:$0x1D080] =	vst v63  }
0x13b: {  	_ =	swait.ge [sflag:s24], $0x6000  }
0x13c: {  	s16 =	sand.u32 $0x3000, s10;
	s10 =	sand.u32 $0x380, s10;
	[sflag:s24] =	ssyncset.done $0x0  }
0x13d: {  	s10 =	sor.u32 s10, s16;
	[sflag:s24] =	ssyncadd.s32 $0xFFFFA000  }
0x13e: {  	s17 =	sshll.u32 s0, $0x7;
	s18 =	sshll.u32 s7, $0x7;
	s16 =	sshll.u32 s0, $0x9;
	v1 =	vld [tilespmem:s10+$0x14000]  }
0x13f: {  	s26 =	ssub.s32 s17, s18;
	s2 =	ssub.s32 s16, s31  }
0x140: {  	s23 =	sadd.s32 $0x0, s26;
	s19 =	sadd.s32 $0x0, s2  }
0x141: {  	s16 =	sand.u32 $0x380, s23;
	s15 =	sand.u32 $0xFFFFF000, s19  }
0x142: {  	s23 =	sor.u32 s16, s15  }
0x143: {  	[tilespmem:s23+$0xA000] =	vst v1  }
0x144: {  	v1 =	vld [tilespmem:s10+$0x14010];
	_ =	sdelay $0x4  }
0x145: {  	[tilespmem:s23+$0xA010] =	vst v1  }
0x146: {  	v1 =	vld [tilespmem:s10+$0x14020];
	_ =	sdelay $0x4  }
0x147: {  	[tilespmem:s23+$0xA020] =	vst v1  }
0x148: {  	v1 =	vld [tilespmem:s10+$0x14030];
	_ =	sdelay $0x4  }
0x149: {  	[tilespmem:s23+$0xA030] =	vst v1  }
0x14a: {  	v1 =	vld [tilespmem:s10+$0x14040];
	_ =	sdelay $0x4  }
0x14b: {  	[tilespmem:s23+$0xA040] =	vst v1  }
0x14c: {  	v1 =	vld [tilespmem:s10+$0x14050];
	_ =	sdelay $0x4  }
0x14d: {  	[tilespmem:s23+$0xA050] =	vst v1  }
0x14e: {  	v1 =	vld [tilespmem:s10+$0x14060];
	_ =	sdelay $0x4  }
0x14f: {  	[tilespmem:s23+$0xA060] =	vst v1  }
0x150: {  	v1 =	vld [tilespmem:s10+$0x14070];
	_ =	sdelay $0x4  }
0x151: {  	[tilespmem:s23+$0xA070] =	vst v1  }
0x152: {  	v1 =	vld [tilespmem:s10+$0x14400];
	_ =	sdelay $0x4  }
0x153: {  	[tilespmem:s23+$0xA400] =	vst v1  }
0x154: {  	v1 =	vld [tilespmem:s10+$0x14410];
	_ =	sdelay $0x4  }
0x155: {  	[tilespmem:s23+$0xA410] =	vst v1  }
0x156: {  	v1 =	vld [tilespmem:s10+$0x14420];
	_ =	sdelay $0x4  }
0x157: {  	[tilespmem:s23+$0xA420] =	vst v1  }
0x158: {  	v1 =	vld [tilespmem:s10+$0x14430];
	_ =	sdelay $0x4  }
0x159: {  	[tilespmem:s23+$0xA430] =	vst v1  }
0x15a: {  	v1 =	vld [tilespmem:s10+$0x14440];
	_ =	sdelay $0x4  }
0x15b: {  	[tilespmem:s23+$0xA440] =	vst v1  }
0x15c: {  	v1 =	vld [tilespmem:s10+$0x14450];
	_ =	sdelay $0x4  }
0x15d: {  	[tilespmem:s23+$0xA450] =	vst v1  }
0x15e: {  	v1 =	vld [tilespmem:s10+$0x14460];
	_ =	sdelay $0x4  }
0x15f: {  	[tilespmem:s23+$0xA460] =	vst v1  }
0x160: {  	v1 =	vld [tilespmem:s10+$0x14470];
	_ =	sdelay $0x4  }
0x161: {  	[tilespmem:s23+$0xA470] =	vst v1  }
0x162: {  	v1 =	vld [tilespmem:s10+$0x14800];
	_ =	sdelay $0x4  }
0x163: {  	[tilespmem:s23+$0xA800] =	vst v1  }
0x164: {  	v1 =	vld [tilespmem:s10+$0x14810];
	_ =	sdelay $0x4  }
0x165: {  	[tilespmem:s23+$0xA810] =	vst v1  }
0x166: {  	v1 =	vld [tilespmem:s10+$0x14820];
	_ =	sdelay $0x4  }
0x167: {  	[tilespmem:s23+$0xA820] =	vst v1  }
0x168: {  	v1 =	vld [tilespmem:s10+$0x14830];
	_ =	sdelay $0x4  }
0x169: {  	[tilespmem:s23+$0xA830] =	vst v1  }
0x16a: {  	v1 =	vld [tilespmem:s10+$0x14840];
	_ =	sdelay $0x4  }
0x16b: {  	[tilespmem:s23+$0xA840] =	vst v1  }
0x16c: {  	v1 =	vld [tilespmem:s10+$0x14850];
	_ =	sdelay $0x4  }
0x16d: {  	[tilespmem:s23+$0xA850] =	vst v1  }
0x16e: {  	v1 =	vld [tilespmem:s10+$0x14860];
	_ =	sdelay $0x4  }
0x16f: {  	[tilespmem:s23+$0xA860] =	vst v1  }
0x170: {  	v1 =	vld [tilespmem:s10+$0x14870];
	_ =	sdelay $0x4  }
0x171: {  	[tilespmem:s23+$0xA870] =	vst v1  }
0x172: {  	v1 =	vld [tilespmem:s10+$0x14C00];
	_ =	sdelay $0x4  }
0x173: {  	[tilespmem:s23+$0xAC00] =	vst v1  }
0x174: {  	v1 =	vld [tilespmem:s10+$0x14C10];
	_ =	sdelay $0x4  }
0x175: {  	[tilespmem:s23+$0xAC10] =	vst v1  }
0x176: {  	v1 =	vld [tilespmem:s10+$0x14C20];
	_ =	sdelay $0x4  }
0x177: {  	[tilespmem:s23+$0xAC20] =	vst v1  }
0x178: {  	v1 =	vld [tilespmem:s10+$0x14C30];
	_ =	sdelay $0x4  }
0x179: {  	[tilespmem:s23+$0xAC30] =	vst v1  }
0x17a: {  	v1 =	vld [tilespmem:s10+$0x14C40];
	_ =	sdelay $0x4  }
0x17b: {  	[tilespmem:s23+$0xAC40] =	vst v1  }
0x17c: {  	v1 =	vld [tilespmem:s10+$0x14C50];
	_ =	sdelay $0x4  }
0x17d: {  	[tilespmem:s23+$0xAC50] =	vst v1  }
0x17e: {  	v1 =	vld [tilespmem:s10+$0x14C60];
	_ =	sdelay $0x4  }
0x17f: {  	[tilespmem:s23+$0xAC60] =	vst v1  }
0x180: {  	v1 =	vld [tilespmem:s10+$0x14C70];
	_ =	sdelay $0x2  }
0x181: {  	s28 =	simm.s32 $0x200;
	s0 =	ssub.s32 s0, s7;
	s7 =	simm.s32 $0x80  }
0x182: {  	s15 =	sand.u32 $0x3000, s28;
	s16 =	sand.u32 $0x380, s7;
	s10 =	simm.s32 $0x400  }
.LBB2_9:
0x183: {  	p6 =	sne.s32 s10, $0x3E00;
	s15 =	sor.u32 s16, s15;
	[tilespmem:s23+$0xAC70] =	vst v1  }
0x184: {  	v1 =	vld [tilespmem:s15+$0x14000];
	_ =	sdelay $0x1  }
0x185: {  	s16 =	sadd.s32 s28, s2;
	s17 =	sadd.s32 s7, s26;
	s28 =	smov.u32 s10  }
0x186: {  	s16 =	sand.u32 $0xFFFFF000, s16;
	s17 =	sand.u32 $0x380, s17  }
0x187: {  	s23 =	sor.u32 s17, s16  }
0x188: {  	[tilespmem:s23+$0xA000] =	vst v1  }
0x189: {  	v1 =	vld [tilespmem:s15+$0x14010];
	_ =	sdelay $0x4  }
0x18a: {  	[tilespmem:s23+$0xA010] =	vst v1  }
0x18b: {  	v1 =	vld [tilespmem:s15+$0x14020];
	_ =	sdelay $0x4  }
0x18c: {  	[tilespmem:s23+$0xA020] =	vst v1  }
0x18d: {  	v1 =	vld [tilespmem:s15+$0x14030];
	_ =	sdelay $0x4  }
0x18e: {  	[tilespmem:s23+$0xA030] =	vst v1  }
0x18f: {  	v1 =	vld [tilespmem:s15+$0x14040];
	_ =	sdelay $0x4  }
0x190: {  	[tilespmem:s23+$0xA040] =	vst v1  }
0x191: {  	v1 =	vld [tilespmem:s15+$0x14050];
	_ =	sdelay $0x4  }
0x192: {  	[tilespmem:s23+$0xA050] =	vst v1  }
0x193: {  	v1 =	vld [tilespmem:s15+$0x14060];
	_ =	sdelay $0x4  }
0x194: {  	[tilespmem:s23+$0xA060] =	vst v1  }
0x195: {  	v1 =	vld [tilespmem:s15+$0x14070];
	_ =	sdelay $0x4  }
0x196: {  	[tilespmem:s23+$0xA070] =	vst v1  }
0x197: {  	v1 =	vld [tilespmem:s15+$0x14400];
	_ =	sdelay $0x4  }
0x198: {  	[tilespmem:s23+$0xA400] =	vst v1  }
0x199: {  	v1 =	vld [tilespmem:s15+$0x14410];
	_ =	sdelay $0x4  }
0x19a: {  	[tilespmem:s23+$0xA410] =	vst v1  }
0x19b: {  	v1 =	vld [tilespmem:s15+$0x14420];
	_ =	sdelay $0x4  }
0x19c: {  	[tilespmem:s23+$0xA420] =	vst v1  }
0x19d: {  	v1 =	vld [tilespmem:s15+$0x14430];
	_ =	sdelay $0x4  }
0x19e: {  	[tilespmem:s23+$0xA430] =	vst v1  }
0x19f: {  	v1 =	vld [tilespmem:s15+$0x14440];
	_ =	sdelay $0x4  }
0x1a0: {  	[tilespmem:s23+$0xA440] =	vst v1  }
0x1a1: {  	v1 =	vld [tilespmem:s15+$0x14450];
	_ =	sdelay $0x4  }
0x1a2: {  	[tilespmem:s23+$0xA450] =	vst v1  }
0x1a3: {  	v1 =	vld [tilespmem:s15+$0x14460];
	_ =	sdelay $0x4  }
0x1a4: {  	[tilespmem:s23+$0xA460] =	vst v1  }
0x1a5: {  	v1 =	vld [tilespmem:s15+$0x14470];
	_ =	sdelay $0x4  }
0x1a6: {  	[tilespmem:s23+$0xA470] =	vst v1  }
0x1a7: {  	v1 =	vld [tilespmem:s15+$0x14800];
	_ =	sdelay $0x4  }
0x1a8: {  	[tilespmem:s23+$0xA800] =	vst v1  }
0x1a9: {  	v1 =	vld [tilespmem:s15+$0x14810];
	_ =	sdelay $0x4  }
0x1aa: {  	[tilespmem:s23+$0xA810] =	vst v1  }
0x1ab: {  	v1 =	vld [tilespmem:s15+$0x14820];
	_ =	sdelay $0x4  }
0x1ac: {  	[tilespmem:s23+$0xA820] =	vst v1  }
0x1ad: {  	v1 =	vld [tilespmem:s15+$0x14830];
	_ =	sdelay $0x4  }
0x1ae: {  	[tilespmem:s23+$0xA830] =	vst v1  }
0x1af: {  	v1 =	vld [tilespmem:s15+$0x14840];
	_ =	sdelay $0x4  }
0x1b0: {  	[tilespmem:s23+$0xA840] =	vst v1  }
0x1b1: {  	v1 =	vld [tilespmem:s15+$0x14850];
	_ =	sdelay $0x4  }
0x1b2: {  	[tilespmem:s23+$0xA850] =	vst v1  }
0x1b3: {  	v1 =	vld [tilespmem:s15+$0x14860];
	_ =	sdelay $0x4  }
0x1b4: {  	[tilespmem:s23+$0xA860] =	vst v1  }
0x1b5: {  	v1 =	vld [tilespmem:s15+$0x14870];
	_ =	sdelay $0x4  }
0x1b6: {  	[tilespmem:s23+$0xA870] =	vst v1  }
0x1b7: {  	v1 =	vld [tilespmem:s15+$0x14C00];
	_ =	sdelay $0x4  }
0x1b8: {  	[tilespmem:s23+$0xAC00] =	vst v1  }
0x1b9: {  	v1 =	vld [tilespmem:s15+$0x14C10];
	_ =	sdelay $0x4  }
0x1ba: {  	[tilespmem:s23+$0xAC10] =	vst v1  }
0x1bb: {  	v1 =	vld [tilespmem:s15+$0x14C20];
	_ =	sdelay $0x4  }
0x1bc: {  	[tilespmem:s23+$0xAC20] =	vst v1  }
0x1bd: {  	v1 =	vld [tilespmem:s15+$0x14C30];
	_ =	sdelay $0x4  }
0x1be: {  	[tilespmem:s23+$0xAC30] =	vst v1  }
0x1bf: {  	v1 =	vld [tilespmem:s15+$0x14C40];
	_ =	sdelay $0x4  }
0x1c0: {  	[tilespmem:s23+$0xAC40] =	vst v1  }
0x1c1: {  	v1 =	vld [tilespmem:s15+$0x14C50];
	_ =	sdelay $0x4  }
0x1c2: {  	[tilespmem:s23+$0xAC50] =	vst v1  }
0x1c3: {  	v1 =	vld [tilespmem:s15+$0x14C60];
	_ =	sdelay $0x4  }
0x1c4: {  	[tilespmem:s23+$0xAC60] =	vst v1  }
.Ltmp7:
0x1c5: {  	v1 =	vld [tilespmem:s15+$0x14C70];
	(pc) =	sbr.rel @p6 .LBB2_9-.Ltmp7, $3  }
0x1c6: {  	_ =	sdelay $0x1  }
0x1c7: {  	s7 =	sadd.s32 $0x80, s7  }
0x1c8: {  	s10 =	sadd.s32 $0x200, s10;
	s16 =	sand.u32 $0x380, s7;
	s15 =	sand.u32 $0x3000, s28  }
0x1c9: {  	s10 =	sor.u32 s16, s15;
	[tilespmem:s23+$0xAC70] =	vst v1  }
0x1ca: {  	v1 =	vld [tilespmem:s10+$0x14000];
	_ =	sdelay $0x1  }
0x1cb: {  	s2 =	sadd.s32 s28, s2;
	s7 =	sadd.s32 s7, s26  }
0x1cc: {  	s2 =	sand.u32 $0xFFFFF000, s2;
	s7 =	sand.u32 $0x380, s7  }
0x1cd: {  	s2 =	sor.u32 s7, s2  }
0x1ce: {  	[tilespmem:s2+$0xA000] =	vst v1  }
0x1cf: {  	v1 =	vld [tilespmem:s10+$0x14010];
	_ =	sdelay $0x4  }
0x1d0: {  	[tilespmem:s2+$0xA010] =	vst v1  }
0x1d1: {  	v1 =	vld [tilespmem:s10+$0x14020];
	_ =	sdelay $0x4  }
0x1d2: {  	[tilespmem:s2+$0xA020] =	vst v1  }
0x1d3: {  	v1 =	vld [tilespmem:s10+$0x14030];
	_ =	sdelay $0x4  }
0x1d4: {  	[tilespmem:s2+$0xA030] =	vst v1  }
0x1d5: {  	v1 =	vld [tilespmem:s10+$0x14040];
	_ =	sdelay $0x4  }
0x1d6: {  	[tilespmem:s2+$0xA040] =	vst v1  }
0x1d7: {  	v1 =	vld [tilespmem:s10+$0x14050];
	_ =	sdelay $0x4  }
0x1d8: {  	[tilespmem:s2+$0xA050] =	vst v1  }
0x1d9: {  	v1 =	vld [tilespmem:s10+$0x14060];
	_ =	sdelay $0x4  }
0x1da: {  	[tilespmem:s2+$0xA060] =	vst v1  }
0x1db: {  	v1 =	vld [tilespmem:s10+$0x14070];
	_ =	sdelay $0x4  }
0x1dc: {  	[tilespmem:s2+$0xA070] =	vst v1  }
0x1dd: {  	v1 =	vld [tilespmem:s10+$0x14400];
	_ =	sdelay $0x4  }
0x1de: {  	[tilespmem:s2+$0xA400] =	vst v1  }
0x1df: {  	v1 =	vld [tilespmem:s10+$0x14410];
	_ =	sdelay $0x4  }
0x1e0: {  	[tilespmem:s2+$0xA410] =	vst v1  }
0x1e1: {  	v1 =	vld [tilespmem:s10+$0x14420];
	_ =	sdelay $0x4  }
0x1e2: {  	[tilespmem:s2+$0xA420] =	vst v1  }
0x1e3: {  	v1 =	vld [tilespmem:s10+$0x14430];
	_ =	sdelay $0x4  }
0x1e4: {  	[tilespmem:s2+$0xA430] =	vst v1  }
0x1e5: {  	v1 =	vld [tilespmem:s10+$0x14440];
	_ =	sdelay $0x4  }
0x1e6: {  	[tilespmem:s2+$0xA440] =	vst v1  }
0x1e7: {  	v1 =	vld [tilespmem:s10+$0x14450];
	_ =	sdelay $0x4  }
0x1e8: {  	[tilespmem:s2+$0xA450] =	vst v1  }
0x1e9: {  	v1 =	vld [tilespmem:s10+$0x14460];
	_ =	sdelay $0x4  }
0x1ea: {  	[tilespmem:s2+$0xA460] =	vst v1  }
0x1eb: {  	v1 =	vld [tilespmem:s10+$0x14470];
	_ =	sdelay $0x4  }
0x1ec: {  	[tilespmem:s2+$0xA470] =	vst v1  }
0x1ed: {  	v1 =	vld [tilespmem:s10+$0x14800];
	_ =	sdelay $0x4  }
0x1ee: {  	[tilespmem:s2+$0xA800] =	vst v1  }
0x1ef: {  	v1 =	vld [tilespmem:s10+$0x14810];
	_ =	sdelay $0x4  }
0x1f0: {  	[tilespmem:s2+$0xA810] =	vst v1  }
0x1f1: {  	v1 =	vld [tilespmem:s10+$0x14820];
	_ =	sdelay $0x4  }
0x1f2: {  	[tilespmem:s2+$0xA820] =	vst v1  }
0x1f3: {  	v1 =	vld [tilespmem:s10+$0x14830];
	_ =	sdelay $0x4  }
0x1f4: {  	[tilespmem:s2+$0xA830] =	vst v1  }
0x1f5: {  	v1 =	vld [tilespmem:s10+$0x14840];
	_ =	sdelay $0x4  }
0x1f6: {  	[tilespmem:s2+$0xA840] =	vst v1  }
0x1f7: {  	v1 =	vld [tilespmem:s10+$0x14850];
	_ =	sdelay $0x4  }
0x1f8: {  	[tilespmem:s2+$0xA850] =	vst v1  }
0x1f9: {  	v1 =	vld [tilespmem:s10+$0x14860];
	_ =	sdelay $0x4  }
0x1fa: {  	[tilespmem:s2+$0xA860] =	vst v1  }
0x1fb: {  	v1 =	vld [tilespmem:s10+$0x14870];
	_ =	sdelay $0x4  }
0x1fc: {  	[tilespmem:s2+$0xA870] =	vst v1  }
0x1fd: {  	v1 =	vld [tilespmem:s10+$0x14C00];
	_ =	sdelay $0x4  }
0x1fe: {  	[tilespmem:s2+$0xAC00] =	vst v1  }
0x1ff: {  	v1 =	vld [tilespmem:s10+$0x14C10];
	_ =	sdelay $0x4  }
0x200: {  	[tilespmem:s2+$0xAC10] =	vst v1  }
0x201: {  	v1 =	vld [tilespmem:s10+$0x14C20];
	_ =	sdelay $0x4  }
0x202: {  	[tilespmem:s2+$0xAC20] =	vst v1  }
0x203: {  	v1 =	vld [tilespmem:s10+$0x14C30];
	_ =	sdelay $0x4  }
0x204: {  	[tilespmem:s2+$0xAC30] =	vst v1  }
0x205: {  	v1 =	vld [tilespmem:s10+$0x14C40];
	_ =	sdelay $0x4  }
0x206: {  	[tilespmem:s2+$0xAC40] =	vst v1  }
0x207: {  	v1 =	vld [tilespmem:s10+$0x14C50];
	_ =	sdelay $0x4  }
0x208: {  	[tilespmem:s2+$0xAC50] =	vst v1  }
0x209: {  	v1 =	vld [tilespmem:s10+$0x14C60];
	_ =	sdelay $0x4  }
0x20a: {  	[tilespmem:s2+$0xAC60] =	vst v1  }
0x20b: {  	p0 =	sgt.s32 s0, $0x2F;
	v1 =	vld [tilespmem:s10+$0x14C70]  }
.Ltmp8:
0x20c: {  	_ = 	snop;
	(pc) =	sbr.rel @p0 .LBB2_16-.Ltmp8, $2  }
0x20d: {  	_ =	sdelay $0x2  }
0x20e: {  	[tilespmem:s2+$0xAC70] =	vst v1  }
0x20f: {  	s28 =	ssub.s32 $0x30, s0  }
0x210: {  	p1 =	sne.s32 s28, $0x1  }
.Ltmp9:
0x211: {  	_ = 	snop;
	(pc) =	sbr.rel @!p1 .LBB2_12-.Ltmp9, $4  }
0x212: {  	_ = 	snop  }
0x213: {  	s7 =	sadd.s32 $0x20, s0  }
0x214: {  	p0 =	por $0x0, $0x0;
	s2 =	sshll.u32 s7, $0x9;
	s7 =	sshll.u32 s7, $0x7  }
0x215: {  	s10 =	sadd.s32 $0xFFFFFFFF, s28;
	s15 =	sand.u32 $0xFFFFF000, s2;
	s23 =	sand.u32 $0x380, s7  }
0x216: {  	s0 =	sor.u32 s23, s15  }
0x217: {  	[tilespmem:s0+$0xAC70] =	vst v0  }
0x218: {  	[tilespmem:s0+$0xA000] =	vst v0  }
0x219: {  	[tilespmem:s0+$0xA010] =	vst v0  }
0x21a: {  	[tilespmem:s0+$0xA020] =	vst v0  }
0x21b: {  	[tilespmem:s0+$0xA030] =	vst v0  }
0x21c: {  	[tilespmem:s0+$0xA040] =	vst v0  }
0x21d: {  	[tilespmem:s0+$0xA050] =	vst v0  }
0x21e: {  	[tilespmem:s0+$0xA060] =	vst v0  }
0x21f: {  	[tilespmem:s0+$0xA070] =	vst v0  }
0x220: {  	[tilespmem:s0+$0xA400] =	vst v0  }
0x221: {  	[tilespmem:s0+$0xA410] =	vst v0  }
0x222: {  	[tilespmem:s0+$0xA420] =	vst v0  }
0x223: {  	[tilespmem:s0+$0xA430] =	vst v0  }
0x224: {  	[tilespmem:s0+$0xA440] =	vst v0  }
0x225: {  	[tilespmem:s0+$0xA450] =	vst v0  }
0x226: {  	[tilespmem:s0+$0xA460] =	vst v0  }
0x227: {  	[tilespmem:s0+$0xA470] =	vst v0  }
0x228: {  	[tilespmem:s0+$0xA800] =	vst v0  }
0x229: {  	[tilespmem:s0+$0xA810] =	vst v0  }
0x22a: {  	[tilespmem:s0+$0xA820] =	vst v0  }
0x22b: {  	[tilespmem:s0+$0xA830] =	vst v0  }
0x22c: {  	[tilespmem:s0+$0xA840] =	vst v0  }
0x22d: {  	[tilespmem:s0+$0xA850] =	vst v0  }
0x22e: {  	[tilespmem:s0+$0xA860] =	vst v0  }
0x22f: {  	[tilespmem:s0+$0xA870] =	vst v0  }
0x230: {  	p1 =	sne.s32 s10, $0x1;
	[tilespmem:s0+$0xAC00] =	vst v0  }
.Ltmp10:
0x231: {  	[tilespmem:s0+$0xAC10] =	vst v0;
	(pc) =	sbr.rel @!p1 .LBB2_15-.Ltmp10, $4  }
0x232: {  	[tilespmem:s0+$0xAC20] =	vst v0  }
0x233: {  	[tilespmem:s0+$0xAC30] =	vst v0  }
0x234: {  	s2 =	sadd.s32 $0x200, s2;
	s7 =	sadd.s32 $0x80, s7;
	s10 =	sadd.s32 $0xFFFFFFFF, s10;
	[tilespmem:s0+$0xAC40] =	vst v0  }
0x235: {  	p0 =	por $0x1, $0x1;
	s15 =	sand.u32 $0xFFFFF000, s2;
	s23 =	sand.u32 $0x380, s7;
	[tilespmem:s0+$0xAC50] =	vst v0  }
.LBB2_14:
0x236: {  	p1 =	sne.s32 s10, $0x1;
	[tilespmem:s0+$0xAC60] =	vst v0;
	s0 =	sor.u32 s23, s15  }
0x237: {  	[tilespmem:s0+$0xAC70] =	vst v0  }
0x238: {  	[tilespmem:s0+$0xA000] =	vst v0  }
0x239: {  	[tilespmem:s0+$0xA010] =	vst v0  }
0x23a: {  	[tilespmem:s0+$0xA020] =	vst v0  }
0x23b: {  	[tilespmem:s0+$0xA030] =	vst v0  }
0x23c: {  	[tilespmem:s0+$0xA040] =	vst v0  }
0x23d: {  	[tilespmem:s0+$0xA050] =	vst v0  }
0x23e: {  	[tilespmem:s0+$0xA060] =	vst v0  }
0x23f: {  	[tilespmem:s0+$0xA070] =	vst v0  }
0x240: {  	[tilespmem:s0+$0xA400] =	vst v0  }
0x241: {  	[tilespmem:s0+$0xA410] =	vst v0  }
0x242: {  	[tilespmem:s0+$0xA420] =	vst v0  }
0x243: {  	[tilespmem:s0+$0xA430] =	vst v0  }
0x244: {  	[tilespmem:s0+$0xA440] =	vst v0  }
0x245: {  	[tilespmem:s0+$0xA450] =	vst v0  }
0x246: {  	[tilespmem:s0+$0xA460] =	vst v0  }
0x247: {  	[tilespmem:s0+$0xA470] =	vst v0  }
0x248: {  	[tilespmem:s0+$0xA800] =	vst v0  }
0x249: {  	[tilespmem:s0+$0xA810] =	vst v0  }
0x24a: {  	[tilespmem:s0+$0xA820] =	vst v0  }
0x24b: {  	[tilespmem:s0+$0xA830] =	vst v0  }
0x24c: {  	[tilespmem:s0+$0xA840] =	vst v0  }
0x24d: {  	[tilespmem:s0+$0xA850] =	vst v0  }
0x24e: {  	[tilespmem:s0+$0xA860] =	vst v0  }
0x24f: {  	[tilespmem:s0+$0xA870] =	vst v0  }
0x250: {  	[tilespmem:s0+$0xAC00] =	vst v0  }
.Ltmp11:
0x251: {  	[tilespmem:s0+$0xAC10] =	vst v0;
	(pc) =	sbr.rel @p1 .LBB2_14-.Ltmp11, $4  }
0x252: {  	[tilespmem:s0+$0xAC20] =	vst v0  }
0x253: {  	[tilespmem:s0+$0xAC30] =	vst v0  }
0x254: {  	s7 =	sadd.s32 $0x80, s7;
	s2 =	sadd.s32 $0x200, s2;
	[tilespmem:s0+$0xAC40] =	vst v0  }
0x255: {  	s10 =	sadd.s32 $0xFFFFFFFF, s10;
	s15 =	sand.u32 $0xFFFFF000, s2;
	s23 =	sand.u32 $0x380, s7;
	[tilespmem:s0+$0xAC50] =	vst v0  }
.Ltmp12:
0x256: {  	_ = 	snop;
	(pc) =	sbr.rel .LBB2_15-.Ltmp12, $1  }
0x257: {  	_ =	sdelay $0x3  }
.LBB2_18:
0x258: {  	_ =	sfence.sel $0x180000  }
0x259: {  	[bflag:$0x0] =	sbarrier.arrive $0xFFFF  }
0x25a: {  	_ =	strace $0x90000047  }
0x25b: {  	[bflag:$0x2] =	sbarrier.arrive $0xFFFF  }
0x25c: {  	s1 =	sld [smem:$0x7FD];
	_ =	sdelay $0x2  }
0x25d: {  	s0 =	rddreg [dreg:$0x5];
	p0 =	seq.s32 s1, $0x1  }
0x25e: {  	s0 =	sadd.s32 @!p0 $0x100000, s0  }
0x25f: {  	[sflag:s0] =	ssyncadd.tile.s32 @!p0 $0x1;
	_ =	shalt  }
.Lfunc_end2:
_tile_overlayer_lowered:
.L_overlay_start_2:
0x260: {  	(tag) =	ssettag $0x2  }
0x261: {  	s0 =	rddreg [dreg:$0x0];
	s2 =	stileid.u32  }
0x262: {  	s1 =	rddreg [dreg:$0x1];
	p0 =	sne.s32 s2, $0x0  }
0x263: {  	s3 =	rddreg [dreg:$0x2];
	[bflag:$0x3] =	sbarrier.arrive $0xFFFF;
	s2 =	simm.s32 @!p0 $0x1C06  }
0x264: {  	[timem:s3], [sflag:s2] =	dma.local @!p0 [hbm:s0], s1  }
0x265: {  	s0 =	simm.s32 @!p0 $0x6  }
0x266: {  	_ =	swait.ge @!p0 [sflag:s0], s1  }
0x267: {  	s1 =	ssub.s32 @!p0 $0x0, s1;
	[sflag:s0] =	ssyncset.done @!p0 $0x0  }
0x268: {  	[sflag:s0] =	ssyncadd.s32 @!p0 s1  }
0x269: {  	[bflag:$0x3] =	sbarrier.arrive $0xFFFF  }
0x26a: {  	_ =	shalt  }

</sc_bundles>
